<compile_context>
chip_gen: v7x
topology: tpu7x:2x2x1
jax: 0.10.2.dev20260603
libtpu: 0.0.44.dev20260713+nightly
codegen_flags: <defaults>
</compile_context>

<pallas_src>
import functools

import jax
import jax.numpy as jnp
from jax import lax
from jax.experimental import pallas as pl
from jax.experimental.pallas import tpu as pltpu
from jax.experimental.pallas import tpu_sc as plsc

_NC, _NS, _L = 2, 16, 16
_NW = _NC * _NS


def _sc_build_counts(edge_index, n):
    e = edge_index.shape[1]
    rpt = n // _NW
    assert rpt == _L and e % _L == 0 and n % _L == 0
    mesh = plsc.VectorSubcoreMesh(core_axis_name="c", subcore_axis_name="s")

    @functools.partial(
        pl.kernel, mesh=mesh,
        compiler_params=pltpu.CompilerParams(needs_layout_passes=False),
        out_type=jax.ShapeDtypeStruct((_NW, rpt * n), jnp.float32),
        scratch_types=[
            pltpu.VMEM((e,), jnp.int32),
            pltpu.VMEM((e,), jnp.int32),
            pltpu.VMEM((rpt * n,), jnp.float32),
        ],
    )
    def build(edge_hbm, out_hbm, src_v, dst_v, strip_v):
        wid = lax.axis_index("s") * _NC + lax.axis_index("c")
        lo = wid * rpt
        pltpu.sync_copy(edge_hbm.at[0], src_v)
        pltpu.sync_copy(edge_hbm.at[1], dst_v)

        zeros = jnp.zeros((_L,), jnp.float32)

        @plsc.parallel_loop(0, rpt * n // _L, unroll=8)
        def zchunk(k):
            strip_v[pl.ds(k * _L, _L)] = zeros

        ones = jnp.ones((_L,), jnp.float32)

        @plsc.parallel_loop(0, e // _L, unroll=8)
        def chunk(j):
            s = src_v[pl.ds(j * _L, _L)]
            d = dst_v[pl.ds(j * _L, _L)]
            r = d - lo
            m = (r >= 0) & (r < rpt)
            rc = jnp.clip(r, 0, rpt - 1)
            plsc.addupdate_scatter(strip_v, [rc * n + s], ones, mask=m)

        ri = lax.broadcasted_iota(jnp.int32, (_L,), 0)
        plsc.addupdate_scatter(strip_v, [ri * n + lo + ri], ones)

        pltpu.sync_copy(strip_v, out_hbm.at[wid])

    return build(edge_index).reshape(n, n)


_SQRT_2PI = 2.5066282746310002


def _log_sigmoid(x):
    return jnp.minimum(x, 0.0) - jnp.log1p(jnp.exp(-jnp.abs(x)))


def _tc_body(x1_ref, x2_ref, cnt_ref, w1_ref, b1_ref, w2_ref, b2_ref,
             out_ref, loss_ref, ahat_ref):
    b = pl.program_id(0)
    n = ahat_ref.shape[0]

    @pl.when(b == 0)
    def _init():
        cnt = cnt_ref[...]
        deg = jnp.sum(cnt, axis=1)
        dinv = lax.rsqrt(jnp.maximum(deg, 1.0))
        ahat_ref[...] = cnt * dinv[:, None] * dinv[None, :]
        out_ref[0] = 0.0
        out_ref[1] = 0.0
        out_ref[2] = 0.0

    A = ahat_ref[...]
    W1 = w1_ref[...]
    W2 = w2_ref[...]
    b1 = b1_ref[...]
    b2 = b2_ref[...]

    def enc(x):
        xw = jnp.dot(x, W1, preferred_element_type=jnp.float32)
        h = jnp.maximum(jnp.dot(A, xw, preferred_element_type=jnp.float32) + b1, 0.0)
        hw = jnp.dot(h, W2, preferred_element_type=jnp.float32)
        return jnp.maximum(jnp.dot(A, hw, preferred_element_type=jnp.float32) + b2, 0.0)

    ln2 = jnp.float32(0.6931471805599453)
    nn = jnp.float32(n)

    p1 = jnp.float32(0.0)
    p2 = jnp.float32(0.0)
    p3 = jnp.float32(0.0)
    for i in range(x1_ref.shape[0]):
        H1 = enc(x1_ref[i])
        H2 = enc(x2_ref[i])

        S = lax.dot_general(H1, H2, (((1,), (1,)), ((), ())),
                            preferred_element_type=jnp.float32)
        h1sum = jnp.sum(H1, axis=0)
        colsum = jnp.sum(H2 * h1sum, axis=1)
        p1 += jnp.sum(colsum / jnp.clip(colsum, 1e-6, None))

        Mu = h1sum / nn
        Su = jnp.sqrt(jnp.sum((H1 - Mu) ** 2, axis=0) / (nn - 1.0)) + 1e-12
        Mv = jnp.sum(H2, axis=0) / nn
        Sv = jnp.sqrt(jnp.sum((H2 - Mv) ** 2, axis=0) / (nn - 1.0)) + 1e-12

        def npdf(loc, scale):
            z = (H2 - loc) * (1.0 / scale)
            return jnp.exp(-0.5 * z * z) * (1.0 / (scale * _SQRT_2PI))

        pu = npdf(Mu, Su)
        pv = npdf(Mv, Sv)
        pmat = pu / (pu + pv + 2e-12)
        hardf = (jnp.sum(pmat, axis=1) * (1.0 / pmat.shape[1]) > 0.6
                 ).astype(jnp.float32)
        nhard = jnp.sum(hardf)

        dvec = jnp.sum(H1 * H2, axis=1)
        p2 += jnp.sum(_log_sigmoid(dvec)) - jnp.float32(n * n - n) * ln2
        lsn = _log_sigmoid(-S)
        rowsum = jnp.sum(lsn, axis=1)
        lsdn = _log_sigmoid(-dvec)
        p3 += (jnp.sum(rowsum)
               - jnp.sum(hardf * rowsum)
               - jnp.sum(lsdn)
               + jnp.sum(hardf * lsdn)
               - (nn + (nn - 1.0) * nhard) * ln2)

    out_ref[0] += p1
    out_ref[1] += p2
    out_ref[2] += p3

    @pl.when(b == pl.num_programs(0) - 1)
    def _fin():
        nb = jnp.float32(pl.num_programs(0) * x1_ref.shape[0])
        total = nb * nn * nn
        node_loss = -jnp.log(jnp.clip(out_ref[0] / total, 1e-6, None))
        pos_loss = out_ref[1] / total
        neg_loss = out_ref[2] / (nb * nn)
        loss_ref[0] = node_loss + 0.1 * (-(0.5 * pos_loss + 0.5 * neg_loss))


def kernel(x1, x2, edge_index, A1, A2, W1, b1, W2, b2):
    del A1, A2
    bsz, n, f = x1.shape
    h_mid = W1.shape[1]
    h_out = W2.shape[1]

    cnt = _sc_build_counts(edge_index, n)

    bpb = 8
    _, loss = pl.pallas_call(
        _tc_body,
        grid=(bsz // bpb,),
        in_specs=[
            pl.BlockSpec((bpb, n, f), lambda b: (b, 0, 0)),
            pl.BlockSpec((bpb, n, f), lambda b: (b, 0, 0)),
            pl.BlockSpec((n, n), lambda b: (0, 0)),
            pl.BlockSpec((f, h_mid), lambda b: (0, 0)),
            pl.BlockSpec((1, h_mid), lambda b: (0, 0)),
            pl.BlockSpec((h_mid, h_out), lambda b: (0, 0)),
            pl.BlockSpec((1, h_out), lambda b: (0, 0)),
        ],
        out_specs=[pl.BlockSpec(memory_space=pltpu.SMEM),
                   pl.BlockSpec(memory_space=pltpu.SMEM)],
        out_shape=[jax.ShapeDtypeStruct((3,), jnp.float32),
                   jax.ShapeDtypeStruct((1,), jnp.float32)],
        scratch_shapes=[pltpu.VMEM((n, n), jnp.float32)],
    )(x1, x2, cnt, W1, b1.reshape(1, h_mid), W2, b2.reshape(1, h_out))

    return loss.reshape(())

# --- scband reference (transcript-rebuilt; emitter-appended) ---
"""Pipeline reference for scband-con-gm-22308060135687 (READ-ONLY COPY).

The authoritative reference and input builder live on the scoring server;
editing this copy changes nothing except your own understanding.
"""

import jax, jax.numpy as jnp
import numpy as np

B, N, F_IN, H_MID, H_OUT, E = 64, 512, 256, 256, 128, 8192


def setup_inputs(seed: int = 0) -> dict:
    key = jax.random.key(seed)
    ks = jax.random.split(key, 9)
    x1 = jax.random.normal(ks[0], (B, N, F_IN), dtype=jnp.float32)
    x2 = jax.random.normal(ks[1], (B, N, F_IN), dtype=jnp.float32)
    edge_index = jax.random.randint(ks[2], (2, E), 0, N, dtype=jnp.int32)
    A1 = jax.random.uniform(ks[3], (N, N), dtype=jnp.float32)
    A2 = jax.random.uniform(ks[4], (N, N), dtype=jnp.float32)
    W1 = jax.random.normal(ks[5], (F_IN, H_MID), dtype=jnp.float32) * np.sqrt(2.0 / (F_IN + H_MID))
    b1 = jnp.zeros((H_MID,), dtype=jnp.float32)
    W2 = jax.random.normal(ks[6], (H_MID, H_OUT), dtype=jnp.float32) * np.sqrt(2.0 / (H_MID + H_OUT))
    b2 = jnp.zeros((H_OUT,), dtype=jnp.float32)
    return {"x1": x1, "x2": x2, "edge_index": edge_index, "A1": A1, "A2": A2, "W1": W1, "b1": b1, "W2": W2, "b2": b2}


def _gcn_conv(x, W, b, src, dst, n):
    # GCNConv with self-loops and symmetric normalization
    xw = jnp.einsum("bnf,fo->bno", x, W)
    loop = jnp.arange(n, dtype=src.dtype)
    s = jnp.concatenate([src, loop])
    d = jnp.concatenate([dst, loop])
    deg = jnp.zeros((n,), dtype=xw.dtype).at[d].add(1.0)
    dinv = jax.lax.rsqrt(jnp.clip(deg, 1.0, None))
    nrm = dinv[s] * dinv[d]
    msgs = xw[:, s, :] * nrm[None, :, None]
    out = jnp.zeros_like(xw).at[:, d, :].add(msgs)
    return out + b


def _encoder(x, edge_index, W1, b1, W2, b2):
    src, dst = edge_index[0], edge_index[1]
    h = jax.nn.relu(_gcn_conv(x, W1, b1, src, dst, N))
    h = jax.nn.relu(_gcn_conv(h, W2, b2, src, dst, N))
    return h


def _norm_pdf(x, loc, scale):
    z = (x - loc[:, None, :]) / scale[:, None, :]
    return jnp.exp(-0.5 * z * z) / (scale[:, None, :] * jnp.sqrt(2.0 * jnp.pi))


def _forward(x1, x2, A1, A2, W1, b1, W2, b2, edge_index, beta=0.1):
    H1 = _encoder(x1, edge_index, W1, b1, W2, b2)
    H2 = _encoder(x2, edge_index, W1, b1, W2, b2)
    # node-level contrastive term
    node_sim = jnp.einsum("bnd,bmd->bnm", H1, H2)
    denom = jnp.clip(jnp.sum(node_sim, axis=1, keepdims=True), 1e-6, None)
    node_loss = -jnp.log(jnp.clip(jnp.mean(node_sim / denom), 1e-6, None))
    # bi-level hard negative selection (non-differentiable boolean mask)
    Hu = jax.lax.stop_gradient(H1)
    Hv = jax.lax.stop_gradient(H2)
    Mu, Su = jnp.mean(Hu, axis=1), jnp.std(Hu, axis=1, ddof=1) + 1e-12
    Mv, Sv = jnp.mean(Hv, axis=1), jnp.std(Hv, axis=1, ddof=1) + 1e-12
    alpha = 0.5
    pu = _norm_pdf(Hv, Mu, Su)
    pv = _norm_pdf(Hv, Mv, Sv)
    P = alpha * pu / (alpha * pu + (1.0 - alpha) * pv + 1e-12)
    hard = jnp.mean(P, axis=-1) > 0.6  # [B, N]
    # edge contrastive loss
    sim = jnp.einsum("bnd,bmd->bnm", H1, H2)
    I = jnp.eye(N, dtype=sim.dtype)
    pos = sim * I
    neg = sim * (1.0 - I)
    neg = neg * (1.0 - hard[:, :, None].astype(sim.dtype))
    pos_loss = jnp.mean(jax.nn.log_sigmoid(pos))
    neg_loss = jnp.mean(jnp.sum(jax.nn.log_sigmoid(-neg), axis=2))
    edge_loss = -(0.5 * pos_loss + 0.5 * neg_loss)
    return node_loss + beta * edge_loss


def reference(x1, x2, edge_index, A1, A2, W1, b1, W2, b2):
    return _forward(x1, x2, A1, A2, W1, b1, W2, b2, edge_index)

if __name__ == "__main__":
    import jax
    _d = setup_inputs()
    print(jax.jit(kernel)(*tuple(_d.values())))

</pallas_src>

<mosaic_0001>
#map = affine_map<(d0, d1) -> (0, 0)>
module attributes {stable_mosaic.version = 14 : i64} {
  func.func @build(%arg0: i32, %arg1: i32, %arg2: memref<2x8192xi32, #tpu.memory_space<hbm>>, %arg3: memref<32x8192xf32, #tpu.memory_space<hbm>>, %arg4: memref<8192xi32, #tpu.memory_space<vmem>>, %arg5: memref<8192xi32, #tpu.memory_space<vmem>>, %arg6: memref<8192xf32, #tpu.memory_space<vmem>>) attributes {dimension_semantics = [#tpu.dimension_semantics<core_parallel>, #tpu.dimension_semantics<subcore_parallel>], iteration_bounds = array<i64: 2, 16>, scalar_prefetch = 0 : i64, scratch_operands = 3 : i64, tpu.core_type = #tpu.core_type<sc_vector_subcore>, window_params = [{transform_indices = #map}, {transform_indices = #map}]} {
    %mul3A = arith.constant 2 : i32
    %mul3A_0 = arith.muli %arg1, %mul3A : i32
    %add3A = arith.addi %mul3A_0, %arg0 : i32
    %mul3A_1 = arith.constant 16 : i32
    %mul3A_2 = arith.muli %add3A, %mul3A_1 : i32
    %run_scoped3A = arith.constant 0 : i32
    "tpu.region"() ({
      %run_scoped3A_18 = tpu.sem_alloc : memref<!tpu.dma_semaphore, #tpu.memory_space<semaphore_mem>>
      %dma_start3A = arith.constant 0 : i32
      %dma_start3A_19 = tpu.memref_slice %arg2[%run_scoped3A, %dma_start3A] : memref<2x8192xi32, #tpu.memory_space<hbm>> -> memref<1x8192xi32, #tpu.memory_space<hbm>>
      %dma_start3A_20 = tpu.memref_squeeze %dma_start3A_19 : memref<1x8192xi32, #tpu.memory_space<hbm>> -> memref<8192xi32, #tpu.memory_space<hbm>>
      %dma_start3A_21 = arith.constant 0 : i32
      %dma_start3A_22 = tpu.memref_slice %arg2[%run_scoped3A, %dma_start3A_21] : memref<2x8192xi32, #tpu.memory_space<hbm>> -> memref<1x8192xi32, #tpu.memory_space<hbm>>
      %dma_start3A_23 = tpu.memref_squeeze %dma_start3A_22 : memref<1x8192xi32, #tpu.memory_space<hbm>> -> memref<8192xi32, #tpu.memory_space<hbm>>
      tpu.enqueue_dma source(%dma_start3A_23 : memref<8192xi32, #tpu.memory_space<hbm>>) target(%arg4 : memref<8192xi32, #tpu.memory_space<vmem>>) target_semaphore(%run_scoped3A_18 : memref<!tpu.dma_semaphore, #tpu.memory_space<semaphore_mem>>)
      %dma_wait3A = arith.constant 0 : i32
      %dma_wait3A_24 = tpu.memref_slice %arg2[%run_scoped3A, %dma_wait3A] : memref<2x8192xi32, #tpu.memory_space<hbm>> -> memref<1x8192xi32, #tpu.memory_space<hbm>>
      %dma_wait3A_25 = tpu.memref_squeeze %dma_wait3A_24 : memref<1x8192xi32, #tpu.memory_space<hbm>> -> memref<8192xi32, #tpu.memory_space<hbm>>
      %dma_wait3A_26 = arith.constant 0 : i32
      %dma_wait3A_27 = tpu.memref_slice %arg2[%run_scoped3A, %dma_wait3A_26] : memref<2x8192xi32, #tpu.memory_space<hbm>> -> memref<1x8192xi32, #tpu.memory_space<hbm>>
      %dma_wait3A_28 = tpu.memref_squeeze %dma_wait3A_27 : memref<1x8192xi32, #tpu.memory_space<hbm>> -> memref<8192xi32, #tpu.memory_space<hbm>>
      tpu.wait_dma2 semaphore(%run_scoped3A_18 : memref<!tpu.dma_semaphore, #tpu.memory_space<semaphore_mem>>) src(%dma_wait3A_28 : memref<8192xi32, #tpu.memory_space<hbm>>) dst(%arg4 : memref<8192xi32, #tpu.memory_space<vmem>>)
      tpu.yield
    }) : () -> ()
    %run_scoped3A_3 = arith.constant 1 : i32
    "tpu.region"() ({
      %run_scoped3A_18 = tpu.sem_alloc : memref<!tpu.dma_semaphore, #tpu.memory_space<semaphore_mem>>
      %dma_start3A = arith.constant 0 : i32
      %dma_start3A_19 = tpu.memref_slice %arg2[%run_scoped3A_3, %dma_start3A] : memref<2x8192xi32, #tpu.memory_space<hbm>> -> memref<1x8192xi32, #tpu.memory_space<hbm>>
      %dma_start3A_20 = tpu.memref_squeeze %dma_start3A_19 : memref<1x8192xi32, #tpu.memory_space<hbm>> -> memref<8192xi32, #tpu.memory_space<hbm>>
      %dma_start3A_21 = arith.constant 0 : i32
      %dma_start3A_22 = tpu.memref_slice %arg2[%run_scoped3A_3, %dma_start3A_21] : memref<2x8192xi32, #tpu.memory_space<hbm>> -> memref<1x8192xi32, #tpu.memory_space<hbm>>
      %dma_start3A_23 = tpu.memref_squeeze %dma_start3A_22 : memref<1x8192xi32, #tpu.memory_space<hbm>> -> memref<8192xi32, #tpu.memory_space<hbm>>
      tpu.enqueue_dma source(%dma_start3A_23 : memref<8192xi32, #tpu.memory_space<hbm>>) target(%arg5 : memref<8192xi32, #tpu.memory_space<vmem>>) target_semaphore(%run_scoped3A_18 : memref<!tpu.dma_semaphore, #tpu.memory_space<semaphore_mem>>)
      %dma_wait3A = arith.constant 0 : i32
      %dma_wait3A_24 = tpu.memref_slice %arg2[%run_scoped3A_3, %dma_wait3A] : memref<2x8192xi32, #tpu.memory_space<hbm>> -> memref<1x8192xi32, #tpu.memory_space<hbm>>
      %dma_wait3A_25 = tpu.memref_squeeze %dma_wait3A_24 : memref<1x8192xi32, #tpu.memory_space<hbm>> -> memref<8192xi32, #tpu.memory_space<hbm>>
      %dma_wait3A_26 = arith.constant 0 : i32
      %dma_wait3A_27 = tpu.memref_slice %arg2[%run_scoped3A_3, %dma_wait3A_26] : memref<2x8192xi32, #tpu.memory_space<hbm>> -> memref<1x8192xi32, #tpu.memory_space<hbm>>
      %dma_wait3A_28 = tpu.memref_squeeze %dma_wait3A_27 : memref<1x8192xi32, #tpu.memory_space<hbm>> -> memref<8192xi32, #tpu.memory_space<hbm>>
      tpu.wait_dma2 semaphore(%run_scoped3A_18 : memref<!tpu.dma_semaphore, #tpu.memory_space<semaphore_mem>>) src(%dma_wait3A_28 : memref<8192xi32, #tpu.memory_space<hbm>>) dst(%arg5 : memref<8192xi32, #tpu.memory_space<vmem>>)
      tpu.yield
    }) : () -> ()
    %broadcast_in_dim3A = arith.constant 0.000000e+00 : f32
    %broadcast_in_dim3A_4 = vector.broadcast %broadcast_in_dim3A : f32 to vector<16xf32>
    %parallel_loop3A = arith.constant 0 : i32
    %parallel_loop3A_5 = arith.constant 512 : i32
    %parallel_loop3A_6 = arith.constant 1 : i32
    scf.for %parallel_loop3A_18 = %parallel_loop3A to %parallel_loop3A_5 step %parallel_loop3A_6  : i32 {
      %parallel_loop3A_19 = arith.constant 16 : i32
      %parallel_loop3A_20 = arith.muli %parallel_loop3A_18, %parallel_loop3A_19 : i32
      %parallel_loop3A_21 = arith.index_cast %parallel_loop3A_20 : i32 to index
      %parallel_loop3A_22 = tpu.vector_load %arg6[%parallel_loop3A_21] {strides = array<i32>} : memref<8192xf32, #tpu.memory_space<vmem>>, vector<16xf32>,
      tpu.vector_store %arg6[%parallel_loop3A_21], %broadcast_in_dim3A_4 {strides = array<i32>} : memref<8192xf32, #tpu.memory_space<vmem>>, vector<16xf32>,
    } {sc.loop_unroll_factor = 8 : i64, sc.parallel_access}
    %broadcast_in_dim3A_7 = arith.constant 1.000000e+00 : f32
    %broadcast_in_dim3A_8 = vector.broadcast %broadcast_in_dim3A_7 : f32 to vector<16xf32>
    %parallel_loop3A_9 = arith.constant 0 : i32
    %parallel_loop3A_10 = arith.constant 512 : i32
    %parallel_loop3A_11 = arith.constant 1 : i32
    scf.for %parallel_loop3A_18 = %parallel_loop3A_9 to %parallel_loop3A_10 step %parallel_loop3A_11  : i32 {
      %parallel_loop3A_19 = arith.constant 16 : i32
      %parallel_loop3A_20 = arith.muli %parallel_loop3A_18, %parallel_loop3A_19 : i32
      %parallel_loop3A_21 = arith.index_cast %parallel_loop3A_20 : i32 to index
      %parallel_loop3A_22 = tpu.vector_load %arg4[%parallel_loop3A_21] {strides = array<i32>} : memref<8192xi32, #tpu.memory_space<vmem>>, vector<16xi32>,
      %parallel_loop3A_23 = arith.constant 16 : i32
      %parallel_loop3A_24 = arith.muli %parallel_loop3A_18, %parallel_loop3A_23 : i32
      %parallel_loop3A_25 = arith.index_cast %parallel_loop3A_24 : i32 to index
      %parallel_loop3A_26 = tpu.vector_load %arg5[%parallel_loop3A_25] {strides = array<i32>} : memref<8192xi32, #tpu.memory_space<vmem>>, vector<16xi32>,
      %parallel_loop3A_27 = vector.broadcast %mul3A_2 : i32 to vector<16xi32>
      %parallel_loop3A_28 = arith.subi %parallel_loop3A_26, %parallel_loop3A_27 : vector<16xi32>
      %parallel_loop3A_29 = arith.constant 0 : i32
      %parallel_loop3A_30 = vector.broadcast %parallel_loop3A_29 : i32 to vector<16xi32>
      %parallel_loop3A_31 = arith.cmpi sge, %parallel_loop3A_28, %parallel_loop3A_30 : vector<16xi32>
      %parallel_loop3A_32 = arith.constant 16 : i32
      %parallel_loop3A_33 = vector.broadcast %parallel_loop3A_32 : i32 to vector<16xi32>
      %parallel_loop3A_34 = arith.cmpi slt, %parallel_loop3A_28, %parallel_loop3A_33 : vector<16xi32>
      %parallel_loop3A_35 = arith.andi %parallel_loop3A_31, %parallel_loop3A_34 : vector<16xi1>
      %parallel_loop3A_36 = arith.constant 0 : i32
      %parallel_loop3A_37 = arith.constant 15 : i32
      %parallel_loop3A_38 = vector.broadcast %parallel_loop3A_36 : i32 to vector<16xi32>
      %parallel_loop3A_39 = arith.maxsi %parallel_loop3A_38, %parallel_loop3A_28 : vector<16xi32>
      %parallel_loop3A_40 = vector.broadcast %parallel_loop3A_37 : i32 to vector<16xi32>
      %parallel_loop3A_41 = arith.minsi %parallel_loop3A_40, %parallel_loop3A_39 : vector<16xi32>
      %parallel_loop3A_42 = arith.constant 512 : i32
      %parallel_loop3A_43 = vector.broadcast %parallel_loop3A_42 : i32 to vector<16xi32>
      %parallel_loop3A_44 = arith.muli %parallel_loop3A_41, %parallel_loop3A_43 : vector<16xi32>
      %parallel_loop3A_45 = arith.addi %parallel_loop3A_44, %parallel_loop3A_22 : vector<16xi32>
      tpu.vector_store_idx %arg6[%parallel_loop3A_45], %broadcast_in_dim3A_8 masked %parallel_loop3A_35 {add = true} : memref<8192xf32, #tpu.memory_space<vmem>>[vector<16xi32>], vector<16xf32>, vector<16xi1>
    } {sc.loop_unroll_factor = 8 : i64, sc.parallel_access}
    %iota3A = tpu.iota {dimensions = array<i32: 0>} : vector<16xi32>
    %mul3A_12 = arith.constant 512 : i32
    %mul3A_13 = vector.broadcast %mul3A_12 : i32 to vector<16xi32>
    %mul3A_14 = arith.muli %iota3A, %mul3A_13 : vector<16xi32>
    %add3A_15 = vector.broadcast %mul3A_2 : i32 to vector<16xi32>
    %add3A_16 = arith.addi %mul3A_14, %add3A_15 : vector<16xi32>
    %add3A_17 = arith.addi %add3A_16, %iota3A : vector<16xi32>
    tpu.vector_store_idx %arg6[%add3A_17], %broadcast_in_dim3A_8 {add = true} : memref<8192xf32, #tpu.memory_space<vmem>>[vector<16xi32>], vector<16xf32>,
    "tpu.region"() ({
      %run_scoped3A_18 = tpu.sem_alloc : memref<!tpu.dma_semaphore, #tpu.memory_space<semaphore_mem>>
      %dma_start3A = arith.constant 0 : i32
      %dma_start3A_19 = tpu.memref_slice %arg3[%add3A, %dma_start3A] : memref<32x8192xf32, #tpu.memory_space<hbm>> -> memref<1x8192xf32, #tpu.memory_space<hbm>>
      %dma_start3A_20 = tpu.memref_squeeze %dma_start3A_19 : memref<1x8192xf32, #tpu.memory_space<hbm>> -> memref<8192xf32, #tpu.memory_space<hbm>>
      %dma_start3A_21 = arith.constant 0 : i32
      %dma_start3A_22 = tpu.memref_slice %arg3[%add3A, %dma_start3A_21] : memref<32x8192xf32, #tpu.memory_space<hbm>> -> memref<1x8192xf32, #tpu.memory_space<hbm>>
      %dma_start3A_23 = tpu.memref_squeeze %dma_start3A_22 : memref<1x8192xf32, #tpu.memory_space<hbm>> -> memref<8192xf32, #tpu.memory_space<hbm>>
      tpu.enqueue_dma source(%arg6 : memref<8192xf32, #tpu.memory_space<vmem>>) target(%dma_start3A_23 : memref<8192xf32, #tpu.memory_space<hbm>>) target_semaphore(%run_scoped3A_18 : memref<!tpu.dma_semaphore, #tpu.memory_space<semaphore_mem>>)
      %dma_wait3A = arith.constant 0 : i32
      %dma_wait3A_24 = tpu.memref_slice %arg3[%add3A, %dma_wait3A] : memref<32x8192xf32, #tpu.memory_space<hbm>> -> memref<1x8192xf32, #tpu.memory_space<hbm>>
      %dma_wait3A_25 = tpu.memref_squeeze %dma_wait3A_24 : memref<1x8192xf32, #tpu.memory_space<hbm>> -> memref<8192xf32, #tpu.memory_space<hbm>>
      %dma_wait3A_26 = arith.constant 0 : i32
      %dma_wait3A_27 = tpu.memref_slice %arg3[%add3A, %dma_wait3A_26] : memref<32x8192xf32, #tpu.memory_space<hbm>> -> memref<1x8192xf32, #tpu.memory_space<hbm>>
      %dma_wait3A_28 = tpu.memref_squeeze %dma_wait3A_27 : memref<1x8192xf32, #tpu.memory_space<hbm>> -> memref<8192xf32, #tpu.memory_space<hbm>>
      tpu.wait_dma2 semaphore(%run_scoped3A_18 : memref<!tpu.dma_semaphore, #tpu.memory_space<semaphore_mem>>) src(%arg6 : memref<8192xf32, #tpu.memory_space<vmem>>) dst(%dma_wait3A_28 : memref<8192xf32, #tpu.memory_space<hbm>>)
      tpu.yield
    }) : () -> ()
    return
  }
}

module attributes {stable_mosaic.version = 14 : i64} {
  func.func @_tc_body(%arg0: i32, %arg1: memref<8x512x256xf32, #tpu.memory_space<vmem>>, %arg2: memref<8x512x256xf32, #tpu.memory_space<vmem>>, %arg3: memref<512x512xf32, #tpu.memory_space<vmem>>, %arg4: memref<256x256xf32, #tpu.memory_space<vmem>>, %arg5: memref<1x256xf32, #tpu.memory_space<vmem>>, %arg6: memref<256x128xf32, #tpu.memory_space<vmem>>, %arg7: memref<1x128xf32, #tpu.memory_space<vmem>>, %arg8: memref<3xf32, #tpu.memory_space<smem>>, %arg9: memref<1xf32, #tpu.memory_space<smem>>, %arg10: memref<512x512xf32, #tpu.memory_space<vmem>>) attributes {dimension_semantics = [#tpu.dimension_semantics<arbitrary>], iteration_bounds = array<i64: 8>, scalar_prefetch = 0 : i64, scratch_operands = 1 : i64, tpu.core_type = #tpu.core_type<tc>, window_params = [{transform_indices = @transform_0, window_bounds = array<i64: 8, 512, 256>}, {transform_indices = @transform_1, window_bounds = array<i64: 8, 512, 256>}, {pipeline_mode = #tpu.pipeline_mode<synchronous>, transform_indices = @transform_2, window_bounds = array<i64: 512, 512>}, {pipeline_mode = #tpu.pipeline_mode<synchronous>, transform_indices = @transform_3, window_bounds = array<i64: 256, 256>}, {pipeline_mode = #tpu.pipeline_mode<synchronous>, transform_indices = @transform_4, window_bounds = array<i64: 1, 256>}, {pipeline_mode = #tpu.pipeline_mode<synchronous>, transform_indices = @transform_5, window_bounds = array<i64: 256, 128>}, {pipeline_mode = #tpu.pipeline_mode<synchronous>, transform_indices = @transform_6, window_bounds = array<i64: 1, 128>}, {transform_indices = @transform_7, window_bounds = array<i64: 3>}, {transform_indices = @transform_8, window_bounds = array<i64: 1>}]} {
    %eq3A = arith.constant 0 : i32
    %eq3A_0 = arith.cmpi eq, %arg0, %eq3A : i32
    %convert_element_type3A = arith.extui %eq3A_0 : i1 to i32
    %cond3A = arith.constant 0 : i32
    %cond3A_1 = arith.cmpi ne, %convert_element_type3A, %cond3A : i32
    scf.if %cond3A_1 {
      %get3A_2062 = arith.constant 0 : index
      %get3A_2063 = arith.constant 0 : index
      %get3A_2064 = vector.load %arg3[%get3A_2062, %get3A_2063] : memref<512x512xf32, #tpu.memory_space<vmem>>, vector<512x512xf32>
      %reduce_sum3A_2065 = arith.constant dense<0.000000e+00> : vector<512xf32>
      %reduce_sum3A_2066 = vector.multi_reduction <add>, %get3A_2064, %reduce_sum3A_2065 [1] : vector<512x512xf32> to vector<512xf32>
      %max3A_2067 = arith.constant 1.000000e+00 : f32
      %max3A_2068 = vector.broadcast %max3A_2067 : f32 to vector<512xf32>
      %max3A_2069 = arith.maximumf %reduce_sum3A_2066, %max3A_2068 : vector<512xf32>
      %rsqrt3A = math.rsqrt %max3A_2069 : vector<512xf32>
      %broadcast_in_dim3A_2070 = vector.shape_cast %rsqrt3A : vector<512xf32> to vector<512x1xf32>
      %mul3A_2071 = vector.broadcast %broadcast_in_dim3A_2070 : vector<512x1xf32> to vector<512x512xf32>
      %mul3A_2072 = arith.mulf %get3A_2064, %mul3A_2071 : vector<512x512xf32>
      %broadcast_in_dim3A_2073 = vector.shape_cast %rsqrt3A : vector<512xf32> to vector<1x512xf32>
      %mul3A_2074 = vector.broadcast %broadcast_in_dim3A_2073 : vector<1x512xf32> to vector<512x512xf32>
      %mul3A_2075 = arith.mulf %mul3A_2072, %mul3A_2074 : vector<512x512xf32>
      %swap3A_2076 = arith.constant 0 : index
      %swap3A_2077 = arith.constant 0 : index
      %swap3A_2078 = vector.load %arg10[%swap3A_2076, %swap3A_2077] : memref<512x512xf32, #tpu.memory_space<vmem>>, vector<512x512xf32>
      tpu.vector_store %arg10[%swap3A_2076, %swap3A_2077], %mul3A_2075 {strides = array<i32>} : memref<512x512xf32, #tpu.memory_space<vmem>>, vector<512x512xf32>,
      %swap3A_2079 = arith.constant 0.000000e+00 : f32
      %swap3A_2080 = arith.constant 0 : index
      %swap3A_2081 = memref.load %arg8[%swap3A_2080] : memref<3xf32, #tpu.memory_space<smem>>
      memref.store %swap3A_2079, %arg8[%swap3A_2080] : memref<3xf32, #tpu.memory_space<smem>>
      %swap3A_2082 = arith.constant 0.000000e+00 : f32
      %swap3A_2083 = arith.constant 1 : index
      %swap3A_2084 = memref.load %arg8[%swap3A_2083] : memref<3xf32, #tpu.memory_space<smem>>
      memref.store %swap3A_2082, %arg8[%swap3A_2083] : memref<3xf32, #tpu.memory_space<smem>>
      %swap3A_2085 = arith.constant 0.000000e+00 : f32
      %swap3A_2086 = arith.constant 2 : index
      %swap3A_2087 = memref.load %arg8[%swap3A_2086] : memref<3xf32, #tpu.memory_space<smem>>
      memref.store %swap3A_2085, %arg8[%swap3A_2086] : memref<3xf32, #tpu.memory_space<smem>>
    } else {
    }
    %get3A = arith.constant 0 : index
    %get3A_2 = arith.constant 0 : index
    %get3A_3 = vector.load %arg10[%get3A, %get3A_2] : memref<512x512xf32, #tpu.memory_space<vmem>>, vector<512x512xf32>
    %get3A_4 = arith.constant 0 : index
    %get3A_5 = arith.constant 0 : index
    %get3A_6 = vector.load %arg4[%get3A_4, %get3A_5] : memref<256x256xf32, #tpu.memory_space<vmem>>, vector<256x256xf32>
    %get3A_7 = arith.constant 0 : index
    %get3A_8 = arith.constant 0 : index
    %get3A_9 = vector.load %arg6[%get3A_7, %get3A_8] : memref<256x128xf32, #tpu.memory_space<vmem>>, vector<256x128xf32>
    %get3A_10 = arith.constant 0 : index
    %get3A_11 = arith.constant 0 : index
    %get3A_12 = vector.load %arg5[%get3A_10, %get3A_11] : memref<1x256xf32, #tpu.memory_space<vmem>>, vector<1x256xf32>
    %get3A_13 = arith.constant 0 : index
    %get3A_14 = arith.constant 0 : index
    %get3A_15 = vector.load %arg7[%get3A_13, %get3A_14] : memref<1x128xf32, #tpu.memory_space<vmem>>, vector<1x128xf32>
    %get3A_16 = arith.constant 0 : index
    %get3A_17 = arith.constant 0 : index
    %get3A_18 = arith.constant 0 : index
    %get3A_19 = vector.load %arg1[%get3A_16, %get3A_17, %get3A_18] : memref<8x512x256xf32, #tpu.memory_space<vmem>>, vector<1x512x256xf32>
    %get3A_20 = vector.shape_cast %get3A_19 : vector<1x512x256xf32> to vector<512x256xf32>
    %dot_general3A = arith.constant dense<0.000000e+00> : vector<512x256xf32>
    %dot_general3A_21 = tpu.matmul %get3A_20, %get3A_6, %dot_general3A {dimension_numbers = #tpu.dot_dimension_numbers<[1], [0], [0], [1], [0, 0, 1, 1], [], []>, transpose_lhs_hint = false} : vector<512x256xf32>, vector<256x256xf32>, vector<512x256xf32> -> vector<512x256xf32>
    %dot_general3A_22 = arith.constant dense<0.000000e+00> : vector<512x256xf32>
    %dot_general3A_23 = tpu.matmul %get3A_3, %dot_general3A_21, %dot_general3A_22 {dimension_numbers = #tpu.dot_dimension_numbers<[1], [0], [0], [1], [0, 0, 1, 1], [], []>, transpose_lhs_hint = false} : vector<512x512xf32>, vector<512x256xf32>, vector<512x256xf32> -> vector<512x256xf32>
    %add3A = vector.broadcast %get3A_12 : vector<1x256xf32> to vector<512x256xf32>
    %add3A_24 = arith.addf %dot_general3A_23, %add3A : vector<512x256xf32>
    %max3A = arith.constant 0.000000e+00 : f32
    %max3A_25 = vector.broadcast %max3A : f32 to vector<512x256xf32>
    %max3A_26 = arith.maximumf %add3A_24, %max3A_25 : vector<512x256xf32>
    %dot_general3A_27 = arith.constant dense<0.000000e+00> : vector<512x128xf32>
    %dot_general3A_28 = tpu.matmul %max3A_26, %get3A_9, %dot_general3A_27 {dimension_numbers = #tpu.dot_dimension_numbers<[1], [0], [0], [1], [0, 0, 1, 1], [], []>, transpose_lhs_hint = false} : vector<512x256xf32>, vector<256x128xf32>, vector<512x128xf32> -> vector<512x128xf32>
    %dot_general3A_29 = arith.constant dense<0.000000e+00> : vector<512x128xf32>
    %dot_general3A_30 = tpu.matmul %get3A_3, %dot_general3A_28, %dot_general3A_29 {dimension_numbers = #tpu.dot_dimension_numbers<[1], [0], [0], [1], [0, 0, 1, 1], [], []>, transpose_lhs_hint = false} : vector<512x512xf32>, vector<512x128xf32>, vector<512x128xf32> -> vector<512x128xf32>
    %add3A_31 = vector.broadcast %get3A_15 : vector<1x128xf32> to vector<512x128xf32>
    %add3A_32 = arith.addf %dot_general3A_30, %add3A_31 : vector<512x128xf32>
    %max3A_33 = arith.constant 0.000000e+00 : f32
    %max3A_34 = vector.broadcast %max3A_33 : f32 to vector<512x128xf32>
    %max3A_35 = arith.maximumf %add3A_32, %max3A_34 : vector<512x128xf32>
    %get3A_36 = arith.constant 0 : index
    %get3A_37 = arith.constant 0 : index
    %get3A_38 = arith.constant 0 : index
    %get3A_39 = vector.load %arg2[%get3A_36, %get3A_37, %get3A_38] : memref<8x512x256xf32, #tpu.memory_space<vmem>>, vector<1x512x256xf32>
    %get3A_40 = vector.shape_cast %get3A_39 : vector<1x512x256xf32> to vector<512x256xf32>
    %dot_general3A_41 = arith.constant dense<0.000000e+00> : vector<512x256xf32>
    %dot_general3A_42 = tpu.matmul %get3A_40, %get3A_6, %dot_general3A_41 {dimension_numbers = #tpu.dot_dimension_numbers<[1], [0], [0], [1], [0, 0, 1, 1], [], []>, transpose_lhs_hint = false} : vector<512x256xf32>, vector<256x256xf32>, vector<512x256xf32> -> vector<512x256xf32>
    %dot_general3A_43 = arith.constant dense<0.000000e+00> : vector<512x256xf32>
    %dot_general3A_44 = tpu.matmul %get3A_3, %dot_general3A_42, %dot_general3A_43 {dimension_numbers = #tpu.dot_dimension_numbers<[1], [0], [0], [1], [0, 0, 1, 1], [], []>, transpose_lhs_hint = false} : vector<512x512xf32>, vector<512x256xf32>, vector<512x256xf32> -> vector<512x256xf32>
    %add3A_45 = vector.broadcast %get3A_12 : vector<1x256xf32> to vector<512x256xf32>
    %add3A_46 = arith.addf %dot_general3A_44, %add3A_45 : vector<512x256xf32>
    %max3A_47 = arith.constant 0.000000e+00 : f32
    %max3A_48 = vector.broadcast %max3A_47 : f32 to vector<512x256xf32>
    %max3A_49 = arith.maximumf %add3A_46, %max3A_48 : vector<512x256xf32>
    %dot_general3A_50 = arith.constant dense<0.000000e+00> : vector<512x128xf32>
    %dot_general3A_51 = tpu.matmul %max3A_49, %get3A_9, %dot_general3A_50 {dimension_numbers = #tpu.dot_dimension_numbers<[1], [0], [0], [1], [0, 0, 1, 1], [], []>, transpose_lhs_hint = false} : vector<512x256xf32>, vector<256x128xf32>, vector<512x128xf32> -> vector<512x128xf32>
    %dot_general3A_52 = arith.constant dense<0.000000e+00> : vector<512x128xf32>
    %dot_general3A_53 = tpu.matmul %get3A_3, %dot_general3A_51, %dot_general3A_52 {dimension_numbers = #tpu.dot_dimension_numbers<[1], [0], [0], [1], [0, 0, 1, 1], [], []>, transpose_lhs_hint = false} : vector<512x512xf32>, vector<512x128xf32>, vector<512x128xf32> -> vector<512x128xf32>
    %add3A_54 = vector.broadcast %get3A_15 : vector<1x128xf32> to vector<512x128xf32>
    %add3A_55 = arith.addf %dot_general3A_53, %add3A_54 : vector<512x128xf32>
    %max3A_56 = arith.constant 0.000000e+00 : f32
    %max3A_57 = vector.broadcast %max3A_56 : f32 to vector<512x128xf32>
    %max3A_58 = arith.maximumf %add3A_55, %max3A_57 : vector<512x128xf32>
    %dot_general3A_59 = arith.constant dense<0.000000e+00> : vector<512x512xf32>
    %dot_general3A_60 = tpu.matmul %max3A_35, %max3A_58, %dot_general3A_59 {dimension_numbers = #tpu.dot_dimension_numbers<[1], [1], [0], [0], [0, 0, 1, 0], [], []>, transpose_lhs_hint = false} : vector<512x128xf32>, vector<512x128xf32>, vector<512x512xf32> -> vector<512x512xf32>
    %reduce_sum3A = arith.constant dense<0.000000e+00> : vector<128xf32>
    %reduce_sum3A_61 = vector.multi_reduction <add>, %max3A_35, %reduce_sum3A [0] : vector<512x128xf32> to vector<128xf32>
    %broadcast_in_dim3A = vector.shape_cast %reduce_sum3A_61 : vector<128xf32> to vector<1x128xf32>
    %mul3A = vector.broadcast %broadcast_in_dim3A : vector<1x128xf32> to vector<512x128xf32>
    %mul3A_62 = arith.mulf %max3A_58, %mul3A : vector<512x128xf32>
    %reduce_sum3A_63 = arith.constant dense<0.000000e+00> : vector<512xf32>
    %reduce_sum3A_64 = vector.multi_reduction <add>, %mul3A_62, %reduce_sum3A_63 [1] : vector<512x128xf32> to vector<512xf32>
    %jit3A = arith.constant 9.99999997E-7 : f32
    %max3A_65 = vector.broadcast %jit3A : f32 to vector<512xf32>
    %max3A_66 = arith.maximumf %max3A_65, %reduce_sum3A_64 : vector<512xf32>
    %div3A = arith.divf %reduce_sum3A_64, %max3A_66 : vector<512xf32>
    %reduce_sum3A_67 = vector.shape_cast %div3A : vector<512xf32> to vector<1x512xf32>
    %reduce_sum3A_68 = arith.constant dense<0.000000e+00> : vector<1xf32>
    %reduce_sum3A_69 = vector.multi_reduction <add>, %reduce_sum3A_67, %reduce_sum3A_68 [1] : vector<1x512xf32> to vector<1xf32>
    %reduce_sum3A_70 = vector.shape_cast %reduce_sum3A_69 : vector<1xf32> to vector<1x1xf32>
    %reduce_sum3A_71 = vector.extract %reduce_sum3A_70[0, 0] : f32 from vector<1x1xf32>
    %add3A_72 = arith.constant 0.000000e+00 : f32
    %add3A_73 = arith.addf %add3A_72, %reduce_sum3A_71 : f32
    %div3A_74 = arith.constant 5.120000e+02 : f32
    %div3A_75 = vector.broadcast %div3A_74 : f32 to vector<128xf32>
    %div3A_76 = arith.divf %reduce_sum3A_61, %div3A_75 : vector<128xf32>
    %broadcast_in_dim3A_77 = vector.shape_cast %div3A_76 : vector<128xf32> to vector<1x128xf32>
    %sub3A = vector.broadcast %broadcast_in_dim3A_77 : vector<1x128xf32> to vector<512x128xf32>
    %sub3A_78 = arith.subf %max3A_35, %sub3A : vector<512x128xf32>
    %integer_pow3A = arith.mulf %sub3A_78, %sub3A_78 : vector<512x128xf32>
    %reduce_sum3A_79 = arith.constant dense<0.000000e+00> : vector<128xf32>
    %reduce_sum3A_80 = vector.multi_reduction <add>, %integer_pow3A, %reduce_sum3A_79 [0] : vector<512x128xf32> to vector<128xf32>
    %sub3A_81 = arith.constant 5.120000e+02 : f32
    %sub3A_82 = arith.constant 1.000000e+00 : f32
    %sub3A_83 = arith.subf %sub3A_81, %sub3A_82 : f32
    %div3A_84 = vector.broadcast %sub3A_83 : f32 to vector<128xf32>
    %div3A_85 = arith.divf %reduce_sum3A_80, %div3A_84 : vector<128xf32>
    %sqrt3A = math.sqrt %div3A_85 : vector<128xf32>
    %add3A_86 = arith.constant 9.99999996E-13 : f32
    %add3A_87 = vector.broadcast %add3A_86 : f32 to vector<128xf32>
    %add3A_88 = arith.addf %sqrt3A, %add3A_87 : vector<128xf32>
    %reduce_sum3A_89 = arith.constant dense<0.000000e+00> : vector<128xf32>
    %reduce_sum3A_90 = vector.multi_reduction <add>, %max3A_58, %reduce_sum3A_89 [0] : vector<512x128xf32> to vector<128xf32>
    %div3A_91 = arith.constant 5.120000e+02 : f32
    %div3A_92 = vector.broadcast %div3A_91 : f32 to vector<128xf32>
    %div3A_93 = arith.divf %reduce_sum3A_90, %div3A_92 : vector<128xf32>
    %broadcast_in_dim3A_94 = vector.shape_cast %div3A_93 : vector<128xf32> to vector<1x128xf32>
    %sub3A_95 = vector.broadcast %broadcast_in_dim3A_94 : vector<1x128xf32> to vector<512x128xf32>
    %sub3A_96 = arith.subf %max3A_58, %sub3A_95 : vector<512x128xf32>
    %integer_pow3A_97 = arith.mulf %sub3A_96, %sub3A_96 : vector<512x128xf32>
    %reduce_sum3A_98 = arith.constant dense<0.000000e+00> : vector<128xf32>
    %reduce_sum3A_99 = vector.multi_reduction <add>, %integer_pow3A_97, %reduce_sum3A_98 [0] : vector<512x128xf32> to vector<128xf32>
    %sub3A_100 = arith.constant 5.120000e+02 : f32
    %sub3A_101 = arith.constant 1.000000e+00 : f32
    %sub3A_102 = arith.subf %sub3A_100, %sub3A_101 : f32
    %div3A_103 = vector.broadcast %sub3A_102 : f32 to vector<128xf32>
    %div3A_104 = arith.divf %reduce_sum3A_99, %div3A_103 : vector<128xf32>
    %sqrt3A_105 = math.sqrt %div3A_104 : vector<128xf32>
    %add3A_106 = arith.constant 9.99999996E-13 : f32
    %add3A_107 = vector.broadcast %add3A_106 : f32 to vector<128xf32>
    %add3A_108 = arith.addf %sqrt3A_105, %add3A_107 : vector<128xf32>
    %broadcast_in_dim3A_109 = vector.shape_cast %div3A_76 : vector<128xf32> to vector<1x128xf32>
    %sub3A_110 = vector.broadcast %broadcast_in_dim3A_109 : vector<1x128xf32> to vector<512x128xf32>
    %sub3A_111 = arith.subf %max3A_58, %sub3A_110 : vector<512x128xf32>
    %div3A_112 = arith.constant 1.000000e+00 : f32
    %div3A_113 = vector.broadcast %div3A_112 : f32 to vector<128xf32>
    %div3A_114 = arith.divf %div3A_113, %add3A_88 : vector<128xf32>
    %broadcast_in_dim3A_115 = vector.shape_cast %div3A_114 : vector<128xf32> to vector<1x128xf32>
    %mul3A_116 = vector.broadcast %broadcast_in_dim3A_115 : vector<1x128xf32> to vector<512x128xf32>
    %mul3A_117 = arith.mulf %sub3A_111, %mul3A_116 : vector<512x128xf32>
    %mul3A_118 = arith.constant -5.000000e-01 : f32
    %mul3A_119 = vector.broadcast %mul3A_118 : f32 to vector<512x128xf32>
    %mul3A_120 = arith.mulf %mul3A_119, %mul3A_117 : vector<512x128xf32>
    %mul3A_121 = arith.mulf %mul3A_120, %mul3A_117 : vector<512x128xf32>
    %exp3A = math.exp %mul3A_121 : vector<512x128xf32>
    %mul3A_122 = arith.constant 2.50662827 : f32
    %mul3A_123 = vector.broadcast %mul3A_122 : f32 to vector<128xf32>
    %mul3A_124 = arith.mulf %add3A_88, %mul3A_123 : vector<128xf32>
    %div3A_125 = arith.constant 1.000000e+00 : f32
    %div3A_126 = vector.broadcast %div3A_125 : f32 to vector<128xf32>
    %div3A_127 = arith.divf %div3A_126, %mul3A_124 : vector<128xf32>
    %broadcast_in_dim3A_128 = vector.shape_cast %div3A_127 : vector<128xf32> to vector<1x128xf32>
    %mul3A_129 = vector.broadcast %broadcast_in_dim3A_128 : vector<1x128xf32> to vector<512x128xf32>
    %mul3A_130 = arith.mulf %exp3A, %mul3A_129 : vector<512x128xf32>
    %broadcast_in_dim3A_131 = vector.shape_cast %div3A_93 : vector<128xf32> to vector<1x128xf32>
    %sub3A_132 = vector.broadcast %broadcast_in_dim3A_131 : vector<1x128xf32> to vector<512x128xf32>
    %sub3A_133 = arith.subf %max3A_58, %sub3A_132 : vector<512x128xf32>
    %div3A_134 = arith.constant 1.000000e+00 : f32
    %div3A_135 = vector.broadcast %div3A_134 : f32 to vector<128xf32>
    %div3A_136 = arith.divf %div3A_135, %add3A_108 : vector<128xf32>
    %broadcast_in_dim3A_137 = vector.shape_cast %div3A_136 : vector<128xf32> to vector<1x128xf32>
    %mul3A_138 = vector.broadcast %broadcast_in_dim3A_137 : vector<1x128xf32> to vector<512x128xf32>
    %mul3A_139 = arith.mulf %sub3A_133, %mul3A_138 : vector<512x128xf32>
    %mul3A_140 = arith.constant -5.000000e-01 : f32
    %mul3A_141 = vector.broadcast %mul3A_140 : f32 to vector<512x128xf32>
    %mul3A_142 = arith.mulf %mul3A_141, %mul3A_139 : vector<512x128xf32>
    %mul3A_143 = arith.mulf %mul3A_142, %mul3A_139 : vector<512x128xf32>
    %exp3A_144 = math.exp %mul3A_143 : vector<512x128xf32>
    %mul3A_145 = arith.constant 2.50662827 : f32
    %mul3A_146 = vector.broadcast %mul3A_145 : f32 to vector<128xf32>
    %mul3A_147 = arith.mulf %add3A_108, %mul3A_146 : vector<128xf32>
    %div3A_148 = arith.constant 1.000000e+00 : f32
    %div3A_149 = vector.broadcast %div3A_148 : f32 to vector<128xf32>
    %div3A_150 = arith.divf %div3A_149, %mul3A_147 : vector<128xf32>
    %broadcast_in_dim3A_151 = vector.shape_cast %div3A_150 : vector<128xf32> to vector<1x128xf32>
    %mul3A_152 = vector.broadcast %broadcast_in_dim3A_151 : vector<1x128xf32> to vector<512x128xf32>
    %mul3A_153 = arith.mulf %exp3A_144, %mul3A_152 : vector<512x128xf32>
    %add3A_154 = arith.addf %mul3A_130, %mul3A_153 : vector<512x128xf32>
    %add3A_155 = arith.constant 2.000000e-12 : f32
    %add3A_156 = vector.broadcast %add3A_155 : f32 to vector<512x128xf32>
    %add3A_157 = arith.addf %add3A_154, %add3A_156 : vector<512x128xf32>
    %div3A_158 = arith.divf %mul3A_130, %add3A_157 : vector<512x128xf32>
    %reduce_sum3A_159 = arith.constant dense<0.000000e+00> : vector<512xf32>
    %reduce_sum3A_160 = vector.multi_reduction <add>, %div3A_158, %reduce_sum3A_159 [1] : vector<512x128xf32> to vector<512xf32>
    %mul3A_161 = arith.constant 7.812500e-03 : f32
    %mul3A_162 = vector.broadcast %mul3A_161 : f32 to vector<512xf32>
    %mul3A_163 = arith.mulf %reduce_sum3A_160, %mul3A_162 : vector<512xf32>
    %gt3A = arith.constant 6.000000e-01 : f32
    %gt3A_164 = vector.broadcast %gt3A : f32 to vector<512xf32>
    %gt3A_165 = arith.cmpf ogt, %mul3A_163, %gt3A_164 : vector<512xf32>
    %convert_element_type3A_166 = arith.extui %gt3A_165 : vector<512xi1> to vector<512xi32>
    %convert_element_type3A_167 = arith.sitofp %convert_element_type3A_166 : vector<512xi32> to vector<512xf32>
    %reduce_sum3A_168 = vector.shape_cast %convert_element_type3A_167 : vector<512xf32> to vector<1x512xf32>
    %reduce_sum3A_169 = arith.constant dense<0.000000e+00> : vector<1xf32>
    %reduce_sum3A_170 = vector.multi_reduction <add>, %reduce_sum3A_168, %reduce_sum3A_169 [1] : vector<1x512xf32> to vector<1xf32>
    %reduce_sum3A_171 = vector.shape_cast %reduce_sum3A_170 : vector<1xf32> to vector<1x1xf32>
    %reduce_sum3A_172 = vector.extract %reduce_sum3A_171[0, 0] : f32 from vector<1x1xf32>
    %mul3A_173 = arith.mulf %max3A_35, %max3A_58 : vector<512x128xf32>
    %reduce_sum3A_174 = arith.constant dense<0.000000e+00> : vector<512xf32>
    %reduce_sum3A_175 = vector.multi_reduction <add>, %mul3A_173, %reduce_sum3A_174 [1] : vector<512x128xf32> to vector<512xf32>
    %min3A = arith.constant 0.000000e+00 : f32
    %min3A_176 = vector.broadcast %min3A : f32 to vector<512xf32>
    %min3A_177 = arith.minimumf %reduce_sum3A_175, %min3A_176 : vector<512xf32>
    %abs3A = math.absf %reduce_sum3A_175 : vector<512xf32>
    %neg3A = arith.constant 0.000000e+00 : f32
    %neg3A_178 = vector.broadcast %neg3A : f32 to vector<512xf32>
    %neg3A_179 = arith.subf %neg3A_178, %abs3A : vector<512xf32>
    %exp3A_180 = math.exp %neg3A_179 : vector<512xf32>
    %log1p3A = math.log1p %exp3A_180 : vector<512xf32>
    %sub3A_181 = arith.subf %min3A_177, %log1p3A : vector<512xf32>
    %reduce_sum3A_182 = vector.shape_cast %sub3A_181 : vector<512xf32> to vector<1x512xf32>
    %reduce_sum3A_183 = arith.constant dense<0.000000e+00> : vector<1xf32>
    %reduce_sum3A_184 = vector.multi_reduction <add>, %reduce_sum3A_182, %reduce_sum3A_183 [1] : vector<1x512xf32> to vector<1xf32>
    %reduce_sum3A_185 = vector.shape_cast %reduce_sum3A_184 : vector<1xf32> to vector<1x1xf32>
    %reduce_sum3A_186 = vector.extract %reduce_sum3A_185[0, 0] : f32 from vector<1x1xf32>
    %mul3A_187 = arith.constant 2.616320e+05 : f32
    %mul3A_188 = arith.constant 0.693147182 : f32
    %mul3A_189 = arith.mulf %mul3A_187, %mul3A_188 : f32
    %sub3A_190 = arith.subf %reduce_sum3A_186, %mul3A_189 : f32
    %add3A_191 = arith.constant 0.000000e+00 : f32
    %add3A_192 = arith.addf %add3A_191, %sub3A_190 : f32
    %neg3A_193 = arith.constant 0.000000e+00 : f32
    %neg3A_194 = vector.broadcast %neg3A_193 : f32 to vector<512x512xf32>
    %neg3A_195 = arith.subf %neg3A_194, %dot_general3A_60 : vector<512x512xf32>
    %min3A_196 = arith.constant 0.000000e+00 : f32
    %min3A_197 = vector.broadcast %min3A_196 : f32 to vector<512x512xf32>
    %min3A_198 = arith.minimumf %neg3A_195, %min3A_197 : vector<512x512xf32>
    %abs3A_199 = math.absf %neg3A_195 : vector<512x512xf32>
    %neg3A_200 = arith.constant 0.000000e+00 : f32
    %neg3A_201 = vector.broadcast %neg3A_200 : f32 to vector<512x512xf32>
    %neg3A_202 = arith.subf %neg3A_201, %abs3A_199 : vector<512x512xf32>
    %exp3A_203 = math.exp %neg3A_202 : vector<512x512xf32>
    %log1p3A_204 = math.log1p %exp3A_203 : vector<512x512xf32>
    %sub3A_205 = arith.subf %min3A_198, %log1p3A_204 : vector<512x512xf32>
    %reduce_sum3A_206 = arith.constant dense<0.000000e+00> : vector<512xf32>
    %reduce_sum3A_207 = vector.multi_reduction <add>, %sub3A_205, %reduce_sum3A_206 [1] : vector<512x512xf32> to vector<512xf32>
    %neg3A_208 = arith.constant 0.000000e+00 : f32
    %neg3A_209 = vector.broadcast %neg3A_208 : f32 to vector<512xf32>
    %neg3A_210 = arith.subf %neg3A_209, %reduce_sum3A_175 : vector<512xf32>
    %min3A_211 = arith.constant 0.000000e+00 : f32
    %min3A_212 = vector.broadcast %min3A_211 : f32 to vector<512xf32>
    %min3A_213 = arith.minimumf %neg3A_210, %min3A_212 : vector<512xf32>
    %abs3A_214 = math.absf %neg3A_210 : vector<512xf32>
    %neg3A_215 = arith.constant 0.000000e+00 : f32
    %neg3A_216 = vector.broadcast %neg3A_215 : f32 to vector<512xf32>
    %neg3A_217 = arith.subf %neg3A_216, %abs3A_214 : vector<512xf32>
    %exp3A_218 = math.exp %neg3A_217 : vector<512xf32>
    %log1p3A_219 = math.log1p %exp3A_218 : vector<512xf32>
    %sub3A_220 = arith.subf %min3A_213, %log1p3A_219 : vector<512xf32>
    %reduce_sum3A_221 = vector.shape_cast %reduce_sum3A_207 : vector<512xf32> to vector<1x512xf32>
    %reduce_sum3A_222 = arith.constant dense<0.000000e+00> : vector<1xf32>
    %reduce_sum3A_223 = vector.multi_reduction <add>, %reduce_sum3A_221, %reduce_sum3A_222 [1] : vector<1x512xf32> to vector<1xf32>
    %reduce_sum3A_224 = vector.shape_cast %reduce_sum3A_223 : vector<1xf32> to vector<1x1xf32>
    %reduce_sum3A_225 = vector.extract %reduce_sum3A_224[0, 0] : f32 from vector<1x1xf32>
    %mul3A_226 = arith.mulf %convert_element_type3A_167, %reduce_sum3A_207 : vector<512xf32>
    %reduce_sum3A_227 = vector.shape_cast %mul3A_226 : vector<512xf32> to vector<1x512xf32>
    %reduce_sum3A_228 = arith.constant dense<0.000000e+00> : vector<1xf32>
    %reduce_sum3A_229 = vector.multi_reduction <add>, %reduce_sum3A_227, %reduce_sum3A_228 [1] : vector<1x512xf32> to vector<1xf32>
    %reduce_sum3A_230 = vector.shape_cast %reduce_sum3A_229 : vector<1xf32> to vector<1x1xf32>
    %reduce_sum3A_231 = vector.extract %reduce_sum3A_230[0, 0] : f32 from vector<1x1xf32>
    %sub3A_232 = arith.subf %reduce_sum3A_225, %reduce_sum3A_231 : f32
    %reduce_sum3A_233 = vector.shape_cast %sub3A_220 : vector<512xf32> to vector<1x512xf32>
    %reduce_sum3A_234 = arith.constant dense<0.000000e+00> : vector<1xf32>
    %reduce_sum3A_235 = vector.multi_reduction <add>, %reduce_sum3A_233, %reduce_sum3A_234 [1] : vector<1x512xf32> to vector<1xf32>
    %reduce_sum3A_236 = vector.shape_cast %reduce_sum3A_235 : vector<1xf32> to vector<1x1xf32>
    %reduce_sum3A_237 = vector.extract %reduce_sum3A_236[0, 0] : f32 from vector<1x1xf32>
    %sub3A_238 = arith.subf %sub3A_232, %reduce_sum3A_237 : f32
    %mul3A_239 = arith.mulf %convert_element_type3A_167, %sub3A_220 : vector<512xf32>
    %reduce_sum3A_240 = vector.shape_cast %mul3A_239 : vector<512xf32> to vector<1x512xf32>
    %reduce_sum3A_241 = arith.constant dense<0.000000e+00> : vector<1xf32>
    %reduce_sum3A_242 = vector.multi_reduction <add>, %reduce_sum3A_240, %reduce_sum3A_241 [1] : vector<1x512xf32> to vector<1xf32>
    %reduce_sum3A_243 = vector.shape_cast %reduce_sum3A_242 : vector<1xf32> to vector<1x1xf32>
    %reduce_sum3A_244 = vector.extract %reduce_sum3A_243[0, 0] : f32 from vector<1x1xf32>
    %add3A_245 = arith.addf %sub3A_238, %reduce_sum3A_244 : f32
    %sub3A_246 = arith.constant 5.120000e+02 : f32
    %sub3A_247 = arith.constant 1.000000e+00 : f32
    %sub3A_248 = arith.subf %sub3A_246, %sub3A_247 : f32
    %mul3A_249 = arith.mulf %sub3A_248, %reduce_sum3A_172 : f32
    %add3A_250 = arith.constant 5.120000e+02 : f32
    %add3A_251 = arith.addf %add3A_250, %mul3A_249 : f32
    %mul3A_252 = arith.constant 0.693147182 : f32
    %mul3A_253 = arith.mulf %add3A_251, %mul3A_252 : f32
    %sub3A_254 = arith.subf %add3A_245, %mul3A_253 : f32
    %add3A_255 = arith.constant 0.000000e+00 : f32
    %add3A_256 = arith.addf %add3A_255, %sub3A_254 : f32
    %get3A_257 = arith.constant 1 : index
    %get3A_258 = arith.constant 0 : index
    %get3A_259 = arith.constant 0 : index
    %get3A_260 = vector.load %arg1[%get3A_257, %get3A_258, %get3A_259] : memref<8x512x256xf32, #tpu.memory_space<vmem>>, vector<1x512x256xf32>
    %get3A_261 = vector.shape_cast %get3A_260 : vector<1x512x256xf32> to vector<512x256xf32>
    %dot_general3A_262 = arith.constant dense<0.000000e+00> : vector<512x256xf32>
    %dot_general3A_263 = tpu.matmul %get3A_261, %get3A_6, %dot_general3A_262 {dimension_numbers = #tpu.dot_dimension_numbers<[1], [0], [0], [1], [0, 0, 1, 1], [], []>, transpose_lhs_hint = false} : vector<512x256xf32>, vector<256x256xf32>, vector<512x256xf32> -> vector<512x256xf32>
    %dot_general3A_264 = arith.constant dense<0.000000e+00> : vector<512x256xf32>
    %dot_general3A_265 = tpu.matmul %get3A_3, %dot_general3A_263, %dot_general3A_264 {dimension_numbers = #tpu.dot_dimension_numbers<[1], [0], [0], [1], [0, 0, 1, 1], [], []>, transpose_lhs_hint = false} : vector<512x512xf32>, vector<512x256xf32>, vector<512x256xf32> -> vector<512x256xf32>
    %add3A_266 = vector.broadcast %get3A_12 : vector<1x256xf32> to vector<512x256xf32>
    %add3A_267 = arith.addf %dot_general3A_265, %add3A_266 : vector<512x256xf32>
    %max3A_268 = arith.constant 0.000000e+00 : f32
    %max3A_269 = vector.broadcast %max3A_268 : f32 to vector<512x256xf32>
    %max3A_270 = arith.maximumf %add3A_267, %max3A_269 : vector<512x256xf32>
    %dot_general3A_271 = arith.constant dense<0.000000e+00> : vector<512x128xf32>
    %dot_general3A_272 = tpu.matmul %max3A_270, %get3A_9, %dot_general3A_271 {dimension_numbers = #tpu.dot_dimension_numbers<[1], [0], [0], [1], [0, 0, 1, 1], [], []>, transpose_lhs_hint = false} : vector<512x256xf32>, vector<256x128xf32>, vector<512x128xf32> -> vector<512x128xf32>
    %dot_general3A_273 = arith.constant dense<0.000000e+00> : vector<512x128xf32>
    %dot_general3A_274 = tpu.matmul %get3A_3, %dot_general3A_272, %dot_general3A_273 {dimension_numbers = #tpu.dot_dimension_numbers<[1], [0], [0], [1], [0, 0, 1, 1], [], []>, transpose_lhs_hint = false} : vector<512x512xf32>, vector<512x128xf32>, vector<512x128xf32> -> vector<512x128xf32>
    %add3A_275 = vector.broadcast %get3A_15 : vector<1x128xf32> to vector<512x128xf32>
    %add3A_276 = arith.addf %dot_general3A_274, %add3A_275 : vector<512x128xf32>
    %max3A_277 = arith.constant 0.000000e+00 : f32
    %max3A_278 = vector.broadcast %max3A_277 : f32 to vector<512x128xf32>
    %max3A_279 = arith.maximumf %add3A_276, %max3A_278 : vector<512x128xf32>
    %get3A_280 = arith.constant 1 : index
    %get3A_281 = arith.constant 0 : index
    %get3A_282 = arith.constant 0 : index
    %get3A_283 = vector.load %arg2[%get3A_280, %get3A_281, %get3A_282] : memref<8x512x256xf32, #tpu.memory_space<vmem>>, vector<1x512x256xf32>
    %get3A_284 = vector.shape_cast %get3A_283 : vector<1x512x256xf32> to vector<512x256xf32>
    %dot_general3A_285 = arith.constant dense<0.000000e+00> : vector<512x256xf32>
    %dot_general3A_286 = tpu.matmul %get3A_284, %get3A_6, %dot_general3A_285 {dimension_numbers = #tpu.dot_dimension_numbers<[1], [0], [0], [1], [0, 0, 1, 1], [], []>, transpose_lhs_hint = false} : vector<512x256xf32>, vector<256x256xf32>, vector<512x256xf32> -> vector<512x256xf32>
    %dot_general3A_287 = arith.constant dense<0.000000e+00> : vector<512x256xf32>
    %dot_general3A_288 = tpu.matmul %get3A_3, %dot_general3A_286, %dot_general3A_287 {dimension_numbers = #tpu.dot_dimension_numbers<[1], [0], [0], [1], [0, 0, 1, 1], [], []>, transpose_lhs_hint = false} : vector<512x512xf32>, vector<512x256xf32>, vector<512x256xf32> -> vector<512x256xf32>
    %add3A_289 = vector.broadcast %get3A_12 : vector<1x256xf32> to vector<512x256xf32>
    %add3A_290 = arith.addf %dot_general3A_288, %add3A_289 : vector<512x256xf32>
    %max3A_291 = arith.constant 0.000000e+00 : f32
    %max3A_292 = vector.broadcast %max3A_291 : f32 to vector<512x256xf32>
    %max3A_293 = arith.maximumf %add3A_290, %max3A_292 : vector<512x256xf32>
    %dot_general3A_294 = arith.constant dense<0.000000e+00> : vector<512x128xf32>
    %dot_general3A_295 = tpu.matmul %max3A_293, %get3A_9, %dot_general3A_294 {dimension_numbers = #tpu.dot_dimension_numbers<[1], [0], [0], [1], [0, 0, 1, 1], [], []>, transpose_lhs_hint = false} : vector<512x256xf32>, vector<256x128xf32>, vector<512x128xf32> -> vector<512x128xf32>
    %dot_general3A_296 = arith.constant dense<0.000000e+00> : vector<512x128xf32>
    %dot_general3A_297 = tpu.matmul %get3A_3, %dot_general3A_295, %dot_general3A_296 {dimension_numbers = #tpu.dot_dimension_numbers<[1], [0], [0], [1], [0, 0, 1, 1], [], []>, transpose_lhs_hint = false} : vector<512x512xf32>, vector<512x128xf32>, vector<512x128xf32> -> vector<512x128xf32>
    %add3A_298 = vector.broadcast %get3A_15 : vector<1x128xf32> to vector<512x128xf32>
    %add3A_299 = arith.addf %dot_general3A_297, %add3A_298 : vector<512x128xf32>
    %max3A_300 = arith.constant 0.000000e+00 : f32
    %max3A_301 = vector.broadcast %max3A_300 : f32 to vector<512x128xf32>
    %max3A_302 = arith.maximumf %add3A_299, %max3A_301 : vector<512x128xf32>
    %dot_general3A_303 = arith.constant dense<0.000000e+00> : vector<512x512xf32>
    %dot_general3A_304 = tpu.matmul %max3A_279, %max3A_302, %dot_general3A_303 {dimension_numbers = #tpu.dot_dimension_numbers<[1], [1], [0], [0], [0, 0, 1, 0], [], []>, transpose_lhs_hint = false} : vector<512x128xf32>, vector<512x128xf32>, vector<512x512xf32> -> vector<512x512xf32>
    %reduce_sum3A_305 = arith.constant dense<0.000000e+00> : vector<128xf32>
    %reduce_sum3A_306 = vector.multi_reduction <add>, %max3A_279, %reduce_sum3A_305 [0] : vector<512x128xf32> to vector<128xf32>
    %broadcast_in_dim3A_307 = vector.shape_cast %reduce_sum3A_306 : vector<128xf32> to vector<1x128xf32>
    %mul3A_308 = vector.broadcast %broadcast_in_dim3A_307 : vector<1x128xf32> to vector<512x128xf32>
    %mul3A_309 = arith.mulf %max3A_302, %mul3A_308 : vector<512x128xf32>
    %reduce_sum3A_310 = arith.constant dense<0.000000e+00> : vector<512xf32>
    %reduce_sum3A_311 = vector.multi_reduction <add>, %mul3A_309, %reduce_sum3A_310 [1] : vector<512x128xf32> to vector<512xf32>
    %jit3A_312 = arith.constant 9.99999997E-7 : f32
    %max3A_313 = vector.broadcast %jit3A_312 : f32 to vector<512xf32>
    %max3A_314 = arith.maximumf %max3A_313, %reduce_sum3A_311 : vector<512xf32>
    %div3A_315 = arith.divf %reduce_sum3A_311, %max3A_314 : vector<512xf32>
    %reduce_sum3A_316 = vector.shape_cast %div3A_315 : vector<512xf32> to vector<1x512xf32>
    %reduce_sum3A_317 = arith.constant dense<0.000000e+00> : vector<1xf32>
    %reduce_sum3A_318 = vector.multi_reduction <add>, %reduce_sum3A_316, %reduce_sum3A_317 [1] : vector<1x512xf32> to vector<1xf32>
    %reduce_sum3A_319 = vector.shape_cast %reduce_sum3A_318 : vector<1xf32> to vector<1x1xf32>
    %reduce_sum3A_320 = vector.extract %reduce_sum3A_319[0, 0] : f32 from vector<1x1xf32>
    %add3A_321 = arith.addf %add3A_73, %reduce_sum3A_320 : f32
    %div3A_322 = arith.constant 5.120000e+02 : f32
    %div3A_323 = vector.broadcast %div3A_322 : f32 to vector<128xf32>
    %div3A_324 = arith.divf %reduce_sum3A_306, %div3A_323 : vector<128xf32>
    %broadcast_in_dim3A_325 = vector.shape_cast %div3A_324 : vector<128xf32> to vector<1x128xf32>
    %sub3A_326 = vector.broadcast %broadcast_in_dim3A_325 : vector<1x128xf32> to vector<512x128xf32>
    %sub3A_327 = arith.subf %max3A_279, %sub3A_326 : vector<512x128xf32>
    %integer_pow3A_328 = arith.mulf %sub3A_327, %sub3A_327 : vector<512x128xf32>
    %reduce_sum3A_329 = arith.constant dense<0.000000e+00> : vector<128xf32>
    %reduce_sum3A_330 = vector.multi_reduction <add>, %integer_pow3A_328, %reduce_sum3A_329 [0] : vector<512x128xf32> to vector<128xf32>
    %sub3A_331 = arith.constant 5.120000e+02 : f32
    %sub3A_332 = arith.constant 1.000000e+00 : f32
    %sub3A_333 = arith.subf %sub3A_331, %sub3A_332 : f32
    %div3A_334 = vector.broadcast %sub3A_333 : f32 to vector<128xf32>
    %div3A_335 = arith.divf %reduce_sum3A_330, %div3A_334 : vector<128xf32>
    %sqrt3A_336 = math.sqrt %div3A_335 : vector<128xf32>
    %add3A_337 = arith.constant 9.99999996E-13 : f32
    %add3A_338 = vector.broadcast %add3A_337 : f32 to vector<128xf32>
    %add3A_339 = arith.addf %sqrt3A_336, %add3A_338 : vector<128xf32>
    %reduce_sum3A_340 = arith.constant dense<0.000000e+00> : vector<128xf32>
    %reduce_sum3A_341 = vector.multi_reduction <add>, %max3A_302, %reduce_sum3A_340 [0] : vector<512x128xf32> to vector<128xf32>
    %div3A_342 = arith.constant 5.120000e+02 : f32
    %div3A_343 = vector.broadcast %div3A_342 : f32 to vector<128xf32>
    %div3A_344 = arith.divf %reduce_sum3A_341, %div3A_343 : vector<128xf32>
    %broadcast_in_dim3A_345 = vector.shape_cast %div3A_344 : vector<128xf32> to vector<1x128xf32>
    %sub3A_346 = vector.broadcast %broadcast_in_dim3A_345 : vector<1x128xf32> to vector<512x128xf32>
    %sub3A_347 = arith.subf %max3A_302, %sub3A_346 : vector<512x128xf32>
    %integer_pow3A_348 = arith.mulf %sub3A_347, %sub3A_347 : vector<512x128xf32>
    %reduce_sum3A_349 = arith.constant dense<0.000000e+00> : vector<128xf32>
    %reduce_sum3A_350 = vector.multi_reduction <add>, %integer_pow3A_348, %reduce_sum3A_349 [0] : vector<512x128xf32> to vector<128xf32>
    %sub3A_351 = arith.constant 5.120000e+02 : f32
    %sub3A_352 = arith.constant 1.000000e+00 : f32
    %sub3A_353 = arith.subf %sub3A_351, %sub3A_352 : f32
    %div3A_354 = vector.broadcast %sub3A_353 : f32 to vector<128xf32>
    %div3A_355 = arith.divf %reduce_sum3A_350, %div3A_354 : vector<128xf32>
    %sqrt3A_356 = math.sqrt %div3A_355 : vector<128xf32>
    %add3A_357 = arith.constant 9.99999996E-13 : f32
    %add3A_358 = vector.broadcast %add3A_357 : f32 to vector<128xf32>
    %add3A_359 = arith.addf %sqrt3A_356, %add3A_358 : vector<128xf32>
    %broadcast_in_dim3A_360 = vector.shape_cast %div3A_324 : vector<128xf32> to vector<1x128xf32>
    %sub3A_361 = vector.broadcast %broadcast_in_dim3A_360 : vector<1x128xf32> to vector<512x128xf32>
    %sub3A_362 = arith.subf %max3A_302, %sub3A_361 : vector<512x128xf32>
    %div3A_363 = arith.constant 1.000000e+00 : f32
    %div3A_364 = vector.broadcast %div3A_363 : f32 to vector<128xf32>
    %div3A_365 = arith.divf %div3A_364, %add3A_339 : vector<128xf32>
    %broadcast_in_dim3A_366 = vector.shape_cast %div3A_365 : vector<128xf32> to vector<1x128xf32>
    %mul3A_367 = vector.broadcast %broadcast_in_dim3A_366 : vector<1x128xf32> to vector<512x128xf32>
    %mul3A_368 = arith.mulf %sub3A_362, %mul3A_367 : vector<512x128xf32>
    %mul3A_369 = arith.constant -5.000000e-01 : f32
    %mul3A_370 = vector.broadcast %mul3A_369 : f32 to vector<512x128xf32>
    %mul3A_371 = arith.mulf %mul3A_370, %mul3A_368 : vector<512x128xf32>
    %mul3A_372 = arith.mulf %mul3A_371, %mul3A_368 : vector<512x128xf32>
    %exp3A_373 = math.exp %mul3A_372 : vector<512x128xf32>
    %mul3A_374 = arith.constant 2.50662827 : f32
    %mul3A_375 = vector.broadcast %mul3A_374 : f32 to vector<128xf32>
    %mul3A_376 = arith.mulf %add3A_339, %mul3A_375 : vector<128xf32>
    %div3A_377 = arith.constant 1.000000e+00 : f32
    %div3A_378 = vector.broadcast %div3A_377 : f32 to vector<128xf32>
    %div3A_379 = arith.divf %div3A_378, %mul3A_376 : vector<128xf32>
    %broadcast_in_dim3A_380 = vector.shape_cast %div3A_379 : vector<128xf32> to vector<1x128xf32>
    %mul3A_381 = vector.broadcast %broadcast_in_dim3A_380 : vector<1x128xf32> to vector<512x128xf32>
    %mul3A_382 = arith.mulf %exp3A_373, %mul3A_381 : vector<512x128xf32>
    %broadcast_in_dim3A_383 = vector.shape_cast %div3A_344 : vector<128xf32> to vector<1x128xf32>
    %sub3A_384 = vector.broadcast %broadcast_in_dim3A_383 : vector<1x128xf32> to vector<512x128xf32>
    %sub3A_385 = arith.subf %max3A_302, %sub3A_384 : vector<512x128xf32>
    %div3A_386 = arith.constant 1.000000e+00 : f32
    %div3A_387 = vector.broadcast %div3A_386 : f32 to vector<128xf32>
    %div3A_388 = arith.divf %div3A_387, %add3A_359 : vector<128xf32>
    %broadcast_in_dim3A_389 = vector.shape_cast %div3A_388 : vector<128xf32> to vector<1x128xf32>
    %mul3A_390 = vector.broadcast %broadcast_in_dim3A_389 : vector<1x128xf32> to vector<512x128xf32>
    %mul3A_391 = arith.mulf %sub3A_385, %mul3A_390 : vector<512x128xf32>
    %mul3A_392 = arith.constant -5.000000e-01 : f32
    %mul3A_393 = vector.broadcast %mul3A_392 : f32 to vector<512x128xf32>
    %mul3A_394 = arith.mulf %mul3A_393, %mul3A_391 : vector<512x128xf32>
    %mul3A_395 = arith.mulf %mul3A_394, %mul3A_391 : vector<512x128xf32>
    %exp3A_396 = math.exp %mul3A_395 : vector<512x128xf32>
    %mul3A_397 = arith.constant 2.50662827 : f32
    %mul3A_398 = vector.broadcast %mul3A_397 : f32 to vector<128xf32>
    %mul3A_399 = arith.mulf %add3A_359, %mul3A_398 : vector<128xf32>
    %div3A_400 = arith.constant 1.000000e+00 : f32
    %div3A_401 = vector.broadcast %div3A_400 : f32 to vector<128xf32>
    %div3A_402 = arith.divf %div3A_401, %mul3A_399 : vector<128xf32>
    %broadcast_in_dim3A_403 = vector.shape_cast %div3A_402 : vector<128xf32> to vector<1x128xf32>
    %mul3A_404 = vector.broadcast %broadcast_in_dim3A_403 : vector<1x128xf32> to vector<512x128xf32>
    %mul3A_405 = arith.mulf %exp3A_396, %mul3A_404 : vector<512x128xf32>
    %add3A_406 = arith.addf %mul3A_382, %mul3A_405 : vector<512x128xf32>
    %add3A_407 = arith.constant 2.000000e-12 : f32
    %add3A_408 = vector.broadcast %add3A_407 : f32 to vector<512x128xf32>
    %add3A_409 = arith.addf %add3A_406, %add3A_408 : vector<512x128xf32>
    %div3A_410 = arith.divf %mul3A_382, %add3A_409 : vector<512x128xf32>
    %reduce_sum3A_411 = arith.constant dense<0.000000e+00> : vector<512xf32>
    %reduce_sum3A_412 = vector.multi_reduction <add>, %div3A_410, %reduce_sum3A_411 [1] : vector<512x128xf32> to vector<512xf32>
    %mul3A_413 = arith.constant 7.812500e-03 : f32
    %mul3A_414 = vector.broadcast %mul3A_413 : f32 to vector<512xf32>
    %mul3A_415 = arith.mulf %reduce_sum3A_412, %mul3A_414 : vector<512xf32>
    %gt3A_416 = arith.constant 6.000000e-01 : f32
    %gt3A_417 = vector.broadcast %gt3A_416 : f32 to vector<512xf32>
    %gt3A_418 = arith.cmpf ogt, %mul3A_415, %gt3A_417 : vector<512xf32>
    %convert_element_type3A_419 = arith.extui %gt3A_418 : vector<512xi1> to vector<512xi32>
    %convert_element_type3A_420 = arith.sitofp %convert_element_type3A_419 : vector<512xi32> to vector<512xf32>
    %reduce_sum3A_421 = vector.shape_cast %convert_element_type3A_420 : vector<512xf32> to vector<1x512xf32>
    %reduce_sum3A_422 = arith.constant dense<0.000000e+00> : vector<1xf32>
    %reduce_sum3A_423 = vector.multi_reduction <add>, %reduce_sum3A_421, %reduce_sum3A_422 [1] : vector<1x512xf32> to vector<1xf32>
    %reduce_sum3A_424 = vector.shape_cast %reduce_sum3A_423 : vector<1xf32> to vector<1x1xf32>
    %reduce_sum3A_425 = vector.extract %reduce_sum3A_424[0, 0] : f32 from vector<1x1xf32>
    %mul3A_426 = arith.mulf %max3A_279, %max3A_302 : vector<512x128xf32>
    %reduce_sum3A_427 = arith.constant dense<0.000000e+00> : vector<512xf32>
    %reduce_sum3A_428 = vector.multi_reduction <add>, %mul3A_426, %reduce_sum3A_427 [1] : vector<512x128xf32> to vector<512xf32>
    %min3A_429 = arith.constant 0.000000e+00 : f32
    %min3A_430 = vector.broadcast %min3A_429 : f32 to vector<512xf32>
    %min3A_431 = arith.minimumf %reduce_sum3A_428, %min3A_430 : vector<512xf32>
    %abs3A_432 = math.absf %reduce_sum3A_428 : vector<512xf32>
    %neg3A_433 = arith.constant 0.000000e+00 : f32
    %neg3A_434 = vector.broadcast %neg3A_433 : f32 to vector<512xf32>
    %neg3A_435 = arith.subf %neg3A_434, %abs3A_432 : vector<512xf32>
    %exp3A_436 = math.exp %neg3A_435 : vector<512xf32>
    %log1p3A_437 = math.log1p %exp3A_436 : vector<512xf32>
    %sub3A_438 = arith.subf %min3A_431, %log1p3A_437 : vector<512xf32>
    %reduce_sum3A_439 = vector.shape_cast %sub3A_438 : vector<512xf32> to vector<1x512xf32>
    %reduce_sum3A_440 = arith.constant dense<0.000000e+00> : vector<1xf32>
    %reduce_sum3A_441 = vector.multi_reduction <add>, %reduce_sum3A_439, %reduce_sum3A_440 [1] : vector<1x512xf32> to vector<1xf32>
    %reduce_sum3A_442 = vector.shape_cast %reduce_sum3A_441 : vector<1xf32> to vector<1x1xf32>
    %reduce_sum3A_443 = vector.extract %reduce_sum3A_442[0, 0] : f32 from vector<1x1xf32>
    %mul3A_444 = arith.constant 2.616320e+05 : f32
    %mul3A_445 = arith.constant 0.693147182 : f32
    %mul3A_446 = arith.mulf %mul3A_444, %mul3A_445 : f32
    %sub3A_447 = arith.subf %reduce_sum3A_443, %mul3A_446 : f32
    %add3A_448 = arith.addf %add3A_192, %sub3A_447 : f32
    %neg3A_449 = arith.constant 0.000000e+00 : f32
    %neg3A_450 = vector.broadcast %neg3A_449 : f32 to vector<512x512xf32>
    %neg3A_451 = arith.subf %neg3A_450, %dot_general3A_304 : vector<512x512xf32>
    %min3A_452 = arith.constant 0.000000e+00 : f32
    %min3A_453 = vector.broadcast %min3A_452 : f32 to vector<512x512xf32>
    %min3A_454 = arith.minimumf %neg3A_451, %min3A_453 : vector<512x512xf32>
    %abs3A_455 = math.absf %neg3A_451 : vector<512x512xf32>
    %neg3A_456 = arith.constant 0.000000e+00 : f32
    %neg3A_457 = vector.broadcast %neg3A_456 : f32 to vector<512x512xf32>
    %neg3A_458 = arith.subf %neg3A_457, %abs3A_455 : vector<512x512xf32>
    %exp3A_459 = math.exp %neg3A_458 : vector<512x512xf32>
    %log1p3A_460 = math.log1p %exp3A_459 : vector<512x512xf32>
    %sub3A_461 = arith.subf %min3A_454, %log1p3A_460 : vector<512x512xf32>
    %reduce_sum3A_462 = arith.constant dense<0.000000e+00> : vector<512xf32>
    %reduce_sum3A_463 = vector.multi_reduction <add>, %sub3A_461, %reduce_sum3A_462 [1] : vector<512x512xf32> to vector<512xf32>
    %neg3A_464 = arith.constant 0.000000e+00 : f32
    %neg3A_465 = vector.broadcast %neg3A_464 : f32 to vector<512xf32>
    %neg3A_466 = arith.subf %neg3A_465, %reduce_sum3A_428 : vector<512xf32>
    %min3A_467 = arith.constant 0.000000e+00 : f32
    %min3A_468 = vector.broadcast %min3A_467 : f32 to vector<512xf32>
    %min3A_469 = arith.minimumf %neg3A_466, %min3A_468 : vector<512xf32>
    %abs3A_470 = math.absf %neg3A_466 : vector<512xf32>
    %neg3A_471 = arith.constant 0.000000e+00 : f32
    %neg3A_472 = vector.broadcast %neg3A_471 : f32 to vector<512xf32>
    %neg3A_473 = arith.subf %neg3A_472, %abs3A_470 : vector<512xf32>
    %exp3A_474 = math.exp %neg3A_473 : vector<512xf32>
    %log1p3A_475 = math.log1p %exp3A_474 : vector<512xf32>
    %sub3A_476 = arith.subf %min3A_469, %log1p3A_475 : vector<512xf32>
    %reduce_sum3A_477 = vector.shape_cast %reduce_sum3A_463 : vector<512xf32> to vector<1x512xf32>
    %reduce_sum3A_478 = arith.constant dense<0.000000e+00> : vector<1xf32>
    %reduce_sum3A_479 = vector.multi_reduction <add>, %reduce_sum3A_477, %reduce_sum3A_478 [1] : vector<1x512xf32> to vector<1xf32>
    %reduce_sum3A_480 = vector.shape_cast %reduce_sum3A_479 : vector<1xf32> to vector<1x1xf32>
    %reduce_sum3A_481 = vector.extract %reduce_sum3A_480[0, 0] : f32 from vector<1x1xf32>
    %mul3A_482 = arith.mulf %convert_element_type3A_420, %reduce_sum3A_463 : vector<512xf32>
    %reduce_sum3A_483 = vector.shape_cast %mul3A_482 : vector<512xf32> to vector<1x512xf32>
    %reduce_sum3A_484 = arith.constant dense<0.000000e+00> : vector<1xf32>
    %reduce_sum3A_485 = vector.multi_reduction <add>, %reduce_sum3A_483, %reduce_sum3A_484 [1] : vector<1x512xf32> to vector<1xf32>
    %reduce_sum3A_486 = vector.shape_cast %reduce_sum3A_485 : vector<1xf32> to vector<1x1xf32>
    %reduce_sum3A_487 = vector.extract %reduce_sum3A_486[0, 0] : f32 from vector<1x1xf32>
    %sub3A_488 = arith.subf %reduce_sum3A_481, %reduce_sum3A_487 : f32
    %reduce_sum3A_489 = vector.shape_cast %sub3A_476 : vector<512xf32> to vector<1x512xf32>
    %reduce_sum3A_490 = arith.constant dense<0.000000e+00> : vector<1xf32>
    %reduce_sum3A_491 = vector.multi_reduction <add>, %reduce_sum3A_489, %reduce_sum3A_490 [1] : vector<1x512xf32> to vector<1xf32>
    %reduce_sum3A_492 = vector.shape_cast %reduce_sum3A_491 : vector<1xf32> to vector<1x1xf32>
    %reduce_sum3A_493 = vector.extract %reduce_sum3A_492[0, 0] : f32 from vector<1x1xf32>
    %sub3A_494 = arith.subf %sub3A_488, %reduce_sum3A_493 : f32
    %mul3A_495 = arith.mulf %convert_element_type3A_420, %sub3A_476 : vector<512xf32>
    %reduce_sum3A_496 = vector.shape_cast %mul3A_495 : vector<512xf32> to vector<1x512xf32>
    %reduce_sum3A_497 = arith.constant dense<0.000000e+00> : vector<1xf32>
    %reduce_sum3A_498 = vector.multi_reduction <add>, %reduce_sum3A_496, %reduce_sum3A_497 [1] : vector<1x512xf32> to vector<1xf32>
    %reduce_sum3A_499 = vector.shape_cast %reduce_sum3A_498 : vector<1xf32> to vector<1x1xf32>
    %reduce_sum3A_500 = vector.extract %reduce_sum3A_499[0, 0] : f32 from vector<1x1xf32>
    %add3A_501 = arith.addf %sub3A_494, %reduce_sum3A_500 : f32
    %sub3A_502 = arith.constant 5.120000e+02 : f32
    %sub3A_503 = arith.constant 1.000000e+00 : f32
    %sub3A_504 = arith.subf %sub3A_502, %sub3A_503 : f32
    %mul3A_505 = arith.mulf %sub3A_504, %reduce_sum3A_425 : f32
    %add3A_506 = arith.constant 5.120000e+02 : f32
    %add3A_507 = arith.addf %add3A_506, %mul3A_505 : f32
    %mul3A_508 = arith.constant 0.693147182 : f32
    %mul3A_509 = arith.mulf %add3A_507, %mul3A_508 : f32
    %sub3A_510 = arith.subf %add3A_501, %mul3A_509 : f32
    %add3A_511 = arith.addf %add3A_256, %sub3A_510 : f32
    %get3A_512 = arith.constant 2 : index
    %get3A_513 = arith.constant 0 : index
    %get3A_514 = arith.constant 0 : index
    %get3A_515 = vector.load %arg1[%get3A_512, %get3A_513, %get3A_514] : memref<8x512x256xf32, #tpu.memory_space<vmem>>, vector<1x512x256xf32>
    %get3A_516 = vector.shape_cast %get3A_515 : vector<1x512x256xf32> to vector<512x256xf32>
    %dot_general3A_517 = arith.constant dense<0.000000e+00> : vector<512x256xf32>
    %dot_general3A_518 = tpu.matmul %get3A_516, %get3A_6, %dot_general3A_517 {dimension_numbers = #tpu.dot_dimension_numbers<[1], [0], [0], [1], [0, 0, 1, 1], [], []>, transpose_lhs_hint = false} : vector<512x256xf32>, vector<256x256xf32>, vector<512x256xf32> -> vector<512x256xf32>
    %dot_general3A_519 = arith.constant dense<0.000000e+00> : vector<512x256xf32>
    %dot_general3A_520 = tpu.matmul %get3A_3, %dot_general3A_518, %dot_general3A_519 {dimension_numbers = #tpu.dot_dimension_numbers<[1], [0], [0], [1], [0, 0, 1, 1], [], []>, transpose_lhs_hint = false} : vector<512x512xf32>, vector<512x256xf32>, vector<512x256xf32> -> vector<512x256xf32>
    %add3A_521 = vector.broadcast %get3A_12 : vector<1x256xf32> to vector<512x256xf32>
    %add3A_522 = arith.addf %dot_general3A_520, %add3A_521 : vector<512x256xf32>
    %max3A_523 = arith.constant 0.000000e+00 : f32
    %max3A_524 = vector.broadcast %max3A_523 : f32 to vector<512x256xf32>
    %max3A_525 = arith.maximumf %add3A_522, %max3A_524 : vector<512x256xf32>
    %dot_general3A_526 = arith.constant dense<0.000000e+00> : vector<512x128xf32>
    %dot_general3A_527 = tpu.matmul %max3A_525, %get3A_9, %dot_general3A_526 {dimension_numbers = #tpu.dot_dimension_numbers<[1], [0], [0], [1], [0, 0, 1, 1], [], []>, transpose_lhs_hint = false} : vector<512x256xf32>, vector<256x128xf32>, vector<512x128xf32> -> vector<512x128xf32>
    %dot_general3A_528 = arith.constant dense<0.000000e+00> : vector<512x128xf32>
    %dot_general3A_529 = tpu.matmul %get3A_3, %dot_general3A_527, %dot_general3A_528 {dimension_numbers = #tpu.dot_dimension_numbers<[1], [0], [0], [1], [0, 0, 1, 1], [], []>, transpose_lhs_hint = false} : vector<512x512xf32>, vector<512x128xf32>, vector<512x128xf32> -> vector<512x128xf32>
    %add3A_530 = vector.broadcast %get3A_15 : vector<1x128xf32> to vector<512x128xf32>
    %add3A_531 = arith.addf %dot_general3A_529, %add3A_530 : vector<512x128xf32>
    %max3A_532 = arith.constant 0.000000e+00 : f32
    %max3A_533 = vector.broadcast %max3A_532 : f32 to vector<512x128xf32>
    %max3A_534 = arith.maximumf %add3A_531, %max3A_533 : vector<512x128xf32>
    %get3A_535 = arith.constant 2 : index
    %get3A_536 = arith.constant 0 : index
    %get3A_537 = arith.constant 0 : index
    %get3A_538 = vector.load %arg2[%get3A_535, %get3A_536, %get3A_537] : memref<8x512x256xf32, #tpu.memory_space<vmem>>, vector<1x512x256xf32>
    %get3A_539 = vector.shape_cast %get3A_538 : vector<1x512x256xf32> to vector<512x256xf32>
    %dot_general3A_540 = arith.constant dense<0.000000e+00> : vector<512x256xf32>
    %dot_general3A_541 = tpu.matmul %get3A_539, %get3A_6, %dot_general3A_540 {dimension_numbers = #tpu.dot_dimension_numbers<[1], [0], [0], [1], [0, 0, 1, 1], [], []>, transpose_lhs_hint = false} : vector<512x256xf32>, vector<256x256xf32>, vector<512x256xf32> -> vector<512x256xf32>
    %dot_general3A_542 = arith.constant dense<0.000000e+00> : vector<512x256xf32>
    %dot_general3A_543 = tpu.matmul %get3A_3, %dot_general3A_541, %dot_general3A_542 {dimension_numbers = #tpu.dot_dimension_numbers<[1], [0], [0], [1], [0, 0, 1, 1], [], []>, transpose_lhs_hint = false} : vector<512x512xf32>, vector<512x256xf32>, vector<512x256xf32> -> vector<512x256xf32>
    %add3A_544 = vector.broadcast %get3A_12 : vector<1x256xf32> to vector<512x256xf32>
    %add3A_545 = arith.addf %dot_general3A_543, %add3A_544 : vector<512x256xf32>
    %max3A_546 = arith.constant 0.000000e+00 : f32
    %max3A_547 = vector.broadcast %max3A_546 : f32 to vector<512x256xf32>
    %max3A_548 = arith.maximumf %add3A_545, %max3A_547 : vector<512x256xf32>
    %dot_general3A_549 = arith.constant dense<0.000000e+00> : vector<512x128xf32>
    %dot_general3A_550 = tpu.matmul %max3A_548, %get3A_9, %dot_general3A_549 {dimension_numbers = #tpu.dot_dimension_numbers<[1], [0], [0], [1], [0, 0, 1, 1], [], []>, transpose_lhs_hint = false} : vector<512x256xf32>, vector<256x128xf32>, vector<512x128xf32> -> vector<512x128xf32>
    %dot_general3A_551 = arith.constant dense<0.000000e+00> : vector<512x128xf32>
    %dot_general3A_552 = tpu.matmul %get3A_3, %dot_general3A_550, %dot_general3A_551 {dimension_numbers = #tpu.dot_dimension_numbers<[1], [0], [0], [1], [0, 0, 1, 1], [], []>, transpose_lhs_hint = false} : vector<512x512xf32>, vector<512x128xf32>, vector<512x128xf32> -> vector<512x128xf32>
    %add3A_553 = vector.broadcast %get3A_15 : vector<1x128xf32> to vector<512x128xf32>
    %add3A_554 = arith.addf %dot_general3A_552, %add3A_553 : vector<512x128xf32>
    %max3A_555 = arith.constant 0.000000e+00 : f32
    %max3A_556 = vector.broadcast %max3A_555 : f32 to vector<512x128xf32>
    %max3A_557 = arith.maximumf %add3A_554, %max3A_556 : vector<512x128xf32>
    %dot_general3A_558 = arith.constant dense<0.000000e+00> : vector<512x512xf32>
    %dot_general3A_559 = tpu.matmul %max3A_534, %max3A_557, %dot_general3A_558 {dimension_numbers = #tpu.dot_dimension_numbers<[1], [1], [0], [0], [0, 0, 1, 0], [], []>, transpose_lhs_hint = false} : vector<512x128xf32>, vector<512x128xf32>, vector<512x512xf32> -> vector<512x512xf32>
    %reduce_sum3A_560 = arith.constant dense<0.000000e+00> : vector<128xf32>
    %reduce_sum3A_561 = vector.multi_reduction <add>, %max3A_534, %reduce_sum3A_560 [0] : vector<512x128xf32> to vector<128xf32>
    %broadcast_in_dim3A_562 = vector.shape_cast %reduce_sum3A_561 : vector<128xf32> to vector<1x128xf32>
    %mul3A_563 = vector.broadcast %broadcast_in_dim3A_562 : vector<1x128xf32> to vector<512x128xf32>
    %mul3A_564 = arith.mulf %max3A_557, %mul3A_563 : vector<512x128xf32>
    %reduce_sum3A_565 = arith.constant dense<0.000000e+00> : vector<512xf32>
    %reduce_sum3A_566 = vector.multi_reduction <add>, %mul3A_564, %reduce_sum3A_565 [1] : vector<512x128xf32> to vector<512xf32>
    %jit3A_567 = arith.constant 9.99999997E-7 : f32
    %max3A_568 = vector.broadcast %jit3A_567 : f32 to vector<512xf32>
    %max3A_569 = arith.maximumf %max3A_568, %reduce_sum3A_566 : vector<512xf32>
    %div3A_570 = arith.divf %reduce_sum3A_566, %max3A_569 : vector<512xf32>
    %reduce_sum3A_571 = vector.shape_cast %div3A_570 : vector<512xf32> to vector<1x512xf32>
    %reduce_sum3A_572 = arith.constant dense<0.000000e+00> : vector<1xf32>
    %reduce_sum3A_573 = vector.multi_reduction <add>, %reduce_sum3A_571, %reduce_sum3A_572 [1] : vector<1x512xf32> to vector<1xf32>
    %reduce_sum3A_574 = vector.shape_cast %reduce_sum3A_573 : vector<1xf32> to vector<1x1xf32>
    %reduce_sum3A_575 = vector.extract %reduce_sum3A_574[0, 0] : f32 from vector<1x1xf32>
    %add3A_576 = arith.addf %add3A_321, %reduce_sum3A_575 : f32
    %div3A_577 = arith.constant 5.120000e+02 : f32
    %div3A_578 = vector.broadcast %div3A_577 : f32 to vector<128xf32>
    %div3A_579 = arith.divf %reduce_sum3A_561, %div3A_578 : vector<128xf32>
    %broadcast_in_dim3A_580 = vector.shape_cast %div3A_579 : vector<128xf32> to vector<1x128xf32>
    %sub3A_581 = vector.broadcast %broadcast_in_dim3A_580 : vector<1x128xf32> to vector<512x128xf32>
    %sub3A_582 = arith.subf %max3A_534, %sub3A_581 : vector<512x128xf32>
    %integer_pow3A_583 = arith.mulf %sub3A_582, %sub3A_582 : vector<512x128xf32>
    %reduce_sum3A_584 = arith.constant dense<0.000000e+00> : vector<128xf32>
    %reduce_sum3A_585 = vector.multi_reduction <add>, %integer_pow3A_583, %reduce_sum3A_584 [0] : vector<512x128xf32> to vector<128xf32>
    %sub3A_586 = arith.constant 5.120000e+02 : f32
    %sub3A_587 = arith.constant 1.000000e+00 : f32
    %sub3A_588 = arith.subf %sub3A_586, %sub3A_587 : f32
    %div3A_589 = vector.broadcast %sub3A_588 : f32 to vector<128xf32>
    %div3A_590 = arith.divf %reduce_sum3A_585, %div3A_589 : vector<128xf32>
    %sqrt3A_591 = math.sqrt %div3A_590 : vector<128xf32>
    %add3A_592 = arith.constant 9.99999996E-13 : f32
    %add3A_593 = vector.broadcast %add3A_592 : f32 to vector<128xf32>
    %add3A_594 = arith.addf %sqrt3A_591, %add3A_593 : vector<128xf32>
    %reduce_sum3A_595 = arith.constant dense<0.000000e+00> : vector<128xf32>
    %reduce_sum3A_596 = vector.multi_reduction <add>, %max3A_557, %reduce_sum3A_595 [0] : vector<512x128xf32> to vector<128xf32>
    %div3A_597 = arith.constant 5.120000e+02 : f32
    %div3A_598 = vector.broadcast %div3A_597 : f32 to vector<128xf32>
    %div3A_599 = arith.divf %reduce_sum3A_596, %div3A_598 : vector<128xf32>
    %broadcast_in_dim3A_600 = vector.shape_cast %div3A_599 : vector<128xf32> to vector<1x128xf32>
    %sub3A_601 = vector.broadcast %broadcast_in_dim3A_600 : vector<1x128xf32> to vector<512x128xf32>
    %sub3A_602 = arith.subf %max3A_557, %sub3A_601 : vector<512x128xf32>
    %integer_pow3A_603 = arith.mulf %sub3A_602, %sub3A_602 : vector<512x128xf32>
    %reduce_sum3A_604 = arith.constant dense<0.000000e+00> : vector<128xf32>
    %reduce_sum3A_605 = vector.multi_reduction <add>, %integer_pow3A_603, %reduce_sum3A_604 [0] : vector<512x128xf32> to vector<128xf32>
    %sub3A_606 = arith.constant 5.120000e+02 : f32
    %sub3A_607 = arith.constant 1.000000e+00 : f32
    %sub3A_608 = arith.subf %sub3A_606, %sub3A_607 : f32
    %div3A_609 = vector.broadcast %sub3A_608 : f32 to vector<128xf32>
    %div3A_610 = arith.divf %reduce_sum3A_605, %div3A_609 : vector<128xf32>
    %sqrt3A_611 = math.sqrt %div3A_610 : vector<128xf32>
    %add3A_612 = arith.constant 9.99999996E-13 : f32
    %add3A_613 = vector.broadcast %add3A_612 : f32 to vector<128xf32>
    %add3A_614 = arith.addf %sqrt3A_611, %add3A_613 : vector<128xf32>
    %broadcast_in_dim3A_615 = vector.shape_cast %div3A_579 : vector<128xf32> to vector<1x128xf32>
    %sub3A_616 = vector.broadcast %broadcast_in_dim3A_615 : vector<1x128xf32> to vector<512x128xf32>
    %sub3A_617 = arith.subf %max3A_557, %sub3A_616 : vector<512x128xf32>
    %div3A_618 = arith.constant 1.000000e+00 : f32
    %div3A_619 = vector.broadcast %div3A_618 : f32 to vector<128xf32>
    %div3A_620 = arith.divf %div3A_619, %add3A_594 : vector<128xf32>
    %broadcast_in_dim3A_621 = vector.shape_cast %div3A_620 : vector<128xf32> to vector<1x128xf32>
    %mul3A_622 = vector.broadcast %broadcast_in_dim3A_621 : vector<1x128xf32> to vector<512x128xf32>
    %mul3A_623 = arith.mulf %sub3A_617, %mul3A_622 : vector<512x128xf32>
    %mul3A_624 = arith.constant -5.000000e-01 : f32
    %mul3A_625 = vector.broadcast %mul3A_624 : f32 to vector<512x128xf32>
    %mul3A_626 = arith.mulf %mul3A_625, %mul3A_623 : vector<512x128xf32>
    %mul3A_627 = arith.mulf %mul3A_626, %mul3A_623 : vector<512x128xf32>
    %exp3A_628 = math.exp %mul3A_627 : vector<512x128xf32>
    %mul3A_629 = arith.constant 2.50662827 : f32
    %mul3A_630 = vector.broadcast %mul3A_629 : f32 to vector<128xf32>
    %mul3A_631 = arith.mulf %add3A_594, %mul3A_630 : vector<128xf32>
    %div3A_632 = arith.constant 1.000000e+00 : f32
    %div3A_633 = vector.broadcast %div3A_632 : f32 to vector<128xf32>
    %div3A_634 = arith.divf %div3A_633, %mul3A_631 : vector<128xf32>
    %broadcast_in_dim3A_635 = vector.shape_cast %div3A_634 : vector<128xf32> to vector<1x128xf32>
    %mul3A_636 = vector.broadcast %broadcast_in_dim3A_635 : vector<1x128xf32> to vector<512x128xf32>
    %mul3A_637 = arith.mulf %exp3A_628, %mul3A_636 : vector<512x128xf32>
    %broadcast_in_dim3A_638 = vector.shape_cast %div3A_599 : vector<128xf32> to vector<1x128xf32>
    %sub3A_639 = vector.broadcast %broadcast_in_dim3A_638 : vector<1x128xf32> to vector<512x128xf32>
    %sub3A_640 = arith.subf %max3A_557, %sub3A_639 : vector<512x128xf32>
    %div3A_641 = arith.constant 1.000000e+00 : f32
    %div3A_642 = vector.broadcast %div3A_641 : f32 to vector<128xf32>
    %div3A_643 = arith.divf %div3A_642, %add3A_614 : vector<128xf32>
    %broadcast_in_dim3A_644 = vector.shape_cast %div3A_643 : vector<128xf32> to vector<1x128xf32>
    %mul3A_645 = vector.broadcast %broadcast_in_dim3A_644 : vector<1x128xf32> to vector<512x128xf32>
    %mul3A_646 = arith.mulf %sub3A_640, %mul3A_645 : vector<512x128xf32>
    %mul3A_647 = arith.constant -5.000000e-01 : f32
    %mul3A_648 = vector.broadcast %mul3A_647 : f32 to vector<512x128xf32>
    %mul3A_649 = arith.mulf %mul3A_648, %mul3A_646 : vector<512x128xf32>
    %mul3A_650 = arith.mulf %mul3A_649, %mul3A_646 : vector<512x128xf32>
    %exp3A_651 = math.exp %mul3A_650 : vector<512x128xf32>
    %mul3A_652 = arith.constant 2.50662827 : f32
    %mul3A_653 = vector.broadcast %mul3A_652 : f32 to vector<128xf32>
    %mul3A_654 = arith.mulf %add3A_614, %mul3A_653 : vector<128xf32>
    %div3A_655 = arith.constant 1.000000e+00 : f32
    %div3A_656 = vector.broadcast %div3A_655 : f32 to vector<128xf32>
    %div3A_657 = arith.divf %div3A_656, %mul3A_654 : vector<128xf32>
    %broadcast_in_dim3A_658 = vector.shape_cast %div3A_657 : vector<128xf32> to vector<1x128xf32>
    %mul3A_659 = vector.broadcast %broadcast_in_dim3A_658 : vector<1x128xf32> to vector<512x128xf32>
    %mul3A_660 = arith.mulf %exp3A_651, %mul3A_659 : vector<512x128xf32>
    %add3A_661 = arith.addf %mul3A_637, %mul3A_660 : vector<512x128xf32>
    %add3A_662 = arith.constant 2.000000e-12 : f32
    %add3A_663 = vector.broadcast %add3A_662 : f32 to vector<512x128xf32>
    %add3A_664 = arith.addf %add3A_661, %add3A_663 : vector<512x128xf32>
    %div3A_665 = arith.divf %mul3A_637, %add3A_664 : vector<512x128xf32>
    %reduce_sum3A_666 = arith.constant dense<0.000000e+00> : vector<512xf32>
    %reduce_sum3A_667 = vector.multi_reduction <add>, %div3A_665, %reduce_sum3A_666 [1] : vector<512x128xf32> to vector<512xf32>
    %mul3A_668 = arith.constant 7.812500e-03 : f32
    %mul3A_669 = vector.broadcast %mul3A_668 : f32 to vector<512xf32>
    %mul3A_670 = arith.mulf %reduce_sum3A_667, %mul3A_669 : vector<512xf32>
    %gt3A_671 = arith.constant 6.000000e-01 : f32
    %gt3A_672 = vector.broadcast %gt3A_671 : f32 to vector<512xf32>
    %gt3A_673 = arith.cmpf ogt, %mul3A_670, %gt3A_672 : vector<512xf32>
    %convert_element_type3A_674 = arith.extui %gt3A_673 : vector<512xi1> to vector<512xi32>
    %convert_element_type3A_675 = arith.sitofp %convert_element_type3A_674 : vector<512xi32> to vector<512xf32>
    %reduce_sum3A_676 = vector.shape_cast %convert_element_type3A_675 : vector<512xf32> to vector<1x512xf32>
    %reduce_sum3A_677 = arith.constant dense<0.000000e+00> : vector<1xf32>
    %reduce_sum3A_678 = vector.multi_reduction <add>, %reduce_sum3A_676, %reduce_sum3A_677 [1] : vector<1x512xf32> to vector<1xf32>
    %reduce_sum3A_679 = vector.shape_cast %reduce_sum3A_678 : vector<1xf32> to vector<1x1xf32>
    %reduce_sum3A_680 = vector.extract %reduce_sum3A_679[0, 0] : f32 from vector<1x1xf32>
    %mul3A_681 = arith.mulf %max3A_534, %max3A_557 : vector<512x128xf32>
    %reduce_sum3A_682 = arith.constant dense<0.000000e+00> : vector<512xf32>
    %reduce_sum3A_683 = vector.multi_reduction <add>, %mul3A_681, %reduce_sum3A_682 [1] : vector<512x128xf32> to vector<512xf32>
    %min3A_684 = arith.constant 0.000000e+00 : f32
    %min3A_685 = vector.broadcast %min3A_684 : f32 to vector<512xf32>
    %min3A_686 = arith.minimumf %reduce_sum3A_683, %min3A_685 : vector<512xf32>
    %abs3A_687 = math.absf %reduce_sum3A_683 : vector<512xf32>
    %neg3A_688 = arith.constant 0.000000e+00 : f32
    %neg3A_689 = vector.broadcast %neg3A_688 : f32 to vector<512xf32>
    %neg3A_690 = arith.subf %neg3A_689, %abs3A_687 : vector<512xf32>
    %exp3A_691 = math.exp %neg3A_690 : vector<512xf32>
    %log1p3A_692 = math.log1p %exp3A_691 : vector<512xf32>
    %sub3A_693 = arith.subf %min3A_686, %log1p3A_692 : vector<512xf32>
    %reduce_sum3A_694 = vector.shape_cast %sub3A_693 : vector<512xf32> to vector<1x512xf32>
    %reduce_sum3A_695 = arith.constant dense<0.000000e+00> : vector<1xf32>
    %reduce_sum3A_696 = vector.multi_reduction <add>, %reduce_sum3A_694, %reduce_sum3A_695 [1] : vector<1x512xf32> to vector<1xf32>
    %reduce_sum3A_697 = vector.shape_cast %reduce_sum3A_696 : vector<1xf32> to vector<1x1xf32>
    %reduce_sum3A_698 = vector.extract %reduce_sum3A_697[0, 0] : f32 from vector<1x1xf32>
    %mul3A_699 = arith.constant 2.616320e+05 : f32
    %mul3A_700 = arith.constant 0.693147182 : f32
    %mul3A_701 = arith.mulf %mul3A_699, %mul3A_700 : f32
    %sub3A_702 = arith.subf %reduce_sum3A_698, %mul3A_701 : f32
    %add3A_703 = arith.addf %add3A_448, %sub3A_702 : f32
    %neg3A_704 = arith.constant 0.000000e+00 : f32
    %neg3A_705 = vector.broadcast %neg3A_704 : f32 to vector<512x512xf32>
    %neg3A_706 = arith.subf %neg3A_705, %dot_general3A_559 : vector<512x512xf32>
    %min3A_707 = arith.constant 0.000000e+00 : f32
    %min3A_708 = vector.broadcast %min3A_707 : f32 to vector<512x512xf32>
    %min3A_709 = arith.minimumf %neg3A_706, %min3A_708 : vector<512x512xf32>
    %abs3A_710 = math.absf %neg3A_706 : vector<512x512xf32>
    %neg3A_711 = arith.constant 0.000000e+00 : f32
    %neg3A_712 = vector.broadcast %neg3A_711 : f32 to vector<512x512xf32>
    %neg3A_713 = arith.subf %neg3A_712, %abs3A_710 : vector<512x512xf32>
    %exp3A_714 = math.exp %neg3A_713 : vector<512x512xf32>
    %log1p3A_715 = math.log1p %exp3A_714 : vector<512x512xf32>
    %sub3A_716 = arith.subf %min3A_709, %log1p3A_715 : vector<512x512xf32>
    %reduce_sum3A_717 = arith.constant dense<0.000000e+00> : vector<512xf32>
    %reduce_sum3A_718 = vector.multi_reduction <add>, %sub3A_716, %reduce_sum3A_717 [1] : vector<512x512xf32> to vector<512xf32>
    %neg3A_719 = arith.constant 0.000000e+00 : f32
    %neg3A_720 = vector.broadcast %neg3A_719 : f32 to vector<512xf32>
    %neg3A_721 = arith.subf %neg3A_720, %reduce_sum3A_683 : vector<512xf32>
    %min3A_722 = arith.constant 0.000000e+00 : f32
    %min3A_723 = vector.broadcast %min3A_722 : f32 to vector<512xf32>
    %min3A_724 = arith.minimumf %neg3A_721, %min3A_723 : vector<512xf32>
    %abs3A_725 = math.absf %neg3A_721 : vector<512xf32>
    %neg3A_726 = arith.constant 0.000000e+00 : f32
    %neg3A_727 = vector.broadcast %neg3A_726 : f32 to vector<512xf32>
    %neg3A_728 = arith.subf %neg3A_727, %abs3A_725 : vector<512xf32>
    %exp3A_729 = math.exp %neg3A_728 : vector<512xf32>
    %log1p3A_730 = math.log1p %exp3A_729 : vector<512xf32>
    %sub3A_731 = arith.subf %min3A_724, %log1p3A_730 : vector<512xf32>
    %reduce_sum3A_732 = vector.shape_cast %reduce_sum3A_718 : vector<512xf32> to vector<1x512xf32>
    %reduce_sum3A_733 = arith.constant dense<0.000000e+00> : vector<1xf32>
    %reduce_sum3A_734 = vector.multi_reduction <add>, %reduce_sum3A_732, %reduce_sum3A_733 [1] : vector<1x512xf32> to vector<1xf32>
    %reduce_sum3A_735 = vector.shape_cast %reduce_sum3A_734 : vector<1xf32> to vector<1x1xf32>
    %reduce_sum3A_736 = vector.extract %reduce_sum3A_735[0, 0] : f32 from vector<1x1xf32>
    %mul3A_737 = arith.mulf %convert_element_type3A_675, %reduce_sum3A_718 : vector<512xf32>
    %reduce_sum3A_738 = vector.shape_cast %mul3A_737 : vector<512xf32> to vector<1x512xf32>
    %reduce_sum3A_739 = arith.constant dense<0.000000e+00> : vector<1xf32>
    %reduce_sum3A_740 = vector.multi_reduction <add>, %reduce_sum3A_738, %reduce_sum3A_739 [1] : vector<1x512xf32> to vector<1xf32>
    %reduce_sum3A_741 = vector.shape_cast %reduce_sum3A_740 : vector<1xf32> to vector<1x1xf32>
    %reduce_sum3A_742 = vector.extract %reduce_sum3A_741[0, 0] : f32 from vector<1x1xf32>
    %sub3A_743 = arith.subf %reduce_sum3A_736, %reduce_sum3A_742 : f32
    %reduce_sum3A_744 = vector.shape_cast %sub3A_731 : vector<512xf32> to vector<1x512xf32>
    %reduce_sum3A_745 = arith.constant dense<0.000000e+00> : vector<1xf32>
    %reduce_sum3A_746 = vector.multi_reduction <add>, %reduce_sum3A_744, %reduce_sum3A_745 [1] : vector<1x512xf32> to vector<1xf32>
    %reduce_sum3A_747 = vector.shape_cast %reduce_sum3A_746 : vector<1xf32> to vector<1x1xf32>
    %reduce_sum3A_748 = vector.extract %reduce_sum3A_747[0, 0] : f32 from vector<1x1xf32>
    %sub3A_749 = arith.subf %sub3A_743, %reduce_sum3A_748 : f32
    %mul3A_750 = arith.mulf %convert_element_type3A_675, %sub3A_731 : vector<512xf32>
    %reduce_sum3A_751 = vector.shape_cast %mul3A_750 : vector<512xf32> to vector<1x512xf32>
    %reduce_sum3A_752 = arith.constant dense<0.000000e+00> : vector<1xf32>
    %reduce_sum3A_753 = vector.multi_reduction <add>, %reduce_sum3A_751, %reduce_sum3A_752 [1] : vector<1x512xf32> to vector<1xf32>
    %reduce_sum3A_754 = vector.shape_cast %reduce_sum3A_753 : vector<1xf32> to vector<1x1xf32>
    %reduce_sum3A_755 = vector.extract %reduce_sum3A_754[0, 0] : f32 from vector<1x1xf32>
    %add3A_756 = arith.addf %sub3A_749, %reduce_sum3A_755 : f32
    %sub3A_757 = arith.constant 5.120000e+02 : f32
    %sub3A_758 = arith.constant 1.000000e+00 : f32
    %sub3A_759 = arith.subf %sub3A_757, %sub3A_758 : f32
    %mul3A_760 = arith.mulf %sub3A_759, %reduce_sum3A_680 : f32
    %add3A_761 = arith.constant 5.120000e+02 : f32
    %add3A_762 = arith.addf %add3A_761, %mul3A_760 : f32
    %mul3A_763 = arith.constant 0.693147182 : f32
    %mul3A_764 = arith.mulf %add3A_762, %mul3A_763 : f32
    %sub3A_765 = arith.subf %add3A_756, %mul3A_764 : f32
    %add3A_766 = arith.addf %add3A_511, %sub3A_765 : f32
    %get3A_767 = arith.constant 3 : index
    %get3A_768 = arith.constant 0 : index
    %get3A_769 = arith.constant 0 : index
    %get3A_770 = vector.load %arg1[%get3A_767, %get3A_768, %get3A_769] : memref<8x512x256xf32, #tpu.memory_space<vmem>>, vector<1x512x256xf32>
    %get3A_771 = vector.shape_cast %get3A_770 : vector<1x512x256xf32> to vector<512x256xf32>
    %dot_general3A_772 = arith.constant dense<0.000000e+00> : vector<512x256xf32>
    %dot_general3A_773 = tpu.matmul %get3A_771, %get3A_6, %dot_general3A_772 {dimension_numbers = #tpu.dot_dimension_numbers<[1], [0], [0], [1], [0, 0, 1, 1], [], []>, transpose_lhs_hint = false} : vector<512x256xf32>, vector<256x256xf32>, vector<512x256xf32> -> vector<512x256xf32>
    %dot_general3A_774 = arith.constant dense<0.000000e+00> : vector<512x256xf32>
    %dot_general3A_775 = tpu.matmul %get3A_3, %dot_general3A_773, %dot_general3A_774 {dimension_numbers = #tpu.dot_dimension_numbers<[1], [0], [0], [1], [0, 0, 1, 1], [], []>, transpose_lhs_hint = false} : vector<512x512xf32>, vector<512x256xf32>, vector<512x256xf32> -> vector<512x256xf32>
    %add3A_776 = vector.broadcast %get3A_12 : vector<1x256xf32> to vector<512x256xf32>
    %add3A_777 = arith.addf %dot_general3A_775, %add3A_776 : vector<512x256xf32>
    %max3A_778 = arith.constant 0.000000e+00 : f32
    %max3A_779 = vector.broadcast %max3A_778 : f32 to vector<512x256xf32>
    %max3A_780 = arith.maximumf %add3A_777, %max3A_779 : vector<512x256xf32>
    %dot_general3A_781 = arith.constant dense<0.000000e+00> : vector<512x128xf32>
    %dot_general3A_782 = tpu.matmul %max3A_780, %get3A_9, %dot_general3A_781 {dimension_numbers = #tpu.dot_dimension_numbers<[1], [0], [0], [1], [0, 0, 1, 1], [], []>, transpose_lhs_hint = false} : vector<512x256xf32>, vector<256x128xf32>, vector<512x128xf32> -> vector<512x128xf32>
    %dot_general3A_783 = arith.constant dense<0.000000e+00> : vector<512x128xf32>
    %dot_general3A_784 = tpu.matmul %get3A_3, %dot_general3A_782, %dot_general3A_783 {dimension_numbers = #tpu.dot_dimension_numbers<[1], [0], [0], [1], [0, 0, 1, 1], [], []>, transpose_lhs_hint = false} : vector<512x512xf32>, vector<512x128xf32>, vector<512x128xf32> -> vector<512x128xf32>
    %add3A_785 = vector.broadcast %get3A_15 : vector<1x128xf32> to vector<512x128xf32>
    %add3A_786 = arith.addf %dot_general3A_784, %add3A_785 : vector<512x128xf32>
    %max3A_787 = arith.constant 0.000000e+00 : f32
    %max3A_788 = vector.broadcast %max3A_787 : f32 to vector<512x128xf32>
    %max3A_789 = arith.maximumf %add3A_786, %max3A_788 : vector<512x128xf32>
    %get3A_790 = arith.constant 3 : index
    %get3A_791 = arith.constant 0 : index
    %get3A_792 = arith.constant 0 : index
    %get3A_793 = vector.load %arg2[%get3A_790, %get3A_791, %get3A_792] : memref<8x512x256xf32, #tpu.memory_space<vmem>>, vector<1x512x256xf32>
    %get3A_794 = vector.shape_cast %get3A_793 : vector<1x512x256xf32> to vector<512x256xf32>
    %dot_general3A_795 = arith.constant dense<0.000000e+00> : vector<512x256xf32>
    %dot_general3A_796 = tpu.matmul %get3A_794, %get3A_6, %dot_general3A_795 {dimension_numbers = #tpu.dot_dimension_numbers<[1], [0], [0], [1], [0, 0, 1, 1], [], []>, transpose_lhs_hint = false} : vector<512x256xf32>, vector<256x256xf32>, vector<512x256xf32> -> vector<512x256xf32>
    %dot_general3A_797 = arith.constant dense<0.000000e+00> : vector<512x256xf32>
    %dot_general3A_798 = tpu.matmul %get3A_3, %dot_general3A_796, %dot_general3A_797 {dimension_numbers = #tpu.dot_dimension_numbers<[1], [0], [0], [1], [0, 0, 1, 1], [], []>, transpose_lhs_hint = false} : vector<512x512xf32>, vector<512x256xf32>, vector<512x256xf32> -> vector<512x256xf32>
    %add3A_799 = vector.broadcast %get3A_12 : vector<1x256xf32> to vector<512x256xf32>
    %add3A_800 = arith.addf %dot_general3A_798, %add3A_799 : vector<512x256xf32>
    %max3A_801 = arith.constant 0.000000e+00 : f32
    %max3A_802 = vector.broadcast %max3A_801 : f32 to vector<512x256xf32>
    %max3A_803 = arith.maximumf %add3A_800, %max3A_802 : vector<512x256xf32>
    %dot_general3A_804 = arith.constant dense<0.000000e+00> : vector<512x128xf32>
    %dot_general3A_805 = tpu.matmul %max3A_803, %get3A_9, %dot_general3A_804 {dimension_numbers = #tpu.dot_dimension_numbers<[1], [0], [0], [1], [0, 0, 1, 1], [], []>, transpose_lhs_hint = false} : vector<512x256xf32>, vector<256x128xf32>, vector<512x128xf32> -> vector<512x128xf32>
    %dot_general3A_806 = arith.constant dense<0.000000e+00> : vector<512x128xf32>
    %dot_general3A_807 = tpu.matmul %get3A_3, %dot_general3A_805, %dot_general3A_806 {dimension_numbers = #tpu.dot_dimension_numbers<[1], [0], [0], [1], [0, 0, 1, 1], [], []>, transpose_lhs_hint = false} : vector<512x512xf32>, vector<512x128xf32>, vector<512x128xf32> -> vector<512x128xf32>
    %add3A_808 = vector.broadcast %get3A_15 : vector<1x128xf32> to vector<512x128xf32>
    %add3A_809 = arith.addf %dot_general3A_807, %add3A_808 : vector<512x128xf32>
    %max3A_810 = arith.constant 0.000000e+00 : f32
    %max3A_811 = vector.broadcast %max3A_810 : f32 to vector<512x128xf32>
    %max3A_812 = arith.maximumf %add3A_809, %max3A_811 : vector<512x128xf32>
    %dot_general3A_813 = arith.constant dense<0.000000e+00> : vector<512x512xf32>
    %dot_general3A_814 = tpu.matmul %max3A_789, %max3A_812, %dot_general3A_813 {dimension_numbers = #tpu.dot_dimension_numbers<[1], [1], [0], [0], [0, 0, 1, 0], [], []>, transpose_lhs_hint = false} : vector<512x128xf32>, vector<512x128xf32>, vector<512x512xf32> -> vector<512x512xf32>
    %reduce_sum3A_815 = arith.constant dense<0.000000e+00> : vector<128xf32>
    %reduce_sum3A_816 = vector.multi_reduction <add>, %max3A_789, %reduce_sum3A_815 [0] : vector<512x128xf32> to vector<128xf32>
    %broadcast_in_dim3A_817 = vector.shape_cast %reduce_sum3A_816 : vector<128xf32> to vector<1x128xf32>
    %mul3A_818 = vector.broadcast %broadcast_in_dim3A_817 : vector<1x128xf32> to vector<512x128xf32>
    %mul3A_819 = arith.mulf %max3A_812, %mul3A_818 : vector<512x128xf32>
    %reduce_sum3A_820 = arith.constant dense<0.000000e+00> : vector<512xf32>
    %reduce_sum3A_821 = vector.multi_reduction <add>, %mul3A_819, %reduce_sum3A_820 [1] : vector<512x128xf32> to vector<512xf32>
    %jit3A_822 = arith.constant 9.99999997E-7 : f32
    %max3A_823 = vector.broadcast %jit3A_822 : f32 to vector<512xf32>
    %max3A_824 = arith.maximumf %max3A_823, %reduce_sum3A_821 : vector<512xf32>
    %div3A_825 = arith.divf %reduce_sum3A_821, %max3A_824 : vector<512xf32>
    %reduce_sum3A_826 = vector.shape_cast %div3A_825 : vector<512xf32> to vector<1x512xf32>
    %reduce_sum3A_827 = arith.constant dense<0.000000e+00> : vector<1xf32>
    %reduce_sum3A_828 = vector.multi_reduction <add>, %reduce_sum3A_826, %reduce_sum3A_827 [1] : vector<1x512xf32> to vector<1xf32>
    %reduce_sum3A_829 = vector.shape_cast %reduce_sum3A_828 : vector<1xf32> to vector<1x1xf32>
    %reduce_sum3A_830 = vector.extract %reduce_sum3A_829[0, 0] : f32 from vector<1x1xf32>
    %add3A_831 = arith.addf %add3A_576, %reduce_sum3A_830 : f32
    %div3A_832 = arith.constant 5.120000e+02 : f32
    %div3A_833 = vector.broadcast %div3A_832 : f32 to vector<128xf32>
    %div3A_834 = arith.divf %reduce_sum3A_816, %div3A_833 : vector<128xf32>
    %broadcast_in_dim3A_835 = vector.shape_cast %div3A_834 : vector<128xf32> to vector<1x128xf32>
    %sub3A_836 = vector.broadcast %broadcast_in_dim3A_835 : vector<1x128xf32> to vector<512x128xf32>
    %sub3A_837 = arith.subf %max3A_789, %sub3A_836 : vector<512x128xf32>
    %integer_pow3A_838 = arith.mulf %sub3A_837, %sub3A_837 : vector<512x128xf32>
    %reduce_sum3A_839 = arith.constant dense<0.000000e+00> : vector<128xf32>
    %reduce_sum3A_840 = vector.multi_reduction <add>, %integer_pow3A_838, %reduce_sum3A_839 [0] : vector<512x128xf32> to vector<128xf32>
    %sub3A_841 = arith.constant 5.120000e+02 : f32
    %sub3A_842 = arith.constant 1.000000e+00 : f32
    %sub3A_843 = arith.subf %sub3A_841, %sub3A_842 : f32
    %div3A_844 = vector.broadcast %sub3A_843 : f32 to vector<128xf32>
    %div3A_845 = arith.divf %reduce_sum3A_840, %div3A_844 : vector<128xf32>
    %sqrt3A_846 = math.sqrt %div3A_845 : vector<128xf32>
    %add3A_847 = arith.constant 9.99999996E-13 : f32
    %add3A_848 = vector.broadcast %add3A_847 : f32 to vector<128xf32>
    %add3A_849 = arith.addf %sqrt3A_846, %add3A_848 : vector<128xf32>
    %reduce_sum3A_850 = arith.constant dense<0.000000e+00> : vector<128xf32>
    %reduce_sum3A_851 = vector.multi_reduction <add>, %max3A_812, %reduce_sum3A_850 [0] : vector<512x128xf32> to vector<128xf32>
    %div3A_852 = arith.constant 5.120000e+02 : f32
    %div3A_853 = vector.broadcast %div3A_852 : f32 to vector<128xf32>
    %div3A_854 = arith.divf %reduce_sum3A_851, %div3A_853 : vector<128xf32>
    %broadcast_in_dim3A_855 = vector.shape_cast %div3A_854 : vector<128xf32> to vector<1x128xf32>
    %sub3A_856 = vector.broadcast %broadcast_in_dim3A_855 : vector<1x128xf32> to vector<512x128xf32>
    %sub3A_857 = arith.subf %max3A_812, %sub3A_856 : vector<512x128xf32>
    %integer_pow3A_858 = arith.mulf %sub3A_857, %sub3A_857 : vector<512x128xf32>
    %reduce_sum3A_859 = arith.constant dense<0.000000e+00> : vector<128xf32>
    %reduce_sum3A_860 = vector.multi_reduction <add>, %integer_pow3A_858, %reduce_sum3A_859 [0] : vector<512x128xf32> to vector<128xf32>
    %sub3A_861 = arith.constant 5.120000e+02 : f32
    %sub3A_862 = arith.constant 1.000000e+00 : f32
    %sub3A_863 = arith.subf %sub3A_861, %sub3A_862 : f32
    %div3A_864 = vector.broadcast %sub3A_863 : f32 to vector<128xf32>
    %div3A_865 = arith.divf %reduce_sum3A_860, %div3A_864 : vector<128xf32>
    %sqrt3A_866 = math.sqrt %div3A_865 : vector<128xf32>
    %add3A_867 = arith.constant 9.99999996E-13 : f32
    %add3A_868 = vector.broadcast %add3A_867 : f32 to vector<128xf32>
    %add3A_869 = arith.addf %sqrt3A_866, %add3A_868 : vector<128xf32>
    %broadcast_in_dim3A_870 = vector.shape_cast %div3A_834 : vector<128xf32> to vector<1x128xf32>
    %sub3A_871 = vector.broadcast %broadcast_in_dim3A_870 : vector<1x128xf32> to vector<512x128xf32>
    %sub3A_872 = arith.subf %max3A_812, %sub3A_871 : vector<512x128xf32>
    %div3A_873 = arith.constant 1.000000e+00 : f32
    %div3A_874 = vector.broadcast %div3A_873 : f32 to vector<128xf32>
    %div3A_875 = arith.divf %div3A_874, %add3A_849 : vector<128xf32>
    %broadcast_in_dim3A_876 = vector.shape_cast %div3A_875 : vector<128xf32> to vector<1x128xf32>
    %mul3A_877 = vector.broadcast %broadcast_in_dim3A_876 : vector<1x128xf32> to vector<512x128xf32>
    %mul3A_878 = arith.mulf %sub3A_872, %mul3A_877 : vector<512x128xf32>
    %mul3A_879 = arith.constant -5.000000e-01 : f32
    %mul3A_880 = vector.broadcast %mul3A_879 : f32 to vector<512x128xf32>
    %mul3A_881 = arith.mulf %mul3A_880, %mul3A_878 : vector<512x128xf32>
    %mul3A_882 = arith.mulf %mul3A_881, %mul3A_878 : vector<512x128xf32>
    %exp3A_883 = math.exp %mul3A_882 : vector<512x128xf32>
    %mul3A_884 = arith.constant 2.50662827 : f32
    %mul3A_885 = vector.broadcast %mul3A_884 : f32 to vector<128xf32>
    %mul3A_886 = arith.mulf %add3A_849, %mul3A_885 : vector<128xf32>
    %div3A_887 = arith.constant 1.000000e+00 : f32
    %div3A_888 = vector.broadcast %div3A_887 : f32 to vector<128xf32>
    %div3A_889 = arith.divf %div3A_888, %mul3A_886 : vector<128xf32>
    %broadcast_in_dim3A_890 = vector.shape_cast %div3A_889 : vector<128xf32> to vector<1x128xf32>
    %mul3A_891 = vector.broadcast %broadcast_in_dim3A_890 : vector<1x128xf32> to vector<512x128xf32>
    %mul3A_892 = arith.mulf %exp3A_883, %mul3A_891 : vector<512x128xf32>
    %broadcast_in_dim3A_893 = vector.shape_cast %div3A_854 : vector<128xf32> to vector<1x128xf32>
    %sub3A_894 = vector.broadcast %broadcast_in_dim3A_893 : vector<1x128xf32> to vector<512x128xf32>
    %sub3A_895 = arith.subf %max3A_812, %sub3A_894 : vector<512x128xf32>
    %div3A_896 = arith.constant 1.000000e+00 : f32
    %div3A_897 = vector.broadcast %div3A_896 : f32 to vector<128xf32>
    %div3A_898 = arith.divf %div3A_897, %add3A_869 : vector<128xf32>
    %broadcast_in_dim3A_899 = vector.shape_cast %div3A_898 : vector<128xf32> to vector<1x128xf32>
    %mul3A_900 = vector.broadcast %broadcast_in_dim3A_899 : vector<1x128xf32> to vector<512x128xf32>
    %mul3A_901 = arith.mulf %sub3A_895, %mul3A_900 : vector<512x128xf32>
    %mul3A_902 = arith.constant -5.000000e-01 : f32
    %mul3A_903 = vector.broadcast %mul3A_902 : f32 to vector<512x128xf32>
    %mul3A_904 = arith.mulf %mul3A_903, %mul3A_901 : vector<512x128xf32>
    %mul3A_905 = arith.mulf %mul3A_904, %mul3A_901 : vector<512x128xf32>
    %exp3A_906 = math.exp %mul3A_905 : vector<512x128xf32>
    %mul3A_907 = arith.constant 2.50662827 : f32
    %mul3A_908 = vector.broadcast %mul3A_907 : f32 to vector<128xf32>
    %mul3A_909 = arith.mulf %add3A_869, %mul3A_908 : vector<128xf32>
    %div3A_910 = arith.constant 1.000000e+00 : f32
    %div3A_911 = vector.broadcast %div3A_910 : f32 to vector<128xf32>
    %div3A_912 = arith.divf %div3A_911, %mul3A_909 : vector<128xf32>
    %broadcast_in_dim3A_913 = vector.shape_cast %div3A_912 : vector<128xf32> to vector<1x128xf32>
    %mul3A_914 = vector.broadcast %broadcast_in_dim3A_913 : vector<1x128xf32> to vector<512x128xf32>
    %mul3A_915 = arith.mulf %exp3A_906, %mul3A_914 : vector<512x128xf32>
    %add3A_916 = arith.addf %mul3A_892, %mul3A_915 : vector<512x128xf32>
    %add3A_917 = arith.constant 2.000000e-12 : f32
    %add3A_918 = vector.broadcast %add3A_917 : f32 to vector<512x128xf32>
    %add3A_919 = arith.addf %add3A_916, %add3A_918 : vector<512x128xf32>
    %div3A_920 = arith.divf %mul3A_892, %add3A_919 : vector<512x128xf32>
    %reduce_sum3A_921 = arith.constant dense<0.000000e+00> : vector<512xf32>
    %reduce_sum3A_922 = vector.multi_reduction <add>, %div3A_920, %reduce_sum3A_921 [1] : vector<512x128xf32> to vector<512xf32>
    %mul3A_923 = arith.constant 7.812500e-03 : f32
    %mul3A_924 = vector.broadcast %mul3A_923 : f32 to vector<512xf32>
    %mul3A_925 = arith.mulf %reduce_sum3A_922, %mul3A_924 : vector<512xf32>
    %gt3A_926 = arith.constant 6.000000e-01 : f32
    %gt3A_927 = vector.broadcast %gt3A_926 : f32 to vector<512xf32>
    %gt3A_928 = arith.cmpf ogt, %mul3A_925, %gt3A_927 : vector<512xf32>
    %convert_element_type3A_929 = arith.extui %gt3A_928 : vector<512xi1> to vector<512xi32>
    %convert_element_type3A_930 = arith.sitofp %convert_element_type3A_929 : vector<512xi32> to vector<512xf32>
    %reduce_sum3A_931 = vector.shape_cast %convert_element_type3A_930 : vector<512xf32> to vector<1x512xf32>
    %reduce_sum3A_932 = arith.constant dense<0.000000e+00> : vector<1xf32>
    %reduce_sum3A_933 = vector.multi_reduction <add>, %reduce_sum3A_931, %reduce_sum3A_932 [1] : vector<1x512xf32> to vector<1xf32>
    %reduce_sum3A_934 = vector.shape_cast %reduce_sum3A_933 : vector<1xf32> to vector<1x1xf32>
    %reduce_sum3A_935 = vector.extract %reduce_sum3A_934[0, 0] : f32 from vector<1x1xf32>
    %mul3A_936 = arith.mulf %max3A_789, %max3A_812 : vector<512x128xf32>
    %reduce_sum3A_937 = arith.constant dense<0.000000e+00> : vector<512xf32>
    %reduce_sum3A_938 = vector.multi_reduction <add>, %mul3A_936, %reduce_sum3A_937 [1] : vector<512x128xf32> to vector<512xf32>
    %min3A_939 = arith.constant 0.000000e+00 : f32
    %min3A_940 = vector.broadcast %min3A_939 : f32 to vector<512xf32>
    %min3A_941 = arith.minimumf %reduce_sum3A_938, %min3A_940 : vector<512xf32>
    %abs3A_942 = math.absf %reduce_sum3A_938 : vector<512xf32>
    %neg3A_943 = arith.constant 0.000000e+00 : f32
    %neg3A_944 = vector.broadcast %neg3A_943 : f32 to vector<512xf32>
    %neg3A_945 = arith.subf %neg3A_944, %abs3A_942 : vector<512xf32>
    %exp3A_946 = math.exp %neg3A_945 : vector<512xf32>
    %log1p3A_947 = math.log1p %exp3A_946 : vector<512xf32>
    %sub3A_948 = arith.subf %min3A_941, %log1p3A_947 : vector<512xf32>
    %reduce_sum3A_949 = vector.shape_cast %sub3A_948 : vector<512xf32> to vector<1x512xf32>
    %reduce_sum3A_950 = arith.constant dense<0.000000e+00> : vector<1xf32>
    %reduce_sum3A_951 = vector.multi_reduction <add>, %reduce_sum3A_949, %reduce_sum3A_950 [1] : vector<1x512xf32> to vector<1xf32>
    %reduce_sum3A_952 = vector.shape_cast %reduce_sum3A_951 : vector<1xf32> to vector<1x1xf32>
    %reduce_sum3A_953 = vector.extract %reduce_sum3A_952[0, 0] : f32 from vector<1x1xf32>
    %mul3A_954 = arith.constant 2.616320e+05 : f32
    %mul3A_955 = arith.constant 0.693147182 : f32
    %mul3A_956 = arith.mulf %mul3A_954, %mul3A_955 : f32
    %sub3A_957 = arith.subf %reduce_sum3A_953, %mul3A_956 : f32
    %add3A_958 = arith.addf %add3A_703, %sub3A_957 : f32
    %neg3A_959 = arith.constant 0.000000e+00 : f32
    %neg3A_960 = vector.broadcast %neg3A_959 : f32 to vector<512x512xf32>
    %neg3A_961 = arith.subf %neg3A_960, %dot_general3A_814 : vector<512x512xf32>
    %min3A_962 = arith.constant 0.000000e+00 : f32
    %min3A_963 = vector.broadcast %min3A_962 : f32 to vector<512x512xf32>
    %min3A_964 = arith.minimumf %neg3A_961, %min3A_963 : vector<512x512xf32>
    %abs3A_965 = math.absf %neg3A_961 : vector<512x512xf32>
    %neg3A_966 = arith.constant 0.000000e+00 : f32
    %neg3A_967 = vector.broadcast %neg3A_966 : f32 to vector<512x512xf32>
    %neg3A_968 = arith.subf %neg3A_967, %abs3A_965 : vector<512x512xf32>
    %exp3A_969 = math.exp %neg3A_968 : vector<512x512xf32>
    %log1p3A_970 = math.log1p %exp3A_969 : vector<512x512xf32>
    %sub3A_971 = arith.subf %min3A_964, %log1p3A_970 : vector<512x512xf32>
    %reduce_sum3A_972 = arith.constant dense<0.000000e+00> : vector<512xf32>
    %reduce_sum3A_973 = vector.multi_reduction <add>, %sub3A_971, %reduce_sum3A_972 [1] : vector<512x512xf32> to vector<512xf32>
    %neg3A_974 = arith.constant 0.000000e+00 : f32
    %neg3A_975 = vector.broadcast %neg3A_974 : f32 to vector<512xf32>
    %neg3A_976 = arith.subf %neg3A_975, %reduce_sum3A_938 : vector<512xf32>
    %min3A_977 = arith.constant 0.000000e+00 : f32
    %min3A_978 = vector.broadcast %min3A_977 : f32 to vector<512xf32>
    %min3A_979 = arith.minimumf %neg3A_976, %min3A_978 : vector<512xf32>
    %abs3A_980 = math.absf %neg3A_976 : vector<512xf32>
    %neg3A_981 = arith.constant 0.000000e+00 : f32
    %neg3A_982 = vector.broadcast %neg3A_981 : f32 to vector<512xf32>
    %neg3A_983 = arith.subf %neg3A_982, %abs3A_980 : vector<512xf32>
    %exp3A_984 = math.exp %neg3A_983 : vector<512xf32>
    %log1p3A_985 = math.log1p %exp3A_984 : vector<512xf32>
    %sub3A_986 = arith.subf %min3A_979, %log1p3A_985 : vector<512xf32>
    %reduce_sum3A_987 = vector.shape_cast %reduce_sum3A_973 : vector<512xf32> to vector<1x512xf32>
    %reduce_sum3A_988 = arith.constant dense<0.000000e+00> : vector<1xf32>
    %reduce_sum3A_989 = vector.multi_reduction <add>, %reduce_sum3A_987, %reduce_sum3A_988 [1] : vector<1x512xf32> to vector<1xf32>
    %reduce_sum3A_990 = vector.shape_cast %reduce_sum3A_989 : vector<1xf32> to vector<1x1xf32>
    %reduce_sum3A_991 = vector.extract %reduce_sum3A_990[0, 0] : f32 from vector<1x1xf32>
    %mul3A_992 = arith.mulf %convert_element_type3A_930, %reduce_sum3A_973 : vector<512xf32>
    %reduce_sum3A_993 = vector.shape_cast %mul3A_992 : vector<512xf32> to vector<1x512xf32>
    %reduce_sum3A_994 = arith.constant dense<0.000000e+00> : vector<1xf32>
    %reduce_sum3A_995 = vector.multi_reduction <add>, %reduce_sum3A_993, %reduce_sum3A_994 [1] : vector<1x512xf32> to vector<1xf32>
    %reduce_sum3A_996 = vector.shape_cast %reduce_sum3A_995 : vector<1xf32> to vector<1x1xf32>
    %reduce_sum3A_997 = vector.extract %reduce_sum3A_996[0, 0] : f32 from vector<1x1xf32>
    %sub3A_998 = arith.subf %reduce_sum3A_991, %reduce_sum3A_997 : f32
    %reduce_sum3A_999 = vector.shape_cast %sub3A_986 : vector<512xf32> to vector<1x512xf32>
    %reduce_sum3A_1000 = arith.constant dense<0.000000e+00> : vector<1xf32>
    %reduce_sum3A_1001 = vector.multi_reduction <add>, %reduce_sum3A_999, %reduce_sum3A_1000 [1] : vector<1x512xf32> to vector<1xf32>
    %reduce_sum3A_1002 = vector.shape_cast %reduce_sum3A_1001 : vector<1xf32> to vector<1x1xf32>
    %reduce_sum3A_1003 = vector.extract %reduce_sum3A_1002[0, 0] : f32 from vector<1x1xf32>
    %sub3A_1004 = arith.subf %sub3A_998, %reduce_sum3A_1003 : f32
    %mul3A_1005 = arith.mulf %convert_element_type3A_930, %sub3A_986 : vector<512xf32>
    %reduce_sum3A_1006 = vector.shape_cast %mul3A_1005 : vector<512xf32> to vector<1x512xf32>
    %reduce_sum3A_1007 = arith.constant dense<0.000000e+00> : vector<1xf32>
    %reduce_sum3A_1008 = vector.multi_reduction <add>, %reduce_sum3A_1006, %reduce_sum3A_1007 [1] : vector<1x512xf32> to vector<1xf32>
    %reduce_sum3A_1009 = vector.shape_cast %reduce_sum3A_1008 : vector<1xf32> to vector<1x1xf32>
    %reduce_sum3A_1010 = vector.extract %reduce_sum3A_1009[0, 0] : f32 from vector<1x1xf32>
    %add3A_1011 = arith.addf %sub3A_1004, %reduce_sum3A_1010 : f32
    %sub3A_1012 = arith.constant 5.120000e+02 : f32
    %sub3A_1013 = arith.constant 1.000000e+00 : f32
    %sub3A_1014 = arith.subf %sub3A_1012, %sub3A_1013 : f32
    %mul3A_1015 = arith.mulf %sub3A_1014, %reduce_sum3A_935 : f32
    %add3A_1016 = arith.constant 5.120000e+02 : f32
    %add3A_1017 = arith.addf %add3A_1016, %mul3A_1015 : f32
    %mul3A_1018 = arith.constant 0.693147182 : f32
    %mul3A_1019 = arith.mulf %add3A_1017, %mul3A_1018 : f32
    %sub3A_1020 = arith.subf %add3A_1011, %mul3A_1019 : f32
    %add3A_1021 = arith.addf %add3A_766, %sub3A_1020 : f32
    %get3A_1022 = arith.constant 4 : index
    %get3A_1023 = arith.constant 0 : index
    %get3A_1024 = arith.constant 0 : index
    %get3A_1025 = vector.load %arg1[%get3A_1022, %get3A_1023, %get3A_1024] : memref<8x512x256xf32, #tpu.memory_space<vmem>>, vector<1x512x256xf32>
    %get3A_1026 = vector.shape_cast %get3A_1025 : vector<1x512x256xf32> to vector<512x256xf32>
    %dot_general3A_1027 = arith.constant dense<0.000000e+00> : vector<512x256xf32>
    %dot_general3A_1028 = tpu.matmul %get3A_1026, %get3A_6, %dot_general3A_1027 {dimension_numbers = #tpu.dot_dimension_numbers<[1], [0], [0], [1], [0, 0, 1, 1], [], []>, transpose_lhs_hint = false} : vector<512x256xf32>, vector<256x256xf32>, vector<512x256xf32> -> vector<512x256xf32>
    %dot_general3A_1029 = arith.constant dense<0.000000e+00> : vector<512x256xf32>
    %dot_general3A_1030 = tpu.matmul %get3A_3, %dot_general3A_1028, %dot_general3A_1029 {dimension_numbers = #tpu.dot_dimension_numbers<[1], [0], [0], [1], [0, 0, 1, 1], [], []>, transpose_lhs_hint = false} : vector<512x512xf32>, vector<512x256xf32>, vector<512x256xf32> -> vector<512x256xf32>
    %add3A_1031 = vector.broadcast %get3A_12 : vector<1x256xf32> to vector<512x256xf32>
    %add3A_1032 = arith.addf %dot_general3A_1030, %add3A_1031 : vector<512x256xf32>
    %max3A_1033 = arith.constant 0.000000e+00 : f32
    %max3A_1034 = vector.broadcast %max3A_1033 : f32 to vector<512x256xf32>
    %max3A_1035 = arith.maximumf %add3A_1032, %max3A_1034 : vector<512x256xf32>
    %dot_general3A_1036 = arith.constant dense<0.000000e+00> : vector<512x128xf32>
    %dot_general3A_1037 = tpu.matmul %max3A_1035, %get3A_9, %dot_general3A_1036 {dimension_numbers = #tpu.dot_dimension_numbers<[1], [0], [0], [1], [0, 0, 1, 1], [], []>, transpose_lhs_hint = false} : vector<512x256xf32>, vector<256x128xf32>, vector<512x128xf32> -> vector<512x128xf32>
    %dot_general3A_1038 = arith.constant dense<0.000000e+00> : vector<512x128xf32>
    %dot_general3A_1039 = tpu.matmul %get3A_3, %dot_general3A_1037, %dot_general3A_1038 {dimension_numbers = #tpu.dot_dimension_numbers<[1], [0], [0], [1], [0, 0, 1, 1], [], []>, transpose_lhs_hint = false} : vector<512x512xf32>, vector<512x128xf32>, vector<512x128xf32> -> vector<512x128xf32>
    %add3A_1040 = vector.broadcast %get3A_15 : vector<1x128xf32> to vector<512x128xf32>
    %add3A_1041 = arith.addf %dot_general3A_1039, %add3A_1040 : vector<512x128xf32>
    %max3A_1042 = arith.constant 0.000000e+00 : f32
    %max3A_1043 = vector.broadcast %max3A_1042 : f32 to vector<512x128xf32>
    %max3A_1044 = arith.maximumf %add3A_1041, %max3A_1043 : vector<512x128xf32>
    %get3A_1045 = arith.constant 4 : index
    %get3A_1046 = arith.constant 0 : index
    %get3A_1047 = arith.constant 0 : index
    %get3A_1048 = vector.load %arg2[%get3A_1045, %get3A_1046, %get3A_1047] : memref<8x512x256xf32, #tpu.memory_space<vmem>>, vector<1x512x256xf32>
    %get3A_1049 = vector.shape_cast %get3A_1048 : vector<1x512x256xf32> to vector<512x256xf32>
    %dot_general3A_1050 = arith.constant dense<0.000000e+00> : vector<512x256xf32>
    %dot_general3A_1051 = tpu.matmul %get3A_1049, %get3A_6, %dot_general3A_1050 {dimension_numbers = #tpu.dot_dimension_numbers<[1], [0], [0], [1], [0, 0, 1, 1], [], []>, transpose_lhs_hint = false} : vector<512x256xf32>, vector<256x256xf32>, vector<512x256xf32> -> vector<512x256xf32>
    %dot_general3A_1052 = arith.constant dense<0.000000e+00> : vector<512x256xf32>
    %dot_general3A_1053 = tpu.matmul %get3A_3, %dot_general3A_1051, %dot_general3A_1052 {dimension_numbers = #tpu.dot_dimension_numbers<[1], [0], [0], [1], [0, 0, 1, 1], [], []>, transpose_lhs_hint = false} : vector<512x512xf32>, vector<512x256xf32>, vector<512x256xf32> -> vector<512x256xf32>
    %add3A_1054 = vector.broadcast %get3A_12 : vector<1x256xf32> to vector<512x256xf32>
    %add3A_1055 = arith.addf %dot_general3A_1053, %add3A_1054 : vector<512x256xf32>
    %max3A_1056 = arith.constant 0.000000e+00 : f32
    %max3A_1057 = vector.broadcast %max3A_1056 : f32 to vector<512x256xf32>
    %max3A_1058 = arith.maximumf %add3A_1055, %max3A_1057 : vector<512x256xf32>
    %dot_general3A_1059 = arith.constant dense<0.000000e+00> : vector<512x128xf32>
    %dot_general3A_1060 = tpu.matmul %max3A_1058, %get3A_9, %dot_general3A_1059 {dimension_numbers = #tpu.dot_dimension_numbers<[1], [0], [0], [1], [0, 0, 1, 1], [], []>, transpose_lhs_hint = false} : vector<512x256xf32>, vector<256x128xf32>, vector<512x128xf32> -> vector<512x128xf32>
    %dot_general3A_1061 = arith.constant dense<0.000000e+00> : vector<512x128xf32>
    %dot_general3A_1062 = tpu.matmul %get3A_3, %dot_general3A_1060, %dot_general3A_1061 {dimension_numbers = #tpu.dot_dimension_numbers<[1], [0], [0], [1], [0, 0, 1, 1], [], []>, transpose_lhs_hint = false} : vector<512x512xf32>, vector<512x128xf32>, vector<512x128xf32> -> vector<512x128xf32>
    %add3A_1063 = vector.broadcast %get3A_15 : vector<1x128xf32> to vector<512x128xf32>
    %add3A_1064 = arith.addf %dot_general3A_1062, %add3A_1063 : vector<512x128xf32>
    %max3A_1065 = arith.constant 0.000000e+00 : f32
    %max3A_1066 = vector.broadcast %max3A_1065 : f32 to vector<512x128xf32>
    %max3A_1067 = arith.maximumf %add3A_1064, %max3A_1066 : vector<512x128xf32>
    %dot_general3A_1068 = arith.constant dense<0.000000e+00> : vector<512x512xf32>
    %dot_general3A_1069 = tpu.matmul %max3A_1044, %max3A_1067, %dot_general3A_1068 {dimension_numbers = #tpu.dot_dimension_numbers<[1], [1], [0], [0], [0, 0, 1, 0], [], []>, transpose_lhs_hint = false} : vector<512x128xf32>, vector<512x128xf32>, vector<512x512xf32> -> vector<512x512xf32>
    %reduce_sum3A_1070 = arith.constant dense<0.000000e+00> : vector<128xf32>
    %reduce_sum3A_1071 = vector.multi_reduction <add>, %max3A_1044, %reduce_sum3A_1070 [0] : vector<512x128xf32> to vector<128xf32>
    %broadcast_in_dim3A_1072 = vector.shape_cast %reduce_sum3A_1071 : vector<128xf32> to vector<1x128xf32>
    %mul3A_1073 = vector.broadcast %broadcast_in_dim3A_1072 : vector<1x128xf32> to vector<512x128xf32>
    %mul3A_1074 = arith.mulf %max3A_1067, %mul3A_1073 : vector<512x128xf32>
    %reduce_sum3A_1075 = arith.constant dense<0.000000e+00> : vector<512xf32>
    %reduce_sum3A_1076 = vector.multi_reduction <add>, %mul3A_1074, %reduce_sum3A_1075 [1] : vector<512x128xf32> to vector<512xf32>
    %jit3A_1077 = arith.constant 9.99999997E-7 : f32
    %max3A_1078 = vector.broadcast %jit3A_1077 : f32 to vector<512xf32>
    %max3A_1079 = arith.maximumf %max3A_1078, %reduce_sum3A_1076 : vector<512xf32>
    %div3A_1080 = arith.divf %reduce_sum3A_1076, %max3A_1079 : vector<512xf32>
    %reduce_sum3A_1081 = vector.shape_cast %div3A_1080 : vector<512xf32> to vector<1x512xf32>
    %reduce_sum3A_1082 = arith.constant dense<0.000000e+00> : vector<1xf32>
    %reduce_sum3A_1083 = vector.multi_reduction <add>, %reduce_sum3A_1081, %reduce_sum3A_1082 [1] : vector<1x512xf32> to vector<1xf32>
    %reduce_sum3A_1084 = vector.shape_cast %reduce_sum3A_1083 : vector<1xf32> to vector<1x1xf32>
    %reduce_sum3A_1085 = vector.extract %reduce_sum3A_1084[0, 0] : f32 from vector<1x1xf32>
    %add3A_1086 = arith.addf %add3A_831, %reduce_sum3A_1085 : f32
    %div3A_1087 = arith.constant 5.120000e+02 : f32
    %div3A_1088 = vector.broadcast %div3A_1087 : f32 to vector<128xf32>
    %div3A_1089 = arith.divf %reduce_sum3A_1071, %div3A_1088 : vector<128xf32>
    %broadcast_in_dim3A_1090 = vector.shape_cast %div3A_1089 : vector<128xf32> to vector<1x128xf32>
    %sub3A_1091 = vector.broadcast %broadcast_in_dim3A_1090 : vector<1x128xf32> to vector<512x128xf32>
    %sub3A_1092 = arith.subf %max3A_1044, %sub3A_1091 : vector<512x128xf32>
    %integer_pow3A_1093 = arith.mulf %sub3A_1092, %sub3A_1092 : vector<512x128xf32>
    %reduce_sum3A_1094 = arith.constant dense<0.000000e+00> : vector<128xf32>
    %reduce_sum3A_1095 = vector.multi_reduction <add>, %integer_pow3A_1093, %reduce_sum3A_1094 [0] : vector<512x128xf32> to vector<128xf32>
    %sub3A_1096 = arith.constant 5.120000e+02 : f32
    %sub3A_1097 = arith.constant 1.000000e+00 : f32
    %sub3A_1098 = arith.subf %sub3A_1096, %sub3A_1097 : f32
    %div3A_1099 = vector.broadcast %sub3A_1098 : f32 to vector<128xf32>
    %div3A_1100 = arith.divf %reduce_sum3A_1095, %div3A_1099 : vector<128xf32>
    %sqrt3A_1101 = math.sqrt %div3A_1100 : vector<128xf32>
    %add3A_1102 = arith.constant 9.99999996E-13 : f32
    %add3A_1103 = vector.broadcast %add3A_1102 : f32 to vector<128xf32>
    %add3A_1104 = arith.addf %sqrt3A_1101, %add3A_1103 : vector<128xf32>
    %reduce_sum3A_1105 = arith.constant dense<0.000000e+00> : vector<128xf32>
    %reduce_sum3A_1106 = vector.multi_reduction <add>, %max3A_1067, %reduce_sum3A_1105 [0] : vector<512x128xf32> to vector<128xf32>
    %div3A_1107 = arith.constant 5.120000e+02 : f32
    %div3A_1108 = vector.broadcast %div3A_1107 : f32 to vector<128xf32>
    %div3A_1109 = arith.divf %reduce_sum3A_1106, %div3A_1108 : vector<128xf32>
    %broadcast_in_dim3A_1110 = vector.shape_cast %div3A_1109 : vector<128xf32> to vector<1x128xf32>
    %sub3A_1111 = vector.broadcast %broadcast_in_dim3A_1110 : vector<1x128xf32> to vector<512x128xf32>
    %sub3A_1112 = arith.subf %max3A_1067, %sub3A_1111 : vector<512x128xf32>
    %integer_pow3A_1113 = arith.mulf %sub3A_1112, %sub3A_1112 : vector<512x128xf32>
    %reduce_sum3A_1114 = arith.constant dense<0.000000e+00> : vector<128xf32>
    %reduce_sum3A_1115 = vector.multi_reduction <add>, %integer_pow3A_1113, %reduce_sum3A_1114 [0] : vector<512x128xf32> to vector<128xf32>
    %sub3A_1116 = arith.constant 5.120000e+02 : f32
    %sub3A_1117 = arith.constant 1.000000e+00 : f32
    %sub3A_1118 = arith.subf %sub3A_1116, %sub3A_1117 : f32
    %div3A_1119 = vector.broadcast %sub3A_1118 : f32 to vector<128xf32>
    %div3A_1120 = arith.divf %reduce_sum3A_1115, %div3A_1119 : vector<128xf32>
    %sqrt3A_1121 = math.sqrt %div3A_1120 : vector<128xf32>
    %add3A_1122 = arith.constant 9.99999996E-13 : f32
    %add3A_1123 = vector.broadcast %add3A_1122 : f32 to vector<128xf32>
    %add3A_1124 = arith.addf %sqrt3A_1121, %add3A_1123 : vector<128xf32>
    %broadcast_in_dim3A_1125 = vector.shape_cast %div3A_1089 : vector<128xf32> to vector<1x128xf32>
    %sub3A_1126 = vector.broadcast %broadcast_in_dim3A_1125 : vector<1x128xf32> to vector<512x128xf32>
    %sub3A_1127 = arith.subf %max3A_1067, %sub3A_1126 : vector<512x128xf32>
    %div3A_1128 = arith.constant 1.000000e+00 : f32
    %div3A_1129 = vector.broadcast %div3A_1128 : f32 to vector<128xf32>
    %div3A_1130 = arith.divf %div3A_1129, %add3A_1104 : vector<128xf32>
    %broadcast_in_dim3A_1131 = vector.shape_cast %div3A_1130 : vector<128xf32> to vector<1x128xf32>
    %mul3A_1132 = vector.broadcast %broadcast_in_dim3A_1131 : vector<1x128xf32> to vector<512x128xf32>
    %mul3A_1133 = arith.mulf %sub3A_1127, %mul3A_1132 : vector<512x128xf32>
    %mul3A_1134 = arith.constant -5.000000e-01 : f32
    %mul3A_1135 = vector.broadcast %mul3A_1134 : f32 to vector<512x128xf32>
    %mul3A_1136 = arith.mulf %mul3A_1135, %mul3A_1133 : vector<512x128xf32>
    %mul3A_1137 = arith.mulf %mul3A_1136, %mul3A_1133 : vector<512x128xf32>
    %exp3A_1138 = math.exp %mul3A_1137 : vector<512x128xf32>
    %mul3A_1139 = arith.constant 2.50662827 : f32
    %mul3A_1140 = vector.broadcast %mul3A_1139 : f32 to vector<128xf32>
    %mul3A_1141 = arith.mulf %add3A_1104, %mul3A_1140 : vector<128xf32>
    %div3A_1142 = arith.constant 1.000000e+00 : f32
    %div3A_1143 = vector.broadcast %div3A_1142 : f32 to vector<128xf32>
    %div3A_1144 = arith.divf %div3A_1143, %mul3A_1141 : vector<128xf32>
    %broadcast_in_dim3A_1145 = vector.shape_cast %div3A_1144 : vector<128xf32> to vector<1x128xf32>
    %mul3A_1146 = vector.broadcast %broadcast_in_dim3A_1145 : vector<1x128xf32> to vector<512x128xf32>
    %mul3A_1147 = arith.mulf %exp3A_1138, %mul3A_1146 : vector<512x128xf32>
    %broadcast_in_dim3A_1148 = vector.shape_cast %div3A_1109 : vector<128xf32> to vector<1x128xf32>
    %sub3A_1149 = vector.broadcast %broadcast_in_dim3A_1148 : vector<1x128xf32> to vector<512x128xf32>
    %sub3A_1150 = arith.subf %max3A_1067, %sub3A_1149 : vector<512x128xf32>
    %div3A_1151 = arith.constant 1.000000e+00 : f32
    %div3A_1152 = vector.broadcast %div3A_1151 : f32 to vector<128xf32>
    %div3A_1153 = arith.divf %div3A_1152, %add3A_1124 : vector<128xf32>
    %broadcast_in_dim3A_1154 = vector.shape_cast %div3A_1153 : vector<128xf32> to vector<1x128xf32>
    %mul3A_1155 = vector.broadcast %broadcast_in_dim3A_1154 : vector<1x128xf32> to vector<512x128xf32>
    %mul3A_1156 = arith.mulf %sub3A_1150, %mul3A_1155 : vector<512x128xf32>
    %mul3A_1157 = arith.constant -5.000000e-01 : f32
    %mul3A_1158 = vector.broadcast %mul3A_1157 : f32 to vector<512x128xf32>
    %mul3A_1159 = arith.mulf %mul3A_1158, %mul3A_1156 : vector<512x128xf32>
    %mul3A_1160 = arith.mulf %mul3A_1159, %mul3A_1156 : vector<512x128xf32>
    %exp3A_1161 = math.exp %mul3A_1160 : vector<512x128xf32>
    %mul3A_1162 = arith.constant 2.50662827 : f32
    %mul3A_1163 = vector.broadcast %mul3A_1162 : f32 to vector<128xf32>
    %mul3A_1164 = arith.mulf %add3A_1124, %mul3A_1163 : vector<128xf32>
    %div3A_1165 = arith.constant 1.000000e+00 : f32
    %div3A_1166 = vector.broadcast %div3A_1165 : f32 to vector<128xf32>
    %div3A_1167 = arith.divf %div3A_1166, %mul3A_1164 : vector<128xf32>
    %broadcast_in_dim3A_1168 = vector.shape_cast %div3A_1167 : vector<128xf32> to vector<1x128xf32>
    %mul3A_1169 = vector.broadcast %broadcast_in_dim3A_1168 : vector<1x128xf32> to vector<512x128xf32>
    %mul3A_1170 = arith.mulf %exp3A_1161, %mul3A_1169 : vector<512x128xf32>
    %add3A_1171 = arith.addf %mul3A_1147, %mul3A_1170 : vector<512x128xf32>
    %add3A_1172 = arith.constant 2.000000e-12 : f32
    %add3A_1173 = vector.broadcast %add3A_1172 : f32 to vector<512x128xf32>
    %add3A_1174 = arith.addf %add3A_1171, %add3A_1173 : vector<512x128xf32>
    %div3A_1175 = arith.divf %mul3A_1147, %add3A_1174 : vector<512x128xf32>
    %reduce_sum3A_1176 = arith.constant dense<0.000000e+00> : vector<512xf32>
    %reduce_sum3A_1177 = vector.multi_reduction <add>, %div3A_1175, %reduce_sum3A_1176 [1] : vector<512x128xf32> to vector<512xf32>
    %mul3A_1178 = arith.constant 7.812500e-03 : f32
    %mul3A_1179 = vector.broadcast %mul3A_1178 : f32 to vector<512xf32>
    %mul3A_1180 = arith.mulf %reduce_sum3A_1177, %mul3A_1179 : vector<512xf32>
    %gt3A_1181 = arith.constant 6.000000e-01 : f32
    %gt3A_1182 = vector.broadcast %gt3A_1181 : f32 to vector<512xf32>
    %gt3A_1183 = arith.cmpf ogt, %mul3A_1180, %gt3A_1182 : vector<512xf32>
    %convert_element_type3A_1184 = arith.extui %gt3A_1183 : vector<512xi1> to vector<512xi32>
    %convert_element_type3A_1185 = arith.sitofp %convert_element_type3A_1184 : vector<512xi32> to vector<512xf32>
    %reduce_sum3A_1186 = vector.shape_cast %convert_element_type3A_1185 : vector<512xf32> to vector<1x512xf32>
    %reduce_sum3A_1187 = arith.constant dense<0.000000e+00> : vector<1xf32>
    %reduce_sum3A_1188 = vector.multi_reduction <add>, %reduce_sum3A_1186, %reduce_sum3A_1187 [1] : vector<1x512xf32> to vector<1xf32>
    %reduce_sum3A_1189 = vector.shape_cast %reduce_sum3A_1188 : vector<1xf32> to vector<1x1xf32>
    %reduce_sum3A_1190 = vector.extract %reduce_sum3A_1189[0, 0] : f32 from vector<1x1xf32>
    %mul3A_1191 = arith.mulf %max3A_1044, %max3A_1067 : vector<512x128xf32>
    %reduce_sum3A_1192 = arith.constant dense<0.000000e+00> : vector<512xf32>
    %reduce_sum3A_1193 = vector.multi_reduction <add>, %mul3A_1191, %reduce_sum3A_1192 [1] : vector<512x128xf32> to vector<512xf32>
    %min3A_1194 = arith.constant 0.000000e+00 : f32
    %min3A_1195 = vector.broadcast %min3A_1194 : f32 to vector<512xf32>
    %min3A_1196 = arith.minimumf %reduce_sum3A_1193, %min3A_1195 : vector<512xf32>
    %abs3A_1197 = math.absf %reduce_sum3A_1193 : vector<512xf32>
    %neg3A_1198 = arith.constant 0.000000e+00 : f32
    %neg3A_1199 = vector.broadcast %neg3A_1198 : f32 to vector<512xf32>
    %neg3A_1200 = arith.subf %neg3A_1199, %abs3A_1197 : vector<512xf32>
    %exp3A_1201 = math.exp %neg3A_1200 : vector<512xf32>
    %log1p3A_1202 = math.log1p %exp3A_1201 : vector<512xf32>
    %sub3A_1203 = arith.subf %min3A_1196, %log1p3A_1202 : vector<512xf32>
    %reduce_sum3A_1204 = vector.shape_cast %sub3A_1203 : vector<512xf32> to vector<1x512xf32>
    %reduce_sum3A_1205 = arith.constant dense<0.000000e+00> : vector<1xf32>
    %reduce_sum3A_1206 = vector.multi_reduction <add>, %reduce_sum3A_1204, %reduce_sum3A_1205 [1] : vector<1x512xf32> to vector<1xf32>
    %reduce_sum3A_1207 = vector.shape_cast %reduce_sum3A_1206 : vector<1xf32> to vector<1x1xf32>
    %reduce_sum3A_1208 = vector.extract %reduce_sum3A_1207[0, 0] : f32 from vector<1x1xf32>
    %mul3A_1209 = arith.constant 2.616320e+05 : f32
    %mul3A_1210 = arith.constant 0.693147182 : f32
    %mul3A_1211 = arith.mulf %mul3A_1209, %mul3A_1210 : f32
    %sub3A_1212 = arith.subf %reduce_sum3A_1208, %mul3A_1211 : f32
    %add3A_1213 = arith.addf %add3A_958, %sub3A_1212 : f32
    %neg3A_1214 = arith.constant 0.000000e+00 : f32
    %neg3A_1215 = vector.broadcast %neg3A_1214 : f32 to vector<512x512xf32>
    %neg3A_1216 = arith.subf %neg3A_1215, %dot_general3A_1069 : vector<512x512xf32>
    %min3A_1217 = arith.constant 0.000000e+00 : f32
    %min3A_1218 = vector.broadcast %min3A_1217 : f32 to vector<512x512xf32>
    %min3A_1219 = arith.minimumf %neg3A_1216, %min3A_1218 : vector<512x512xf32>
    %abs3A_1220 = math.absf %neg3A_1216 : vector<512x512xf32>
    %neg3A_1221 = arith.constant 0.000000e+00 : f32
    %neg3A_1222 = vector.broadcast %neg3A_1221 : f32 to vector<512x512xf32>
    %neg3A_1223 = arith.subf %neg3A_1222, %abs3A_1220 : vector<512x512xf32>
    %exp3A_1224 = math.exp %neg3A_1223 : vector<512x512xf32>
    %log1p3A_1225 = math.log1p %exp3A_1224 : vector<512x512xf32>
    %sub3A_1226 = arith.subf %min3A_1219, %log1p3A_1225 : vector<512x512xf32>
    %reduce_sum3A_1227 = arith.constant dense<0.000000e+00> : vector<512xf32>
    %reduce_sum3A_1228 = vector.multi_reduction <add>, %sub3A_1226, %reduce_sum3A_1227 [1] : vector<512x512xf32> to vector<512xf32>
    %neg3A_1229 = arith.constant 0.000000e+00 : f32
    %neg3A_1230 = vector.broadcast %neg3A_1229 : f32 to vector<512xf32>
    %neg3A_1231 = arith.subf %neg3A_1230, %reduce_sum3A_1193 : vector<512xf32>
    %min3A_1232 = arith.constant 0.000000e+00 : f32
    %min3A_1233 = vector.broadcast %min3A_1232 : f32 to vector<512xf32>
    %min3A_1234 = arith.minimumf %neg3A_1231, %min3A_1233 : vector<512xf32>
    %abs3A_1235 = math.absf %neg3A_1231 : vector<512xf32>
    %neg3A_1236 = arith.constant 0.000000e+00 : f32
    %neg3A_1237 = vector.broadcast %neg3A_1236 : f32 to vector<512xf32>
    %neg3A_1238 = arith.subf %neg3A_1237, %abs3A_1235 : vector<512xf32>
    %exp3A_1239 = math.exp %neg3A_1238 : vector<512xf32>
    %log1p3A_1240 = math.log1p %exp3A_1239 : vector<512xf32>
    %sub3A_1241 = arith.subf %min3A_1234, %log1p3A_1240 : vector<512xf32>
    %reduce_sum3A_1242 = vector.shape_cast %reduce_sum3A_1228 : vector<512xf32> to vector<1x512xf32>
    %reduce_sum3A_1243 = arith.constant dense<0.000000e+00> : vector<1xf32>
    %reduce_sum3A_1244 = vector.multi_reduction <add>, %reduce_sum3A_1242, %reduce_sum3A_1243 [1] : vector<1x512xf32> to vector<1xf32>
    %reduce_sum3A_1245 = vector.shape_cast %reduce_sum3A_1244 : vector<1xf32> to vector<1x1xf32>
    %reduce_sum3A_1246 = vector.extract %reduce_sum3A_1245[0, 0] : f32 from vector<1x1xf32>
    %mul3A_1247 = arith.mulf %convert_element_type3A_1185, %reduce_sum3A_1228 : vector<512xf32>
    %reduce_sum3A_1248 = vector.shape_cast %mul3A_1247 : vector<512xf32> to vector<1x512xf32>
    %reduce_sum3A_1249 = arith.constant dense<0.000000e+00> : vector<1xf32>
    %reduce_sum3A_1250 = vector.multi_reduction <add>, %reduce_sum3A_1248, %reduce_sum3A_1249 [1] : vector<1x512xf32> to vector<1xf32>
    %reduce_sum3A_1251 = vector.shape_cast %reduce_sum3A_1250 : vector<1xf32> to vector<1x1xf32>
    %reduce_sum3A_1252 = vector.extract %reduce_sum3A_1251[0, 0] : f32 from vector<1x1xf32>
    %sub3A_1253 = arith.subf %reduce_sum3A_1246, %reduce_sum3A_1252 : f32
    %reduce_sum3A_1254 = vector.shape_cast %sub3A_1241 : vector<512xf32> to vector<1x512xf32>
    %reduce_sum3A_1255 = arith.constant dense<0.000000e+00> : vector<1xf32>
    %reduce_sum3A_1256 = vector.multi_reduction <add>, %reduce_sum3A_1254, %reduce_sum3A_1255 [1] : vector<1x512xf32> to vector<1xf32>
    %reduce_sum3A_1257 = vector.shape_cast %reduce_sum3A_1256 : vector<1xf32> to vector<1x1xf32>
    %reduce_sum3A_1258 = vector.extract %reduce_sum3A_1257[0, 0] : f32 from vector<1x1xf32>
    %sub3A_1259 = arith.subf %sub3A_1253, %reduce_sum3A_1258 : f32
    %mul3A_1260 = arith.mulf %convert_element_type3A_1185, %sub3A_1241 : vector<512xf32>
    %reduce_sum3A_1261 = vector.shape_cast %mul3A_1260 : vector<512xf32> to vector<1x512xf32>
    %reduce_sum3A_1262 = arith.constant dense<0.000000e+00> : vector<1xf32>
    %reduce_sum3A_1263 = vector.multi_reduction <add>, %reduce_sum3A_1261, %reduce_sum3A_1262 [1] : vector<1x512xf32> to vector<1xf32>
    %reduce_sum3A_1264 = vector.shape_cast %reduce_sum3A_1263 : vector<1xf32> to vector<1x1xf32>
    %reduce_sum3A_1265 = vector.extract %reduce_sum3A_1264[0, 0] : f32 from vector<1x1xf32>
    %add3A_1266 = arith.addf %sub3A_1259, %reduce_sum3A_1265 : f32
    %sub3A_1267 = arith.constant 5.120000e+02 : f32
    %sub3A_1268 = arith.constant 1.000000e+00 : f32
    %sub3A_1269 = arith.subf %sub3A_1267, %sub3A_1268 : f32
    %mul3A_1270 = arith.mulf %sub3A_1269, %reduce_sum3A_1190 : f32
    %add3A_1271 = arith.constant 5.120000e+02 : f32
    %add3A_1272 = arith.addf %add3A_1271, %mul3A_1270 : f32
    %mul3A_1273 = arith.constant 0.693147182 : f32
    %mul3A_1274 = arith.mulf %add3A_1272, %mul3A_1273 : f32
    %sub3A_1275 = arith.subf %add3A_1266, %mul3A_1274 : f32
    %add3A_1276 = arith.addf %add3A_1021, %sub3A_1275 : f32
    %get3A_1277 = arith.constant 5 : index
    %get3A_1278 = arith.constant 0 : index
    %get3A_1279 = arith.constant 0 : index
    %get3A_1280 = vector.load %arg1[%get3A_1277, %get3A_1278, %get3A_1279] : memref<8x512x256xf32, #tpu.memory_space<vmem>>, vector<1x512x256xf32>
    %get3A_1281 = vector.shape_cast %get3A_1280 : vector<1x512x256xf32> to vector<512x256xf32>
    %dot_general3A_1282 = arith.constant dense<0.000000e+00> : vector<512x256xf32>
    %dot_general3A_1283 = tpu.matmul %get3A_1281, %get3A_6, %dot_general3A_1282 {dimension_numbers = #tpu.dot_dimension_numbers<[1], [0], [0], [1], [0, 0, 1, 1], [], []>, transpose_lhs_hint = false} : vector<512x256xf32>, vector<256x256xf32>, vector<512x256xf32> -> vector<512x256xf32>
    %dot_general3A_1284 = arith.constant dense<0.000000e+00> : vector<512x256xf32>
    %dot_general3A_1285 = tpu.matmul %get3A_3, %dot_general3A_1283, %dot_general3A_1284 {dimension_numbers = #tpu.dot_dimension_numbers<[1], [0], [0], [1], [0, 0, 1, 1], [], []>, transpose_lhs_hint = false} : vector<512x512xf32>, vector<512x256xf32>, vector<512x256xf32> -> vector<512x256xf32>
    %add3A_1286 = vector.broadcast %get3A_12 : vector<1x256xf32> to vector<512x256xf32>
    %add3A_1287 = arith.addf %dot_general3A_1285, %add3A_1286 : vector<512x256xf32>
    %max3A_1288 = arith.constant 0.000000e+00 : f32
    %max3A_1289 = vector.broadcast %max3A_1288 : f32 to vector<512x256xf32>
    %max3A_1290 = arith.maximumf %add3A_1287, %max3A_1289 : vector<512x256xf32>
    %dot_general3A_1291 = arith.constant dense<0.000000e+00> : vector<512x128xf32>
    %dot_general3A_1292 = tpu.matmul %max3A_1290, %get3A_9, %dot_general3A_1291 {dimension_numbers = #tpu.dot_dimension_numbers<[1], [0], [0], [1], [0, 0, 1, 1], [], []>, transpose_lhs_hint = false} : vector<512x256xf32>, vector<256x128xf32>, vector<512x128xf32> -> vector<512x128xf32>
    %dot_general3A_1293 = arith.constant dense<0.000000e+00> : vector<512x128xf32>
    %dot_general3A_1294 = tpu.matmul %get3A_3, %dot_general3A_1292, %dot_general3A_1293 {dimension_numbers = #tpu.dot_dimension_numbers<[1], [0], [0], [1], [0, 0, 1, 1], [], []>, transpose_lhs_hint = false} : vector<512x512xf32>, vector<512x128xf32>, vector<512x128xf32> -> vector<512x128xf32>
    %add3A_1295 = vector.broadcast %get3A_15 : vector<1x128xf32> to vector<512x128xf32>
    %add3A_1296 = arith.addf %dot_general3A_1294, %add3A_1295 : vector<512x128xf32>
    %max3A_1297 = arith.constant 0.000000e+00 : f32
    %max3A_1298 = vector.broadcast %max3A_1297 : f32 to vector<512x128xf32>
    %max3A_1299 = arith.maximumf %add3A_1296, %max3A_1298 : vector<512x128xf32>
    %get3A_1300 = arith.constant 5 : index
    %get3A_1301 = arith.constant 0 : index
    %get3A_1302 = arith.constant 0 : index
    %get3A_1303 = vector.load %arg2[%get3A_1300, %get3A_1301, %get3A_1302] : memref<8x512x256xf32, #tpu.memory_space<vmem>>, vector<1x512x256xf32>
    %get3A_1304 = vector.shape_cast %get3A_1303 : vector<1x512x256xf32> to vector<512x256xf32>
    %dot_general3A_1305 = arith.constant dense<0.000000e+00> : vector<512x256xf32>
    %dot_general3A_1306 = tpu.matmul %get3A_1304, %get3A_6, %dot_general3A_1305 {dimension_numbers = #tpu.dot_dimension_numbers<[1], [0], [0], [1], [0, 0, 1, 1], [], []>, transpose_lhs_hint = false} : vector<512x256xf32>, vector<256x256xf32>, vector<512x256xf32> -> vector<512x256xf32>
    %dot_general3A_1307 = arith.constant dense<0.000000e+00> : vector<512x256xf32>
    %dot_general3A_1308 = tpu.matmul %get3A_3, %dot_general3A_1306, %dot_general3A_1307 {dimension_numbers = #tpu.dot_dimension_numbers<[1], [0], [0], [1], [0, 0, 1, 1], [], []>, transpose_lhs_hint = false} : vector<512x512xf32>, vector<512x256xf32>, vector<512x256xf32> -> vector<512x256xf32>
    %add3A_1309 = vector.broadcast %get3A_12 : vector<1x256xf32> to vector<512x256xf32>
    %add3A_1310 = arith.addf %dot_general3A_1308, %add3A_1309 : vector<512x256xf32>
    %max3A_1311 = arith.constant 0.000000e+00 : f32
    %max3A_1312 = vector.broadcast %max3A_1311 : f32 to vector<512x256xf32>
    %max3A_1313 = arith.maximumf %add3A_1310, %max3A_1312 : vector<512x256xf32>
    %dot_general3A_1314 = arith.constant dense<0.000000e+00> : vector<512x128xf32>
    %dot_general3A_1315 = tpu.matmul %max3A_1313, %get3A_9, %dot_general3A_1314 {dimension_numbers = #tpu.dot_dimension_numbers<[1], [0], [0], [1], [0, 0, 1, 1], [], []>, transpose_lhs_hint = false} : vector<512x256xf32>, vector<256x128xf32>, vector<512x128xf32> -> vector<512x128xf32>
    %dot_general3A_1316 = arith.constant dense<0.000000e+00> : vector<512x128xf32>
    %dot_general3A_1317 = tpu.matmul %get3A_3, %dot_general3A_1315, %dot_general3A_1316 {dimension_numbers = #tpu.dot_dimension_numbers<[1], [0], [0], [1], [0, 0, 1, 1], [], []>, transpose_lhs_hint = false} : vector<512x512xf32>, vector<512x128xf32>, vector<512x128xf32> -> vector<512x128xf32>
    %add3A_1318 = vector.broadcast %get3A_15 : vector<1x128xf32> to vector<512x128xf32>
    %add3A_1319 = arith.addf %dot_general3A_1317, %add3A_1318 : vector<512x128xf32>
    %max3A_1320 = arith.constant 0.000000e+00 : f32
    %max3A_1321 = vector.broadcast %max3A_1320 : f32 to vector<512x128xf32>
    %max3A_1322 = arith.maximumf %add3A_1319, %max3A_1321 : vector<512x128xf32>
    %dot_general3A_1323 = arith.constant dense<0.000000e+00> : vector<512x512xf32>
    %dot_general3A_1324 = tpu.matmul %max3A_1299, %max3A_1322, %dot_general3A_1323 {dimension_numbers = #tpu.dot_dimension_numbers<[1], [1], [0], [0], [0, 0, 1, 0], [], []>, transpose_lhs_hint = false} : vector<512x128xf32>, vector<512x128xf32>, vector<512x512xf32> -> vector<512x512xf32>
    %reduce_sum3A_1325 = arith.constant dense<0.000000e+00> : vector<128xf32>
    %reduce_sum3A_1326 = vector.multi_reduction <add>, %max3A_1299, %reduce_sum3A_1325 [0] : vector<512x128xf32> to vector<128xf32>
    %broadcast_in_dim3A_1327 = vector.shape_cast %reduce_sum3A_1326 : vector<128xf32> to vector<1x128xf32>
    %mul3A_1328 = vector.broadcast %broadcast_in_dim3A_1327 : vector<1x128xf32> to vector<512x128xf32>
    %mul3A_1329 = arith.mulf %max3A_1322, %mul3A_1328 : vector<512x128xf32>
    %reduce_sum3A_1330 = arith.constant dense<0.000000e+00> : vector<512xf32>
    %reduce_sum3A_1331 = vector.multi_reduction <add>, %mul3A_1329, %reduce_sum3A_1330 [1] : vector<512x128xf32> to vector<512xf32>
    %jit3A_1332 = arith.constant 9.99999997E-7 : f32
    %max3A_1333 = vector.broadcast %jit3A_1332 : f32 to vector<512xf32>
    %max3A_1334 = arith.maximumf %max3A_1333, %reduce_sum3A_1331 : vector<512xf32>
    %div3A_1335 = arith.divf %reduce_sum3A_1331, %max3A_1334 : vector<512xf32>
    %reduce_sum3A_1336 = vector.shape_cast %div3A_1335 : vector<512xf32> to vector<1x512xf32>
    %reduce_sum3A_1337 = arith.constant dense<0.000000e+00> : vector<1xf32>
    %reduce_sum3A_1338 = vector.multi_reduction <add>, %reduce_sum3A_1336, %reduce_sum3A_1337 [1] : vector<1x512xf32> to vector<1xf32>
    %reduce_sum3A_1339 = vector.shape_cast %reduce_sum3A_1338 : vector<1xf32> to vector<1x1xf32>
    %reduce_sum3A_1340 = vector.extract %reduce_sum3A_1339[0, 0] : f32 from vector<1x1xf32>
    %add3A_1341 = arith.addf %add3A_1086, %reduce_sum3A_1340 : f32
    %div3A_1342 = arith.constant 5.120000e+02 : f32
    %div3A_1343 = vector.broadcast %div3A_1342 : f32 to vector<128xf32>
    %div3A_1344 = arith.divf %reduce_sum3A_1326, %div3A_1343 : vector<128xf32>
    %broadcast_in_dim3A_1345 = vector.shape_cast %div3A_1344 : vector<128xf32> to vector<1x128xf32>
    %sub3A_1346 = vector.broadcast %broadcast_in_dim3A_1345 : vector<1x128xf32> to vector<512x128xf32>
    %sub3A_1347 = arith.subf %max3A_1299, %sub3A_1346 : vector<512x128xf32>
    %integer_pow3A_1348 = arith.mulf %sub3A_1347, %sub3A_1347 : vector<512x128xf32>
    %reduce_sum3A_1349 = arith.constant dense<0.000000e+00> : vector<128xf32>
    %reduce_sum3A_1350 = vector.multi_reduction <add>, %integer_pow3A_1348, %reduce_sum3A_1349 [0] : vector<512x128xf32> to vector<128xf32>
    %sub3A_1351 = arith.constant 5.120000e+02 : f32
    %sub3A_1352 = arith.constant 1.000000e+00 : f32
    %sub3A_1353 = arith.subf %sub3A_1351, %sub3A_1352 : f32
    %div3A_1354 = vector.broadcast %sub3A_1353 : f32 to vector<128xf32>
    %div3A_1355 = arith.divf %reduce_sum3A_1350, %div3A_1354 : vector<128xf32>
    %sqrt3A_1356 = math.sqrt %div3A_1355 : vector<128xf32>
    %add3A_1357 = arith.constant 9.99999996E-13 : f32
    %add3A_1358 = vector.broadcast %add3A_1357 : f32 to vector<128xf32>
    %add3A_1359 = arith.addf %sqrt3A_1356, %add3A_1358 : vector<128xf32>
    %reduce_sum3A_1360 = arith.constant dense<0.000000e+00> : vector<128xf32>
    %reduce_sum3A_1361 = vector.multi_reduction <add>, %max3A_1322, %reduce_sum3A_1360 [0] : vector<512x128xf32> to vector<128xf32>
    %div3A_1362 = arith.constant 5.120000e+02 : f32
    %div3A_1363 = vector.broadcast %div3A_1362 : f32 to vector<128xf32>
    %div3A_1364 = arith.divf %reduce_sum3A_1361, %div3A_1363 : vector<128xf32>
    %broadcast_in_dim3A_1365 = vector.shape_cast %div3A_1364 : vector<128xf32> to vector<1x128xf32>
    %sub3A_1366 = vector.broadcast %broadcast_in_dim3A_1365 : vector<1x128xf32> to vector<512x128xf32>
    %sub3A_1367 = arith.subf %max3A_1322, %sub3A_1366 : vector<512x128xf32>
    %integer_pow3A_1368 = arith.mulf %sub3A_1367, %sub3A_1367 : vector<512x128xf32>
    %reduce_sum3A_1369 = arith.constant dense<0.000000e+00> : vector<128xf32>
    %reduce_sum3A_1370 = vector.multi_reduction <add>, %integer_pow3A_1368, %reduce_sum3A_1369 [0] : vector<512x128xf32> to vector<128xf32>
    %sub3A_1371 = arith.constant 5.120000e+02 : f32
    %sub3A_1372 = arith.constant 1.000000e+00 : f32
    %sub3A_1373 = arith.subf %sub3A_1371, %sub3A_1372 : f32
    %div3A_1374 = vector.broadcast %sub3A_1373 : f32 to vector<128xf32>
    %div3A_1375 = arith.divf %reduce_sum3A_1370, %div3A_1374 : vector<128xf32>
    %sqrt3A_1376 = math.sqrt %div3A_1375 : vector<128xf32>
    %add3A_1377 = arith.constant 9.99999996E-13 : f32
    %add3A_1378 = vector.broadcast %add3A_1377 : f32 to vector<128xf32>
    %add3A_1379 = arith.addf %sqrt3A_1376, %add3A_1378 : vector<128xf32>
    %broadcast_in_dim3A_1380 = vector.shape_cast %div3A_1344 : vector<128xf32> to vector<1x128xf32>
    %sub3A_1381 = vector.broadcast %broadcast_in_dim3A_1380 : vector<1x128xf32> to vector<512x128xf32>
    %sub3A_1382 = arith.subf %max3A_1322, %sub3A_1381 : vector<512x128xf32>
    %div3A_1383 = arith.constant 1.000000e+00 : f32
    %div3A_1384 = vector.broadcast %div3A_1383 : f32 to vector<128xf32>
    %div3A_1385 = arith.divf %div3A_1384, %add3A_1359 : vector<128xf32>
    %broadcast_in_dim3A_1386 = vector.shape_cast %div3A_1385 : vector<128xf32> to vector<1x128xf32>
    %mul3A_1387 = vector.broadcast %broadcast_in_dim3A_1386 : vector<1x128xf32> to vector<512x128xf32>
    %mul3A_1388 = arith.mulf %sub3A_1382, %mul3A_1387 : vector<512x128xf32>
    %mul3A_1389 = arith.constant -5.000000e-01 : f32
    %mul3A_1390 = vector.broadcast %mul3A_1389 : f32 to vector<512x128xf32>
    %mul3A_1391 = arith.mulf %mul3A_1390, %mul3A_1388 : vector<512x128xf32>
    %mul3A_1392 = arith.mulf %mul3A_1391, %mul3A_1388 : vector<512x128xf32>
    %exp3A_1393 = math.exp %mul3A_1392 : vector<512x128xf32>
    %mul3A_1394 = arith.constant 2.50662827 : f32
    %mul3A_1395 = vector.broadcast %mul3A_1394 : f32 to vector<128xf32>
    %mul3A_1396 = arith.mulf %add3A_1359, %mul3A_1395 : vector<128xf32>
    %div3A_1397 = arith.constant 1.000000e+00 : f32
    %div3A_1398 = vector.broadcast %div3A_1397 : f32 to vector<128xf32>
    %div3A_1399 = arith.divf %div3A_1398, %mul3A_1396 : vector<128xf32>
    %broadcast_in_dim3A_1400 = vector.shape_cast %div3A_1399 : vector<128xf32> to vector<1x128xf32>
    %mul3A_1401 = vector.broadcast %broadcast_in_dim3A_1400 : vector<1x128xf32> to vector<512x128xf32>
    %mul3A_1402 = arith.mulf %exp3A_1393, %mul3A_1401 : vector<512x128xf32>
    %broadcast_in_dim3A_1403 = vector.shape_cast %div3A_1364 : vector<128xf32> to vector<1x128xf32>
    %sub3A_1404 = vector.broadcast %broadcast_in_dim3A_1403 : vector<1x128xf32> to vector<512x128xf32>
    %sub3A_1405 = arith.subf %max3A_1322, %sub3A_1404 : vector<512x128xf32>
    %div3A_1406 = arith.constant 1.000000e+00 : f32
    %div3A_1407 = vector.broadcast %div3A_1406 : f32 to vector<128xf32>
    %div3A_1408 = arith.divf %div3A_1407, %add3A_1379 : vector<128xf32>
    %broadcast_in_dim3A_1409 = vector.shape_cast %div3A_1408 : vector<128xf32> to vector<1x128xf32>
    %mul3A_1410 = vector.broadcast %broadcast_in_dim3A_1409 : vector<1x128xf32> to vector<512x128xf32>
    %mul3A_1411 = arith.mulf %sub3A_1405, %mul3A_1410 : vector<512x128xf32>
    %mul3A_1412 = arith.constant -5.000000e-01 : f32
    %mul3A_1413 = vector.broadcast %mul3A_1412 : f32 to vector<512x128xf32>
    %mul3A_1414 = arith.mulf %mul3A_1413, %mul3A_1411 : vector<512x128xf32>
    %mul3A_1415 = arith.mulf %mul3A_1414, %mul3A_1411 : vector<512x128xf32>
    %exp3A_1416 = math.exp %mul3A_1415 : vector<512x128xf32>
    %mul3A_1417 = arith.constant 2.50662827 : f32
    %mul3A_1418 = vector.broadcast %mul3A_1417 : f32 to vector<128xf32>
    %mul3A_1419 = arith.mulf %add3A_1379, %mul3A_1418 : vector<128xf32>
    %div3A_1420 = arith.constant 1.000000e+00 : f32
    %div3A_1421 = vector.broadcast %div3A_1420 : f32 to vector<128xf32>
    %div3A_1422 = arith.divf %div3A_1421, %mul3A_1419 : vector<128xf32>
    %broadcast_in_dim3A_1423 = vector.shape_cast %div3A_1422 : vector<128xf32> to vector<1x128xf32>
    %mul3A_1424 = vector.broadcast %broadcast_in_dim3A_1423 : vector<1x128xf32> to vector<512x128xf32>
    %mul3A_1425 = arith.mulf %exp3A_1416, %mul3A_1424 : vector<512x128xf32>
    %add3A_1426 = arith.addf %mul3A_1402, %mul3A_1425 : vector<512x128xf32>
    %add3A_1427 = arith.constant 2.000000e-12 : f32
    %add3A_1428 = vector.broadcast %add3A_1427 : f32 to vector<512x128xf32>
    %add3A_1429 = arith.addf %add3A_1426, %add3A_1428 : vector<512x128xf32>
    %div3A_1430 = arith.divf %mul3A_1402, %add3A_1429 : vector<512x128xf32>
    %reduce_sum3A_1431 = arith.constant dense<0.000000e+00> : vector<512xf32>
    %reduce_sum3A_1432 = vector.multi_reduction <add>, %div3A_1430, %reduce_sum3A_1431 [1] : vector<512x128xf32> to vector<512xf32>
    %mul3A_1433 = arith.constant 7.812500e-03 : f32
    %mul3A_1434 = vector.broadcast %mul3A_1433 : f32 to vector<512xf32>
    %mul3A_1435 = arith.mulf %reduce_sum3A_1432, %mul3A_1434 : vector<512xf32>
    %gt3A_1436 = arith.constant 6.000000e-01 : f32
    %gt3A_1437 = vector.broadcast %gt3A_1436 : f32 to vector<512xf32>
    %gt3A_1438 = arith.cmpf ogt, %mul3A_1435, %gt3A_1437 : vector<512xf32>
    %convert_element_type3A_1439 = arith.extui %gt3A_1438 : vector<512xi1> to vector<512xi32>
    %convert_element_type3A_1440 = arith.sitofp %convert_element_type3A_1439 : vector<512xi32> to vector<512xf32>
    %reduce_sum3A_1441 = vector.shape_cast %convert_element_type3A_1440 : vector<512xf32> to vector<1x512xf32>
    %reduce_sum3A_1442 = arith.constant dense<0.000000e+00> : vector<1xf32>
    %reduce_sum3A_1443 = vector.multi_reduction <add>, %reduce_sum3A_1441, %reduce_sum3A_1442 [1] : vector<1x512xf32> to vector<1xf32>
    %reduce_sum3A_1444 = vector.shape_cast %reduce_sum3A_1443 : vector<1xf32> to vector<1x1xf32>
    %reduce_sum3A_1445 = vector.extract %reduce_sum3A_1444[0, 0] : f32 from vector<1x1xf32>
    %mul3A_1446 = arith.mulf %max3A_1299, %max3A_1322 : vector<512x128xf32>
    %reduce_sum3A_1447 = arith.constant dense<0.000000e+00> : vector<512xf32>
    %reduce_sum3A_1448 = vector.multi_reduction <add>, %mul3A_1446, %reduce_sum3A_1447 [1] : vector<512x128xf32> to vector<512xf32>
    %min3A_1449 = arith.constant 0.000000e+00 : f32
    %min3A_1450 = vector.broadcast %min3A_1449 : f32 to vector<512xf32>
    %min3A_1451 = arith.minimumf %reduce_sum3A_1448, %min3A_1450 : vector<512xf32>
    %abs3A_1452 = math.absf %reduce_sum3A_1448 : vector<512xf32>
    %neg3A_1453 = arith.constant 0.000000e+00 : f32
    %neg3A_1454 = vector.broadcast %neg3A_1453 : f32 to vector<512xf32>
    %neg3A_1455 = arith.subf %neg3A_1454, %abs3A_1452 : vector<512xf32>
    %exp3A_1456 = math.exp %neg3A_1455 : vector<512xf32>
    %log1p3A_1457 = math.log1p %exp3A_1456 : vector<512xf32>
    %sub3A_1458 = arith.subf %min3A_1451, %log1p3A_1457 : vector<512xf32>
    %reduce_sum3A_1459 = vector.shape_cast %sub3A_1458 : vector<512xf32> to vector<1x512xf32>
    %reduce_sum3A_1460 = arith.constant dense<0.000000e+00> : vector<1xf32>
    %reduce_sum3A_1461 = vector.multi_reduction <add>, %reduce_sum3A_1459, %reduce_sum3A_1460 [1] : vector<1x512xf32> to vector<1xf32>
    %reduce_sum3A_1462 = vector.shape_cast %reduce_sum3A_1461 : vector<1xf32> to vector<1x1xf32>
    %reduce_sum3A_1463 = vector.extract %reduce_sum3A_1462[0, 0] : f32 from vector<1x1xf32>
    %mul3A_1464 = arith.constant 2.616320e+05 : f32
    %mul3A_1465 = arith.constant 0.693147182 : f32
    %mul3A_1466 = arith.mulf %mul3A_1464, %mul3A_1465 : f32
    %sub3A_1467 = arith.subf %reduce_sum3A_1463, %mul3A_1466 : f32
    %add3A_1468 = arith.addf %add3A_1213, %sub3A_1467 : f32
    %neg3A_1469 = arith.constant 0.000000e+00 : f32
    %neg3A_1470 = vector.broadcast %neg3A_1469 : f32 to vector<512x512xf32>
    %neg3A_1471 = arith.subf %neg3A_1470, %dot_general3A_1324 : vector<512x512xf32>
    %min3A_1472 = arith.constant 0.000000e+00 : f32
    %min3A_1473 = vector.broadcast %min3A_1472 : f32 to vector<512x512xf32>
    %min3A_1474 = arith.minimumf %neg3A_1471, %min3A_1473 : vector<512x512xf32>
    %abs3A_1475 = math.absf %neg3A_1471 : vector<512x512xf32>
    %neg3A_1476 = arith.constant 0.000000e+00 : f32
    %neg3A_1477 = vector.broadcast %neg3A_1476 : f32 to vector<512x512xf32>
    %neg3A_1478 = arith.subf %neg3A_1477, %abs3A_1475 : vector<512x512xf32>
    %exp3A_1479 = math.exp %neg3A_1478 : vector<512x512xf32>
    %log1p3A_1480 = math.log1p %exp3A_1479 : vector<512x512xf32>
    %sub3A_1481 = arith.subf %min3A_1474, %log1p3A_1480 : vector<512x512xf32>
    %reduce_sum3A_1482 = arith.constant dense<0.000000e+00> : vector<512xf32>
    %reduce_sum3A_1483 = vector.multi_reduction <add>, %sub3A_1481, %reduce_sum3A_1482 [1] : vector<512x512xf32> to vector<512xf32>
    %neg3A_1484 = arith.constant 0.000000e+00 : f32
    %neg3A_1485 = vector.broadcast %neg3A_1484 : f32 to vector<512xf32>
    %neg3A_1486 = arith.subf %neg3A_1485, %reduce_sum3A_1448 : vector<512xf32>
    %min3A_1487 = arith.constant 0.000000e+00 : f32
    %min3A_1488 = vector.broadcast %min3A_1487 : f32 to vector<512xf32>
    %min3A_1489 = arith.minimumf %neg3A_1486, %min3A_1488 : vector<512xf32>
    %abs3A_1490 = math.absf %neg3A_1486 : vector<512xf32>
    %neg3A_1491 = arith.constant 0.000000e+00 : f32
    %neg3A_1492 = vector.broadcast %neg3A_1491 : f32 to vector<512xf32>
    %neg3A_1493 = arith.subf %neg3A_1492, %abs3A_1490 : vector<512xf32>
    %exp3A_1494 = math.exp %neg3A_1493 : vector<512xf32>
    %log1p3A_1495 = math.log1p %exp3A_1494 : vector<512xf32>
    %sub3A_1496 = arith.subf %min3A_1489, %log1p3A_1495 : vector<512xf32>
    %reduce_sum3A_1497 = vector.shape_cast %reduce_sum3A_1483 : vector<512xf32> to vector<1x512xf32>
    %reduce_sum3A_1498 = arith.constant dense<0.000000e+00> : vector<1xf32>
    %reduce_sum3A_1499 = vector.multi_reduction <add>, %reduce_sum3A_1497, %reduce_sum3A_1498 [1] : vector<1x512xf32> to vector<1xf32>
    %reduce_sum3A_1500 = vector.shape_cast %reduce_sum3A_1499 : vector<1xf32> to vector<1x1xf32>
    %reduce_sum3A_1501 = vector.extract %reduce_sum3A_1500[0, 0] : f32 from vector<1x1xf32>
    %mul3A_1502 = arith.mulf %convert_element_type3A_1440, %reduce_sum3A_1483 : vector<512xf32>
    %reduce_sum3A_1503 = vector.shape_cast %mul3A_1502 : vector<512xf32> to vector<1x512xf32>
    %reduce_sum3A_1504 = arith.constant dense<0.000000e+00> : vector<1xf32>
    %reduce_sum3A_1505 = vector.multi_reduction <add>, %reduce_sum3A_1503, %reduce_sum3A_1504 [1] : vector<1x512xf32> to vector<1xf32>
    %reduce_sum3A_1506 = vector.shape_cast %reduce_sum3A_1505 : vector<1xf32> to vector<1x1xf32>
    %reduce_sum3A_1507 = vector.extract %reduce_sum3A_1506[0, 0] : f32 from vector<1x1xf32>
    %sub3A_1508 = arith.subf %reduce_sum3A_1501, %reduce_sum3A_1507 : f32
    %reduce_sum3A_1509 = vector.shape_cast %sub3A_1496 : vector<512xf32> to vector<1x512xf32>
    %reduce_sum3A_1510 = arith.constant dense<0.000000e+00> : vector<1xf32>
    %reduce_sum3A_1511 = vector.multi_reduction <add>, %reduce_sum3A_1509, %reduce_sum3A_1510 [1] : vector<1x512xf32> to vector<1xf32>
    %reduce_sum3A_1512 = vector.shape_cast %reduce_sum3A_1511 : vector<1xf32> to vector<1x1xf32>
    %reduce_sum3A_1513 = vector.extract %reduce_sum3A_1512[0, 0] : f32 from vector<1x1xf32>
    %sub3A_1514 = arith.subf %sub3A_1508, %reduce_sum3A_1513 : f32
    %mul3A_1515 = arith.mulf %convert_element_type3A_1440, %sub3A_1496 : vector<512xf32>
    %reduce_sum3A_1516 = vector.shape_cast %mul3A_1515 : vector<512xf32> to vector<1x512xf32>
    %reduce_sum3A_1517 = arith.constant dense<0.000000e+00> : vector<1xf32>
    %reduce_sum3A_1518 = vector.multi_reduction <add>, %reduce_sum3A_1516, %reduce_sum3A_1517 [1] : vector<1x512xf32> to vector<1xf32>
    %reduce_sum3A_1519 = vector.shape_cast %reduce_sum3A_1518 : vector<1xf32> to vector<1x1xf32>
    %reduce_sum3A_1520 = vector.extract %reduce_sum3A_1519[0, 0] : f32 from vector<1x1xf32>
    %add3A_1521 = arith.addf %sub3A_1514, %reduce_sum3A_1520 : f32
    %sub3A_1522 = arith.constant 5.120000e+02 : f32
    %sub3A_1523 = arith.constant 1.000000e+00 : f32
    %sub3A_1524 = arith.subf %sub3A_1522, %sub3A_1523 : f32
    %mul3A_1525 = arith.mulf %sub3A_1524, %reduce_sum3A_1445 : f32
    %add3A_1526 = arith.constant 5.120000e+02 : f32
    %add3A_1527 = arith.addf %add3A_1526, %mul3A_1525 : f32
    %mul3A_1528 = arith.constant 0.693147182 : f32
    %mul3A_1529 = arith.mulf %add3A_1527, %mul3A_1528 : f32
    %sub3A_1530 = arith.subf %add3A_1521, %mul3A_1529 : f32
    %add3A_1531 = arith.addf %add3A_1276, %sub3A_1530 : f32
    %get3A_1532 = arith.constant 6 : index
    %get3A_1533 = arith.constant 0 : index
    %get3A_1534 = arith.constant 0 : index
    %get3A_1535 = vector.load %arg1[%get3A_1532, %get3A_1533, %get3A_1534] : memref<8x512x256xf32, #tpu.memory_space<vmem>>, vector<1x512x256xf32>
    %get3A_1536 = vector.shape_cast %get3A_1535 : vector<1x512x256xf32> to vector<512x256xf32>
    %dot_general3A_1537 = arith.constant dense<0.000000e+00> : vector<512x256xf32>
    %dot_general3A_1538 = tpu.matmul %get3A_1536, %get3A_6, %dot_general3A_1537 {dimension_numbers = #tpu.dot_dimension_numbers<[1], [0], [0], [1], [0, 0, 1, 1], [], []>, transpose_lhs_hint = false} : vector<512x256xf32>, vector<256x256xf32>, vector<512x256xf32> -> vector<512x256xf32>
    %dot_general3A_1539 = arith.constant dense<0.000000e+00> : vector<512x256xf32>
    %dot_general3A_1540 = tpu.matmul %get3A_3, %dot_general3A_1538, %dot_general3A_1539 {dimension_numbers = #tpu.dot_dimension_numbers<[1], [0], [0], [1], [0, 0, 1, 1], [], []>, transpose_lhs_hint = false} : vector<512x512xf32>, vector<512x256xf32>, vector<512x256xf32> -> vector<512x256xf32>
    %add3A_1541 = vector.broadcast %get3A_12 : vector<1x256xf32> to vector<512x256xf32>
    %add3A_1542 = arith.addf %dot_general3A_1540, %add3A_1541 : vector<512x256xf32>
    %max3A_1543 = arith.constant 0.000000e+00 : f32
    %max3A_1544 = vector.broadcast %max3A_1543 : f32 to vector<512x256xf32>
    %max3A_1545 = arith.maximumf %add3A_1542, %max3A_1544 : vector<512x256xf32>
    %dot_general3A_1546 = arith.constant dense<0.000000e+00> : vector<512x128xf32>
    %dot_general3A_1547 = tpu.matmul %max3A_1545, %get3A_9, %dot_general3A_1546 {dimension_numbers = #tpu.dot_dimension_numbers<[1], [0], [0], [1], [0, 0, 1, 1], [], []>, transpose_lhs_hint = false} : vector<512x256xf32>, vector<256x128xf32>, vector<512x128xf32> -> vector<512x128xf32>
    %dot_general3A_1548 = arith.constant dense<0.000000e+00> : vector<512x128xf32>
    %dot_general3A_1549 = tpu.matmul %get3A_3, %dot_general3A_1547, %dot_general3A_1548 {dimension_numbers = #tpu.dot_dimension_numbers<[1], [0], [0], [1], [0, 0, 1, 1], [], []>, transpose_lhs_hint = false} : vector<512x512xf32>, vector<512x128xf32>, vector<512x128xf32> -> vector<512x128xf32>
    %add3A_1550 = vector.broadcast %get3A_15 : vector<1x128xf32> to vector<512x128xf32>
    %add3A_1551 = arith.addf %dot_general3A_1549, %add3A_1550 : vector<512x128xf32>
    %max3A_1552 = arith.constant 0.000000e+00 : f32
    %max3A_1553 = vector.broadcast %max3A_1552 : f32 to vector<512x128xf32>
    %max3A_1554 = arith.maximumf %add3A_1551, %max3A_1553 : vector<512x128xf32>
    %get3A_1555 = arith.constant 6 : index
    %get3A_1556 = arith.constant 0 : index
    %get3A_1557 = arith.constant 0 : index
    %get3A_1558 = vector.load %arg2[%get3A_1555, %get3A_1556, %get3A_1557] : memref<8x512x256xf32, #tpu.memory_space<vmem>>, vector<1x512x256xf32>
    %get3A_1559 = vector.shape_cast %get3A_1558 : vector<1x512x256xf32> to vector<512x256xf32>
    %dot_general3A_1560 = arith.constant dense<0.000000e+00> : vector<512x256xf32>
    %dot_general3A_1561 = tpu.matmul %get3A_1559, %get3A_6, %dot_general3A_1560 {dimension_numbers = #tpu.dot_dimension_numbers<[1], [0], [0], [1], [0, 0, 1, 1], [], []>, transpose_lhs_hint = false} : vector<512x256xf32>, vector<256x256xf32>, vector<512x256xf32> -> vector<512x256xf32>
    %dot_general3A_1562 = arith.constant dense<0.000000e+00> : vector<512x256xf32>
    %dot_general3A_1563 = tpu.matmul %get3A_3, %dot_general3A_1561, %dot_general3A_1562 {dimension_numbers = #tpu.dot_dimension_numbers<[1], [0], [0], [1], [0, 0, 1, 1], [], []>, transpose_lhs_hint = false} : vector<512x512xf32>, vector<512x256xf32>, vector<512x256xf32> -> vector<512x256xf32>
    %add3A_1564 = vector.broadcast %get3A_12 : vector<1x256xf32> to vector<512x256xf32>
    %add3A_1565 = arith.addf %dot_general3A_1563, %add3A_1564 : vector<512x256xf32>
    %max3A_1566 = arith.constant 0.000000e+00 : f32
    %max3A_1567 = vector.broadcast %max3A_1566 : f32 to vector<512x256xf32>
    %max3A_1568 = arith.maximumf %add3A_1565, %max3A_1567 : vector<512x256xf32>
    %dot_general3A_1569 = arith.constant dense<0.000000e+00> : vector<512x128xf32>
    %dot_general3A_1570 = tpu.matmul %max3A_1568, %get3A_9, %dot_general3A_1569 {dimension_numbers = #tpu.dot_dimension_numbers<[1], [0], [0], [1], [0, 0, 1, 1], [], []>, transpose_lhs_hint = false} : vector<512x256xf32>, vector<256x128xf32>, vector<512x128xf32> -> vector<512x128xf32>
    %dot_general3A_1571 = arith.constant dense<0.000000e+00> : vector<512x128xf32>
    %dot_general3A_1572 = tpu.matmul %get3A_3, %dot_general3A_1570, %dot_general3A_1571 {dimension_numbers = #tpu.dot_dimension_numbers<[1], [0], [0], [1], [0, 0, 1, 1], [], []>, transpose_lhs_hint = false} : vector<512x512xf32>, vector<512x128xf32>, vector<512x128xf32> -> vector<512x128xf32>
    %add3A_1573 = vector.broadcast %get3A_15 : vector<1x128xf32> to vector<512x128xf32>
    %add3A_1574 = arith.addf %dot_general3A_1572, %add3A_1573 : vector<512x128xf32>
    %max3A_1575 = arith.constant 0.000000e+00 : f32
    %max3A_1576 = vector.broadcast %max3A_1575 : f32 to vector<512x128xf32>
    %max3A_1577 = arith.maximumf %add3A_1574, %max3A_1576 : vector<512x128xf32>
    %dot_general3A_1578 = arith.constant dense<0.000000e+00> : vector<512x512xf32>
    %dot_general3A_1579 = tpu.matmul %max3A_1554, %max3A_1577, %dot_general3A_1578 {dimension_numbers = #tpu.dot_dimension_numbers<[1], [1], [0], [0], [0, 0, 1, 0], [], []>, transpose_lhs_hint = false} : vector<512x128xf32>, vector<512x128xf32>, vector<512x512xf32> -> vector<512x512xf32>
    %reduce_sum3A_1580 = arith.constant dense<0.000000e+00> : vector<128xf32>
    %reduce_sum3A_1581 = vector.multi_reduction <add>, %max3A_1554, %reduce_sum3A_1580 [0] : vector<512x128xf32> to vector<128xf32>
    %broadcast_in_dim3A_1582 = vector.shape_cast %reduce_sum3A_1581 : vector<128xf32> to vector<1x128xf32>
    %mul3A_1583 = vector.broadcast %broadcast_in_dim3A_1582 : vector<1x128xf32> to vector<512x128xf32>
    %mul3A_1584 = arith.mulf %max3A_1577, %mul3A_1583 : vector<512x128xf32>
    %reduce_sum3A_1585 = arith.constant dense<0.000000e+00> : vector<512xf32>
    %reduce_sum3A_1586 = vector.multi_reduction <add>, %mul3A_1584, %reduce_sum3A_1585 [1] : vector<512x128xf32> to vector<512xf32>
    %jit3A_1587 = arith.constant 9.99999997E-7 : f32
    %max3A_1588 = vector.broadcast %jit3A_1587 : f32 to vector<512xf32>
    %max3A_1589 = arith.maximumf %max3A_1588, %reduce_sum3A_1586 : vector<512xf32>
    %div3A_1590 = arith.divf %reduce_sum3A_1586, %max3A_1589 : vector<512xf32>
    %reduce_sum3A_1591 = vector.shape_cast %div3A_1590 : vector<512xf32> to vector<1x512xf32>
    %reduce_sum3A_1592 = arith.constant dense<0.000000e+00> : vector<1xf32>
    %reduce_sum3A_1593 = vector.multi_reduction <add>, %reduce_sum3A_1591, %reduce_sum3A_1592 [1] : vector<1x512xf32> to vector<1xf32>
    %reduce_sum3A_1594 = vector.shape_cast %reduce_sum3A_1593 : vector<1xf32> to vector<1x1xf32>
    %reduce_sum3A_1595 = vector.extract %reduce_sum3A_1594[0, 0] : f32 from vector<1x1xf32>
    %add3A_1596 = arith.addf %add3A_1341, %reduce_sum3A_1595 : f32
    %div3A_1597 = arith.constant 5.120000e+02 : f32
    %div3A_1598 = vector.broadcast %div3A_1597 : f32 to vector<128xf32>
    %div3A_1599 = arith.divf %reduce_sum3A_1581, %div3A_1598 : vector<128xf32>
    %broadcast_in_dim3A_1600 = vector.shape_cast %div3A_1599 : vector<128xf32> to vector<1x128xf32>
    %sub3A_1601 = vector.broadcast %broadcast_in_dim3A_1600 : vector<1x128xf32> to vector<512x128xf32>
    %sub3A_1602 = arith.subf %max3A_1554, %sub3A_1601 : vector<512x128xf32>
    %integer_pow3A_1603 = arith.mulf %sub3A_1602, %sub3A_1602 : vector<512x128xf32>
    %reduce_sum3A_1604 = arith.constant dense<0.000000e+00> : vector<128xf32>
    %reduce_sum3A_1605 = vector.multi_reduction <add>, %integer_pow3A_1603, %reduce_sum3A_1604 [0] : vector<512x128xf32> to vector<128xf32>
    %sub3A_1606 = arith.constant 5.120000e+02 : f32
    %sub3A_1607 = arith.constant 1.000000e+00 : f32
    %sub3A_1608 = arith.subf %sub3A_1606, %sub3A_1607 : f32
    %div3A_1609 = vector.broadcast %sub3A_1608 : f32 to vector<128xf32>
    %div3A_1610 = arith.divf %reduce_sum3A_1605, %div3A_1609 : vector<128xf32>
    %sqrt3A_1611 = math.sqrt %div3A_1610 : vector<128xf32>
    %add3A_1612 = arith.constant 9.99999996E-13 : f32
    %add3A_1613 = vector.broadcast %add3A_1612 : f32 to vector<128xf32>
    %add3A_1614 = arith.addf %sqrt3A_1611, %add3A_1613 : vector<128xf32>
    %reduce_sum3A_1615 = arith.constant dense<0.000000e+00> : vector<128xf32>
    %reduce_sum3A_1616 = vector.multi_reduction <add>, %max3A_1577, %reduce_sum3A_1615 [0] : vector<512x128xf32> to vector<128xf32>
    %div3A_1617 = arith.constant 5.120000e+02 : f32
    %div3A_1618 = vector.broadcast %div3A_1617 : f32 to vector<128xf32>
    %div3A_1619 = arith.divf %reduce_sum3A_1616, %div3A_1618 : vector<128xf32>
    %broadcast_in_dim3A_1620 = vector.shape_cast %div3A_1619 : vector<128xf32> to vector<1x128xf32>
    %sub3A_1621 = vector.broadcast %broadcast_in_dim3A_1620 : vector<1x128xf32> to vector<512x128xf32>
    %sub3A_1622 = arith.subf %max3A_1577, %sub3A_1621 : vector<512x128xf32>
    %integer_pow3A_1623 = arith.mulf %sub3A_1622, %sub3A_1622 : vector<512x128xf32>
    %reduce_sum3A_1624 = arith.constant dense<0.000000e+00> : vector<128xf32>
    %reduce_sum3A_1625 = vector.multi_reduction <add>, %integer_pow3A_1623, %reduce_sum3A_1624 [0] : vector<512x128xf32> to vector<128xf32>
    %sub3A_1626 = arith.constant 5.120000e+02 : f32
    %sub3A_1627 = arith.constant 1.000000e+00 : f32
    %sub3A_1628 = arith.subf %sub3A_1626, %sub3A_1627 : f32
    %div3A_1629 = vector.broadcast %sub3A_1628 : f32 to vector<128xf32>
    %div3A_1630 = arith.divf %reduce_sum3A_1625, %div3A_1629 : vector<128xf32>
    %sqrt3A_1631 = math.sqrt %div3A_1630 : vector<128xf32>
    %add3A_1632 = arith.constant 9.99999996E-13 : f32
    %add3A_1633 = vector.broadcast %add3A_1632 : f32 to vector<128xf32>
    %add3A_1634 = arith.addf %sqrt3A_1631, %add3A_1633 : vector<128xf32>
    %broadcast_in_dim3A_1635 = vector.shape_cast %div3A_1599 : vector<128xf32> to vector<1x128xf32>
    %sub3A_1636 = vector.broadcast %broadcast_in_dim3A_1635 : vector<1x128xf32> to vector<512x128xf32>
    %sub3A_1637 = arith.subf %max3A_1577, %sub3A_1636 : vector<512x128xf32>
    %div3A_1638 = arith.constant 1.000000e+00 : f32
    %div3A_1639 = vector.broadcast %div3A_1638 : f32 to vector<128xf32>
    %div3A_1640 = arith.divf %div3A_1639, %add3A_1614 : vector<128xf32>
    %broadcast_in_dim3A_1641 = vector.shape_cast %div3A_1640 : vector<128xf32> to vector<1x128xf32>
    %mul3A_1642 = vector.broadcast %broadcast_in_dim3A_1641 : vector<1x128xf32> to vector<512x128xf32>
    %mul3A_1643 = arith.mulf %sub3A_1637, %mul3A_1642 : vector<512x128xf32>
    %mul3A_1644 = arith.constant -5.000000e-01 : f32
    %mul3A_1645 = vector.broadcast %mul3A_1644 : f32 to vector<512x128xf32>
    %mul3A_1646 = arith.mulf %mul3A_1645, %mul3A_1643 : vector<512x128xf32>
    %mul3A_1647 = arith.mulf %mul3A_1646, %mul3A_1643 : vector<512x128xf32>
    %exp3A_1648 = math.exp %mul3A_1647 : vector<512x128xf32>
    %mul3A_1649 = arith.constant 2.50662827 : f32
    %mul3A_1650 = vector.broadcast %mul3A_1649 : f32 to vector<128xf32>
    %mul3A_1651 = arith.mulf %add3A_1614, %mul3A_1650 : vector<128xf32>
    %div3A_1652 = arith.constant 1.000000e+00 : f32
    %div3A_1653 = vector.broadcast %div3A_1652 : f32 to vector<128xf32>
    %div3A_1654 = arith.divf %div3A_1653, %mul3A_1651 : vector<128xf32>
    %broadcast_in_dim3A_1655 = vector.shape_cast %div3A_1654 : vector<128xf32> to vector<1x128xf32>
    %mul3A_1656 = vector.broadcast %broadcast_in_dim3A_1655 : vector<1x128xf32> to vector<512x128xf32>
    %mul3A_1657 = arith.mulf %exp3A_1648, %mul3A_1656 : vector<512x128xf32>
    %broadcast_in_dim3A_1658 = vector.shape_cast %div3A_1619 : vector<128xf32> to vector<1x128xf32>
    %sub3A_1659 = vector.broadcast %broadcast_in_dim3A_1658 : vector<1x128xf32> to vector<512x128xf32>
    %sub3A_1660 = arith.subf %max3A_1577, %sub3A_1659 : vector<512x128xf32>
    %div3A_1661 = arith.constant 1.000000e+00 : f32
    %div3A_1662 = vector.broadcast %div3A_1661 : f32 to vector<128xf32>
    %div3A_1663 = arith.divf %div3A_1662, %add3A_1634 : vector<128xf32>
    %broadcast_in_dim3A_1664 = vector.shape_cast %div3A_1663 : vector<128xf32> to vector<1x128xf32>
    %mul3A_1665 = vector.broadcast %broadcast_in_dim3A_1664 : vector<1x128xf32> to vector<512x128xf32>
    %mul3A_1666 = arith.mulf %sub3A_1660, %mul3A_1665 : vector<512x128xf32>
    %mul3A_1667 = arith.constant -5.000000e-01 : f32
    %mul3A_1668 = vector.broadcast %mul3A_1667 : f32 to vector<512x128xf32>
    %mul3A_1669 = arith.mulf %mul3A_1668, %mul3A_1666 : vector<512x128xf32>
    %mul3A_1670 = arith.mulf %mul3A_1669, %mul3A_1666 : vector<512x128xf32>
    %exp3A_1671 = math.exp %mul3A_1670 : vector<512x128xf32>
    %mul3A_1672 = arith.constant 2.50662827 : f32
    %mul3A_1673 = vector.broadcast %mul3A_1672 : f32 to vector<128xf32>
    %mul3A_1674 = arith.mulf %add3A_1634, %mul3A_1673 : vector<128xf32>
    %div3A_1675 = arith.constant 1.000000e+00 : f32
    %div3A_1676 = vector.broadcast %div3A_1675 : f32 to vector<128xf32>
    %div3A_1677 = arith.divf %div3A_1676, %mul3A_1674 : vector<128xf32>
    %broadcast_in_dim3A_1678 = vector.shape_cast %div3A_1677 : vector<128xf32> to vector<1x128xf32>
    %mul3A_1679 = vector.broadcast %broadcast_in_dim3A_1678 : vector<1x128xf32> to vector<512x128xf32>
    %mul3A_1680 = arith.mulf %exp3A_1671, %mul3A_1679 : vector<512x128xf32>
    %add3A_1681 = arith.addf %mul3A_1657, %mul3A_1680 : vector<512x128xf32>
    %add3A_1682 = arith.constant 2.000000e-12 : f32
    %add3A_1683 = vector.broadcast %add3A_1682 : f32 to vector<512x128xf32>
    %add3A_1684 = arith.addf %add3A_1681, %add3A_1683 : vector<512x128xf32>
    %div3A_1685 = arith.divf %mul3A_1657, %add3A_1684 : vector<512x128xf32>
    %reduce_sum3A_1686 = arith.constant dense<0.000000e+00> : vector<512xf32>
    %reduce_sum3A_1687 = vector.multi_reduction <add>, %div3A_1685, %reduce_sum3A_1686 [1] : vector<512x128xf32> to vector<512xf32>
    %mul3A_1688 = arith.constant 7.812500e-03 : f32
    %mul3A_1689 = vector.broadcast %mul3A_1688 : f32 to vector<512xf32>
    %mul3A_1690 = arith.mulf %reduce_sum3A_1687, %mul3A_1689 : vector<512xf32>
    %gt3A_1691 = arith.constant 6.000000e-01 : f32
    %gt3A_1692 = vector.broadcast %gt3A_1691 : f32 to vector<512xf32>
    %gt3A_1693 = arith.cmpf ogt, %mul3A_1690, %gt3A_1692 : vector<512xf32>
    %convert_element_type3A_1694 = arith.extui %gt3A_1693 : vector<512xi1> to vector<512xi32>
    %convert_element_type3A_1695 = arith.sitofp %convert_element_type3A_1694 : vector<512xi32> to vector<512xf32>
    %reduce_sum3A_1696 = vector.shape_cast %convert_element_type3A_1695 : vector<512xf32> to vector<1x512xf32>
    %reduce_sum3A_1697 = arith.constant dense<0.000000e+00> : vector<1xf32>
    %reduce_sum3A_1698 = vector.multi_reduction <add>, %reduce_sum3A_1696, %reduce_sum3A_1697 [1] : vector<1x512xf32> to vector<1xf32>
    %reduce_sum3A_1699 = vector.shape_cast %reduce_sum3A_1698 : vector<1xf32> to vector<1x1xf32>
    %reduce_sum3A_1700 = vector.extract %reduce_sum3A_1699[0, 0] : f32 from vector<1x1xf32>
    %mul3A_1701 = arith.mulf %max3A_1554, %max3A_1577 : vector<512x128xf32>
    %reduce_sum3A_1702 = arith.constant dense<0.000000e+00> : vector<512xf32>
    %reduce_sum3A_1703 = vector.multi_reduction <add>, %mul3A_1701, %reduce_sum3A_1702 [1] : vector<512x128xf32> to vector<512xf32>
    %min3A_1704 = arith.constant 0.000000e+00 : f32
    %min3A_1705 = vector.broadcast %min3A_1704 : f32 to vector<512xf32>
    %min3A_1706 = arith.minimumf %reduce_sum3A_1703, %min3A_1705 : vector<512xf32>
    %abs3A_1707 = math.absf %reduce_sum3A_1703 : vector<512xf32>
    %neg3A_1708 = arith.constant 0.000000e+00 : f32
    %neg3A_1709 = vector.broadcast %neg3A_1708 : f32 to vector<512xf32>
    %neg3A_1710 = arith.subf %neg3A_1709, %abs3A_1707 : vector<512xf32>
    %exp3A_1711 = math.exp %neg3A_1710 : vector<512xf32>
    %log1p3A_1712 = math.log1p %exp3A_1711 : vector<512xf32>
    %sub3A_1713 = arith.subf %min3A_1706, %log1p3A_1712 : vector<512xf32>
    %reduce_sum3A_1714 = vector.shape_cast %sub3A_1713 : vector<512xf32> to vector<1x512xf32>
    %reduce_sum3A_1715 = arith.constant dense<0.000000e+00> : vector<1xf32>
    %reduce_sum3A_1716 = vector.multi_reduction <add>, %reduce_sum3A_1714, %reduce_sum3A_1715 [1] : vector<1x512xf32> to vector<1xf32>
    %reduce_sum3A_1717 = vector.shape_cast %reduce_sum3A_1716 : vector<1xf32> to vector<1x1xf32>
    %reduce_sum3A_1718 = vector.extract %reduce_sum3A_1717[0, 0] : f32 from vector<1x1xf32>
    %mul3A_1719 = arith.constant 2.616320e+05 : f32
    %mul3A_1720 = arith.constant 0.693147182 : f32
    %mul3A_1721 = arith.mulf %mul3A_1719, %mul3A_1720 : f32
    %sub3A_1722 = arith.subf %reduce_sum3A_1718, %mul3A_1721 : f32
    %add3A_1723 = arith.addf %add3A_1468, %sub3A_1722 : f32
    %neg3A_1724 = arith.constant 0.000000e+00 : f32
    %neg3A_1725 = vector.broadcast %neg3A_1724 : f32 to vector<512x512xf32>
    %neg3A_1726 = arith.subf %neg3A_1725, %dot_general3A_1579 : vector<512x512xf32>
    %min3A_1727 = arith.constant 0.000000e+00 : f32
    %min3A_1728 = vector.broadcast %min3A_1727 : f32 to vector<512x512xf32>
    %min3A_1729 = arith.minimumf %neg3A_1726, %min3A_1728 : vector<512x512xf32>
    %abs3A_1730 = math.absf %neg3A_1726 : vector<512x512xf32>
    %neg3A_1731 = arith.constant 0.000000e+00 : f32
    %neg3A_1732 = vector.broadcast %neg3A_1731 : f32 to vector<512x512xf32>
    %neg3A_1733 = arith.subf %neg3A_1732, %abs3A_1730 : vector<512x512xf32>
    %exp3A_1734 = math.exp %neg3A_1733 : vector<512x512xf32>
    %log1p3A_1735 = math.log1p %exp3A_1734 : vector<512x512xf32>
    %sub3A_1736 = arith.subf %min3A_1729, %log1p3A_1735 : vector<512x512xf32>
    %reduce_sum3A_1737 = arith.constant dense<0.000000e+00> : vector<512xf32>
    %reduce_sum3A_1738 = vector.multi_reduction <add>, %sub3A_1736, %reduce_sum3A_1737 [1] : vector<512x512xf32> to vector<512xf32>
    %neg3A_1739 = arith.constant 0.000000e+00 : f32
    %neg3A_1740 = vector.broadcast %neg3A_1739 : f32 to vector<512xf32>
    %neg3A_1741 = arith.subf %neg3A_1740, %reduce_sum3A_1703 : vector<512xf32>
    %min3A_1742 = arith.constant 0.000000e+00 : f32
    %min3A_1743 = vector.broadcast %min3A_1742 : f32 to vector<512xf32>
    %min3A_1744 = arith.minimumf %neg3A_1741, %min3A_1743 : vector<512xf32>
    %abs3A_1745 = math.absf %neg3A_1741 : vector<512xf32>
    %neg3A_1746 = arith.constant 0.000000e+00 : f32
    %neg3A_1747 = vector.broadcast %neg3A_1746 : f32 to vector<512xf32>
    %neg3A_1748 = arith.subf %neg3A_1747, %abs3A_1745 : vector<512xf32>
    %exp3A_1749 = math.exp %neg3A_1748 : vector<512xf32>
    %log1p3A_1750 = math.log1p %exp3A_1749 : vector<512xf32>
    %sub3A_1751 = arith.subf %min3A_1744, %log1p3A_1750 : vector<512xf32>
    %reduce_sum3A_1752 = vector.shape_cast %reduce_sum3A_1738 : vector<512xf32> to vector<1x512xf32>
    %reduce_sum3A_1753 = arith.constant dense<0.000000e+00> : vector<1xf32>
    %reduce_sum3A_1754 = vector.multi_reduction <add>, %reduce_sum3A_1752, %reduce_sum3A_1753 [1] : vector<1x512xf32> to vector<1xf32>
    %reduce_sum3A_1755 = vector.shape_cast %reduce_sum3A_1754 : vector<1xf32> to vector<1x1xf32>
    %reduce_sum3A_1756 = vector.extract %reduce_sum3A_1755[0, 0] : f32 from vector<1x1xf32>
    %mul3A_1757 = arith.mulf %convert_element_type3A_1695, %reduce_sum3A_1738 : vector<512xf32>
    %reduce_sum3A_1758 = vector.shape_cast %mul3A_1757 : vector<512xf32> to vector<1x512xf32>
    %reduce_sum3A_1759 = arith.constant dense<0.000000e+00> : vector<1xf32>
    %reduce_sum3A_1760 = vector.multi_reduction <add>, %reduce_sum3A_1758, %reduce_sum3A_1759 [1] : vector<1x512xf32> to vector<1xf32>
    %reduce_sum3A_1761 = vector.shape_cast %reduce_sum3A_1760 : vector<1xf32> to vector<1x1xf32>
    %reduce_sum3A_1762 = vector.extract %reduce_sum3A_1761[0, 0] : f32 from vector<1x1xf32>
    %sub3A_1763 = arith.subf %reduce_sum3A_1756, %reduce_sum3A_1762 : f32
    %reduce_sum3A_1764 = vector.shape_cast %sub3A_1751 : vector<512xf32> to vector<1x512xf32>
    %reduce_sum3A_1765 = arith.constant dense<0.000000e+00> : vector<1xf32>
    %reduce_sum3A_1766 = vector.multi_reduction <add>, %reduce_sum3A_1764, %reduce_sum3A_1765 [1] : vector<1x512xf32> to vector<1xf32>
    %reduce_sum3A_1767 = vector.shape_cast %reduce_sum3A_1766 : vector<1xf32> to vector<1x1xf32>
    %reduce_sum3A_1768 = vector.extract %reduce_sum3A_1767[0, 0] : f32 from vector<1x1xf32>
    %sub3A_1769 = arith.subf %sub3A_1763, %reduce_sum3A_1768 : f32
    %mul3A_1770 = arith.mulf %convert_element_type3A_1695, %sub3A_1751 : vector<512xf32>
    %reduce_sum3A_1771 = vector.shape_cast %mul3A_1770 : vector<512xf32> to vector<1x512xf32>
    %reduce_sum3A_1772 = arith.constant dense<0.000000e+00> : vector<1xf32>
    %reduce_sum3A_1773 = vector.multi_reduction <add>, %reduce_sum3A_1771, %reduce_sum3A_1772 [1] : vector<1x512xf32> to vector<1xf32>
    %reduce_sum3A_1774 = vector.shape_cast %reduce_sum3A_1773 : vector<1xf32> to vector<1x1xf32>
    %reduce_sum3A_1775 = vector.extract %reduce_sum3A_1774[0, 0] : f32 from vector<1x1xf32>
    %add3A_1776 = arith.addf %sub3A_1769, %reduce_sum3A_1775 : f32
    %sub3A_1777 = arith.constant 5.120000e+02 : f32
    %sub3A_1778 = arith.constant 1.000000e+00 : f32
    %sub3A_1779 = arith.subf %sub3A_1777, %sub3A_1778 : f32
    %mul3A_1780 = arith.mulf %sub3A_1779, %reduce_sum3A_1700 : f32
    %add3A_1781 = arith.constant 5.120000e+02 : f32
    %add3A_1782 = arith.addf %add3A_1781, %mul3A_1780 : f32
    %mul3A_1783 = arith.constant 0.693147182 : f32
    %mul3A_1784 = arith.mulf %add3A_1782, %mul3A_1783 : f32
    %sub3A_1785 = arith.subf %add3A_1776, %mul3A_1784 : f32
    %add3A_1786 = arith.addf %add3A_1531, %sub3A_1785 : f32
    %get3A_1787 = arith.constant 7 : index
    %get3A_1788 = arith.constant 0 : index
    %get3A_1789 = arith.constant 0 : index
    %get3A_1790 = vector.load %arg1[%get3A_1787, %get3A_1788, %get3A_1789] : memref<8x512x256xf32, #tpu.memory_space<vmem>>, vector<1x512x256xf32>
    %get3A_1791 = vector.shape_cast %get3A_1790 : vector<1x512x256xf32> to vector<512x256xf32>
    %dot_general3A_1792 = arith.constant dense<0.000000e+00> : vector<512x256xf32>
    %dot_general3A_1793 = tpu.matmul %get3A_1791, %get3A_6, %dot_general3A_1792 {dimension_numbers = #tpu.dot_dimension_numbers<[1], [0], [0], [1], [0, 0, 1, 1], [], []>, transpose_lhs_hint = false} : vector<512x256xf32>, vector<256x256xf32>, vector<512x256xf32> -> vector<512x256xf32>
    %dot_general3A_1794 = arith.constant dense<0.000000e+00> : vector<512x256xf32>
    %dot_general3A_1795 = tpu.matmul %get3A_3, %dot_general3A_1793, %dot_general3A_1794 {dimension_numbers = #tpu.dot_dimension_numbers<[1], [0], [0], [1], [0, 0, 1, 1], [], []>, transpose_lhs_hint = false} : vector<512x512xf32>, vector<512x256xf32>, vector<512x256xf32> -> vector<512x256xf32>
    %add3A_1796 = vector.broadcast %get3A_12 : vector<1x256xf32> to vector<512x256xf32>
    %add3A_1797 = arith.addf %dot_general3A_1795, %add3A_1796 : vector<512x256xf32>
    %max3A_1798 = arith.constant 0.000000e+00 : f32
    %max3A_1799 = vector.broadcast %max3A_1798 : f32 to vector<512x256xf32>
    %max3A_1800 = arith.maximumf %add3A_1797, %max3A_1799 : vector<512x256xf32>
    %dot_general3A_1801 = arith.constant dense<0.000000e+00> : vector<512x128xf32>
    %dot_general3A_1802 = tpu.matmul %max3A_1800, %get3A_9, %dot_general3A_1801 {dimension_numbers = #tpu.dot_dimension_numbers<[1], [0], [0], [1], [0, 0, 1, 1], [], []>, transpose_lhs_hint = false} : vector<512x256xf32>, vector<256x128xf32>, vector<512x128xf32> -> vector<512x128xf32>
    %dot_general3A_1803 = arith.constant dense<0.000000e+00> : vector<512x128xf32>
    %dot_general3A_1804 = tpu.matmul %get3A_3, %dot_general3A_1802, %dot_general3A_1803 {dimension_numbers = #tpu.dot_dimension_numbers<[1], [0], [0], [1], [0, 0, 1, 1], [], []>, transpose_lhs_hint = false} : vector<512x512xf32>, vector<512x128xf32>, vector<512x128xf32> -> vector<512x128xf32>
    %add3A_1805 = vector.broadcast %get3A_15 : vector<1x128xf32> to vector<512x128xf32>
    %add3A_1806 = arith.addf %dot_general3A_1804, %add3A_1805 : vector<512x128xf32>
    %max3A_1807 = arith.constant 0.000000e+00 : f32
    %max3A_1808 = vector.broadcast %max3A_1807 : f32 to vector<512x128xf32>
    %max3A_1809 = arith.maximumf %add3A_1806, %max3A_1808 : vector<512x128xf32>
    %get3A_1810 = arith.constant 7 : index
    %get3A_1811 = arith.constant 0 : index
    %get3A_1812 = arith.constant 0 : index
    %get3A_1813 = vector.load %arg2[%get3A_1810, %get3A_1811, %get3A_1812] : memref<8x512x256xf32, #tpu.memory_space<vmem>>, vector<1x512x256xf32>
    %get3A_1814 = vector.shape_cast %get3A_1813 : vector<1x512x256xf32> to vector<512x256xf32>
    %dot_general3A_1815 = arith.constant dense<0.000000e+00> : vector<512x256xf32>
    %dot_general3A_1816 = tpu.matmul %get3A_1814, %get3A_6, %dot_general3A_1815 {dimension_numbers = #tpu.dot_dimension_numbers<[1], [0], [0], [1], [0, 0, 1, 1], [], []>, transpose_lhs_hint = false} : vector<512x256xf32>, vector<256x256xf32>, vector<512x256xf32> -> vector<512x256xf32>
    %dot_general3A_1817 = arith.constant dense<0.000000e+00> : vector<512x256xf32>
    %dot_general3A_1818 = tpu.matmul %get3A_3, %dot_general3A_1816, %dot_general3A_1817 {dimension_numbers = #tpu.dot_dimension_numbers<[1], [0], [0], [1], [0, 0, 1, 1], [], []>, transpose_lhs_hint = false} : vector<512x512xf32>, vector<512x256xf32>, vector<512x256xf32> -> vector<512x256xf32>
    %add3A_1819 = vector.broadcast %get3A_12 : vector<1x256xf32> to vector<512x256xf32>
    %add3A_1820 = arith.addf %dot_general3A_1818, %add3A_1819 : vector<512x256xf32>
    %max3A_1821 = arith.constant 0.000000e+00 : f32
    %max3A_1822 = vector.broadcast %max3A_1821 : f32 to vector<512x256xf32>
    %max3A_1823 = arith.maximumf %add3A_1820, %max3A_1822 : vector<512x256xf32>
    %dot_general3A_1824 = arith.constant dense<0.000000e+00> : vector<512x128xf32>
    %dot_general3A_1825 = tpu.matmul %max3A_1823, %get3A_9, %dot_general3A_1824 {dimension_numbers = #tpu.dot_dimension_numbers<[1], [0], [0], [1], [0, 0, 1, 1], [], []>, transpose_lhs_hint = false} : vector<512x256xf32>, vector<256x128xf32>, vector<512x128xf32> -> vector<512x128xf32>
    %dot_general3A_1826 = arith.constant dense<0.000000e+00> : vector<512x128xf32>
    %dot_general3A_1827 = tpu.matmul %get3A_3, %dot_general3A_1825, %dot_general3A_1826 {dimension_numbers = #tpu.dot_dimension_numbers<[1], [0], [0], [1], [0, 0, 1, 1], [], []>, transpose_lhs_hint = false} : vector<512x512xf32>, vector<512x128xf32>, vector<512x128xf32> -> vector<512x128xf32>
    %add3A_1828 = vector.broadcast %get3A_15 : vector<1x128xf32> to vector<512x128xf32>
    %add3A_1829 = arith.addf %dot_general3A_1827, %add3A_1828 : vector<512x128xf32>
    %max3A_1830 = arith.constant 0.000000e+00 : f32
    %max3A_1831 = vector.broadcast %max3A_1830 : f32 to vector<512x128xf32>
    %max3A_1832 = arith.maximumf %add3A_1829, %max3A_1831 : vector<512x128xf32>
    %dot_general3A_1833 = arith.constant dense<0.000000e+00> : vector<512x512xf32>
    %dot_general3A_1834 = tpu.matmul %max3A_1809, %max3A_1832, %dot_general3A_1833 {dimension_numbers = #tpu.dot_dimension_numbers<[1], [1], [0], [0], [0, 0, 1, 0], [], []>, transpose_lhs_hint = false} : vector<512x128xf32>, vector<512x128xf32>, vector<512x512xf32> -> vector<512x512xf32>
    %reduce_sum3A_1835 = arith.constant dense<0.000000e+00> : vector<128xf32>
    %reduce_sum3A_1836 = vector.multi_reduction <add>, %max3A_1809, %reduce_sum3A_1835 [0] : vector<512x128xf32> to vector<128xf32>
    %broadcast_in_dim3A_1837 = vector.shape_cast %reduce_sum3A_1836 : vector<128xf32> to vector<1x128xf32>
    %mul3A_1838 = vector.broadcast %broadcast_in_dim3A_1837 : vector<1x128xf32> to vector<512x128xf32>
    %mul3A_1839 = arith.mulf %max3A_1832, %mul3A_1838 : vector<512x128xf32>
    %reduce_sum3A_1840 = arith.constant dense<0.000000e+00> : vector<512xf32>
    %reduce_sum3A_1841 = vector.multi_reduction <add>, %mul3A_1839, %reduce_sum3A_1840 [1] : vector<512x128xf32> to vector<512xf32>
    %jit3A_1842 = arith.constant 9.99999997E-7 : f32
    %max3A_1843 = vector.broadcast %jit3A_1842 : f32 to vector<512xf32>
    %max3A_1844 = arith.maximumf %max3A_1843, %reduce_sum3A_1841 : vector<512xf32>
    %div3A_1845 = arith.divf %reduce_sum3A_1841, %max3A_1844 : vector<512xf32>
    %reduce_sum3A_1846 = vector.shape_cast %div3A_1845 : vector<512xf32> to vector<1x512xf32>
    %reduce_sum3A_1847 = arith.constant dense<0.000000e+00> : vector<1xf32>
    %reduce_sum3A_1848 = vector.multi_reduction <add>, %reduce_sum3A_1846, %reduce_sum3A_1847 [1] : vector<1x512xf32> to vector<1xf32>
    %reduce_sum3A_1849 = vector.shape_cast %reduce_sum3A_1848 : vector<1xf32> to vector<1x1xf32>
    %reduce_sum3A_1850 = vector.extract %reduce_sum3A_1849[0, 0] : f32 from vector<1x1xf32>
    %add3A_1851 = arith.addf %add3A_1596, %reduce_sum3A_1850 : f32
    %div3A_1852 = arith.constant 5.120000e+02 : f32
    %div3A_1853 = vector.broadcast %div3A_1852 : f32 to vector<128xf32>
    %div3A_1854 = arith.divf %reduce_sum3A_1836, %div3A_1853 : vector<128xf32>
    %broadcast_in_dim3A_1855 = vector.shape_cast %div3A_1854 : vector<128xf32> to vector<1x128xf32>
    %sub3A_1856 = vector.broadcast %broadcast_in_dim3A_1855 : vector<1x128xf32> to vector<512x128xf32>
    %sub3A_1857 = arith.subf %max3A_1809, %sub3A_1856 : vector<512x128xf32>
    %integer_pow3A_1858 = arith.mulf %sub3A_1857, %sub3A_1857 : vector<512x128xf32>
    %reduce_sum3A_1859 = arith.constant dense<0.000000e+00> : vector<128xf32>
    %reduce_sum3A_1860 = vector.multi_reduction <add>, %integer_pow3A_1858, %reduce_sum3A_1859 [0] : vector<512x128xf32> to vector<128xf32>
    %sub3A_1861 = arith.constant 5.120000e+02 : f32
    %sub3A_1862 = arith.constant 1.000000e+00 : f32
    %sub3A_1863 = arith.subf %sub3A_1861, %sub3A_1862 : f32
    %div3A_1864 = vector.broadcast %sub3A_1863 : f32 to vector<128xf32>
    %div3A_1865 = arith.divf %reduce_sum3A_1860, %div3A_1864 : vector<128xf32>
    %sqrt3A_1866 = math.sqrt %div3A_1865 : vector<128xf32>
    %add3A_1867 = arith.constant 9.99999996E-13 : f32
    %add3A_1868 = vector.broadcast %add3A_1867 : f32 to vector<128xf32>
    %add3A_1869 = arith.addf %sqrt3A_1866, %add3A_1868 : vector<128xf32>
    %reduce_sum3A_1870 = arith.constant dense<0.000000e+00> : vector<128xf32>
    %reduce_sum3A_1871 = vector.multi_reduction <add>, %max3A_1832, %reduce_sum3A_1870 [0] : vector<512x128xf32> to vector<128xf32>
    %div3A_1872 = arith.constant 5.120000e+02 : f32
    %div3A_1873 = vector.broadcast %div3A_1872 : f32 to vector<128xf32>
    %div3A_1874 = arith.divf %reduce_sum3A_1871, %div3A_1873 : vector<128xf32>
    %broadcast_in_dim3A_1875 = vector.shape_cast %div3A_1874 : vector<128xf32> to vector<1x128xf32>
    %sub3A_1876 = vector.broadcast %broadcast_in_dim3A_1875 : vector<1x128xf32> to vector<512x128xf32>
    %sub3A_1877 = arith.subf %max3A_1832, %sub3A_1876 : vector<512x128xf32>
    %integer_pow3A_1878 = arith.mulf %sub3A_1877, %sub3A_1877 : vector<512x128xf32>
    %reduce_sum3A_1879 = arith.constant dense<0.000000e+00> : vector<128xf32>
    %reduce_sum3A_1880 = vector.multi_reduction <add>, %integer_pow3A_1878, %reduce_sum3A_1879 [0] : vector<512x128xf32> to vector<128xf32>
    %sub3A_1881 = arith.constant 5.120000e+02 : f32
    %sub3A_1882 = arith.constant 1.000000e+00 : f32
    %sub3A_1883 = arith.subf %sub3A_1881, %sub3A_1882 : f32
    %div3A_1884 = vector.broadcast %sub3A_1883 : f32 to vector<128xf32>
    %div3A_1885 = arith.divf %reduce_sum3A_1880, %div3A_1884 : vector<128xf32>
    %sqrt3A_1886 = math.sqrt %div3A_1885 : vector<128xf32>
    %add3A_1887 = arith.constant 9.99999996E-13 : f32
    %add3A_1888 = vector.broadcast %add3A_1887 : f32 to vector<128xf32>
    %add3A_1889 = arith.addf %sqrt3A_1886, %add3A_1888 : vector<128xf32>
    %broadcast_in_dim3A_1890 = vector.shape_cast %div3A_1854 : vector<128xf32> to vector<1x128xf32>
    %sub3A_1891 = vector.broadcast %broadcast_in_dim3A_1890 : vector<1x128xf32> to vector<512x128xf32>
    %sub3A_1892 = arith.subf %max3A_1832, %sub3A_1891 : vector<512x128xf32>
    %div3A_1893 = arith.constant 1.000000e+00 : f32
    %div3A_1894 = vector.broadcast %div3A_1893 : f32 to vector<128xf32>
    %div3A_1895 = arith.divf %div3A_1894, %add3A_1869 : vector<128xf32>
    %broadcast_in_dim3A_1896 = vector.shape_cast %div3A_1895 : vector<128xf32> to vector<1x128xf32>
    %mul3A_1897 = vector.broadcast %broadcast_in_dim3A_1896 : vector<1x128xf32> to vector<512x128xf32>
    %mul3A_1898 = arith.mulf %sub3A_1892, %mul3A_1897 : vector<512x128xf32>
    %mul3A_1899 = arith.constant -5.000000e-01 : f32
    %mul3A_1900 = vector.broadcast %mul3A_1899 : f32 to vector<512x128xf32>
    %mul3A_1901 = arith.mulf %mul3A_1900, %mul3A_1898 : vector<512x128xf32>
    %mul3A_1902 = arith.mulf %mul3A_1901, %mul3A_1898 : vector<512x128xf32>
    %exp3A_1903 = math.exp %mul3A_1902 : vector<512x128xf32>
    %mul3A_1904 = arith.constant 2.50662827 : f32
    %mul3A_1905 = vector.broadcast %mul3A_1904 : f32 to vector<128xf32>
    %mul3A_1906 = arith.mulf %add3A_1869, %mul3A_1905 : vector<128xf32>
    %div3A_1907 = arith.constant 1.000000e+00 : f32
    %div3A_1908 = vector.broadcast %div3A_1907 : f32 to vector<128xf32>
    %div3A_1909 = arith.divf %div3A_1908, %mul3A_1906 : vector<128xf32>
    %broadcast_in_dim3A_1910 = vector.shape_cast %div3A_1909 : vector<128xf32> to vector<1x128xf32>
    %mul3A_1911 = vector.broadcast %broadcast_in_dim3A_1910 : vector<1x128xf32> to vector<512x128xf32>
    %mul3A_1912 = arith.mulf %exp3A_1903, %mul3A_1911 : vector<512x128xf32>
    %broadcast_in_dim3A_1913 = vector.shape_cast %div3A_1874 : vector<128xf32> to vector<1x128xf32>
    %sub3A_1914 = vector.broadcast %broadcast_in_dim3A_1913 : vector<1x128xf32> to vector<512x128xf32>
    %sub3A_1915 = arith.subf %max3A_1832, %sub3A_1914 : vector<512x128xf32>
    %div3A_1916 = arith.constant 1.000000e+00 : f32
    %div3A_1917 = vector.broadcast %div3A_1916 : f32 to vector<128xf32>
    %div3A_1918 = arith.divf %div3A_1917, %add3A_1889 : vector<128xf32>
    %broadcast_in_dim3A_1919 = vector.shape_cast %div3A_1918 : vector<128xf32> to vector<1x128xf32>
    %mul3A_1920 = vector.broadcast %broadcast_in_dim3A_1919 : vector<1x128xf32> to vector<512x128xf32>
    %mul3A_1921 = arith.mulf %sub3A_1915, %mul3A_1920 : vector<512x128xf32>
    %mul3A_1922 = arith.constant -5.000000e-01 : f32
    %mul3A_1923 = vector.broadcast %mul3A_1922 : f32 to vector<512x128xf32>
    %mul3A_1924 = arith.mulf %mul3A_1923, %mul3A_1921 : vector<512x128xf32>
    %mul3A_1925 = arith.mulf %mul3A_1924, %mul3A_1921 : vector<512x128xf32>
    %exp3A_1926 = math.exp %mul3A_1925 : vector<512x128xf32>
    %mul3A_1927 = arith.constant 2.50662827 : f32
    %mul3A_1928 = vector.broadcast %mul3A_1927 : f32 to vector<128xf32>
    %mul3A_1929 = arith.mulf %add3A_1889, %mul3A_1928 : vector<128xf32>
    %div3A_1930 = arith.constant 1.000000e+00 : f32
    %div3A_1931 = vector.broadcast %div3A_1930 : f32 to vector<128xf32>
    %div3A_1932 = arith.divf %div3A_1931, %mul3A_1929 : vector<128xf32>
    %broadcast_in_dim3A_1933 = vector.shape_cast %div3A_1932 : vector<128xf32> to vector<1x128xf32>
    %mul3A_1934 = vector.broadcast %broadcast_in_dim3A_1933 : vector<1x128xf32> to vector<512x128xf32>
    %mul3A_1935 = arith.mulf %exp3A_1926, %mul3A_1934 : vector<512x128xf32>
    %add3A_1936 = arith.addf %mul3A_1912, %mul3A_1935 : vector<512x128xf32>
    %add3A_1937 = arith.constant 2.000000e-12 : f32
    %add3A_1938 = vector.broadcast %add3A_1937 : f32 to vector<512x128xf32>
    %add3A_1939 = arith.addf %add3A_1936, %add3A_1938 : vector<512x128xf32>
    %div3A_1940 = arith.divf %mul3A_1912, %add3A_1939 : vector<512x128xf32>
    %reduce_sum3A_1941 = arith.constant dense<0.000000e+00> : vector<512xf32>
    %reduce_sum3A_1942 = vector.multi_reduction <add>, %div3A_1940, %reduce_sum3A_1941 [1] : vector<512x128xf32> to vector<512xf32>
    %mul3A_1943 = arith.constant 7.812500e-03 : f32
    %mul3A_1944 = vector.broadcast %mul3A_1943 : f32 to vector<512xf32>
    %mul3A_1945 = arith.mulf %reduce_sum3A_1942, %mul3A_1944 : vector<512xf32>
    %gt3A_1946 = arith.constant 6.000000e-01 : f32
    %gt3A_1947 = vector.broadcast %gt3A_1946 : f32 to vector<512xf32>
    %gt3A_1948 = arith.cmpf ogt, %mul3A_1945, %gt3A_1947 : vector<512xf32>
    %convert_element_type3A_1949 = arith.extui %gt3A_1948 : vector<512xi1> to vector<512xi32>
    %convert_element_type3A_1950 = arith.sitofp %convert_element_type3A_1949 : vector<512xi32> to vector<512xf32>
    %reduce_sum3A_1951 = vector.shape_cast %convert_element_type3A_1950 : vector<512xf32> to vector<1x512xf32>
    %reduce_sum3A_1952 = arith.constant dense<0.000000e+00> : vector<1xf32>
    %reduce_sum3A_1953 = vector.multi_reduction <add>, %reduce_sum3A_1951, %reduce_sum3A_1952 [1] : vector<1x512xf32> to vector<1xf32>
    %reduce_sum3A_1954 = vector.shape_cast %reduce_sum3A_1953 : vector<1xf32> to vector<1x1xf32>
    %reduce_sum3A_1955 = vector.extract %reduce_sum3A_1954[0, 0] : f32 from vector<1x1xf32>
    %mul3A_1956 = arith.mulf %max3A_1809, %max3A_1832 : vector<512x128xf32>
    %reduce_sum3A_1957 = arith.constant dense<0.000000e+00> : vector<512xf32>
    %reduce_sum3A_1958 = vector.multi_reduction <add>, %mul3A_1956, %reduce_sum3A_1957 [1] : vector<512x128xf32> to vector<512xf32>
    %min3A_1959 = arith.constant 0.000000e+00 : f32
    %min3A_1960 = vector.broadcast %min3A_1959 : f32 to vector<512xf32>
    %min3A_1961 = arith.minimumf %reduce_sum3A_1958, %min3A_1960 : vector<512xf32>
    %abs3A_1962 = math.absf %reduce_sum3A_1958 : vector<512xf32>
    %neg3A_1963 = arith.constant 0.000000e+00 : f32
    %neg3A_1964 = vector.broadcast %neg3A_1963 : f32 to vector<512xf32>
    %neg3A_1965 = arith.subf %neg3A_1964, %abs3A_1962 : vector<512xf32>
    %exp3A_1966 = math.exp %neg3A_1965 : vector<512xf32>
    %log1p3A_1967 = math.log1p %exp3A_1966 : vector<512xf32>
    %sub3A_1968 = arith.subf %min3A_1961, %log1p3A_1967 : vector<512xf32>
    %reduce_sum3A_1969 = vector.shape_cast %sub3A_1968 : vector<512xf32> to vector<1x512xf32>
    %reduce_sum3A_1970 = arith.constant dense<0.000000e+00> : vector<1xf32>
    %reduce_sum3A_1971 = vector.multi_reduction <add>, %reduce_sum3A_1969, %reduce_sum3A_1970 [1] : vector<1x512xf32> to vector<1xf32>
    %reduce_sum3A_1972 = vector.shape_cast %reduce_sum3A_1971 : vector<1xf32> to vector<1x1xf32>
    %reduce_sum3A_1973 = vector.extract %reduce_sum3A_1972[0, 0] : f32 from vector<1x1xf32>
    %mul3A_1974 = arith.constant 2.616320e+05 : f32
    %mul3A_1975 = arith.constant 0.693147182 : f32
    %mul3A_1976 = arith.mulf %mul3A_1974, %mul3A_1975 : f32
    %sub3A_1977 = arith.subf %reduce_sum3A_1973, %mul3A_1976 : f32
    %add3A_1978 = arith.addf %add3A_1723, %sub3A_1977 : f32
    %neg3A_1979 = arith.constant 0.000000e+00 : f32
    %neg3A_1980 = vector.broadcast %neg3A_1979 : f32 to vector<512x512xf32>
    %neg3A_1981 = arith.subf %neg3A_1980, %dot_general3A_1834 : vector<512x512xf32>
    %min3A_1982 = arith.constant 0.000000e+00 : f32
    %min3A_1983 = vector.broadcast %min3A_1982 : f32 to vector<512x512xf32>
    %min3A_1984 = arith.minimumf %neg3A_1981, %min3A_1983 : vector<512x512xf32>
    %abs3A_1985 = math.absf %neg3A_1981 : vector<512x512xf32>
    %neg3A_1986 = arith.constant 0.000000e+00 : f32
    %neg3A_1987 = vector.broadcast %neg3A_1986 : f32 to vector<512x512xf32>
    %neg3A_1988 = arith.subf %neg3A_1987, %abs3A_1985 : vector<512x512xf32>
    %exp3A_1989 = math.exp %neg3A_1988 : vector<512x512xf32>
    %log1p3A_1990 = math.log1p %exp3A_1989 : vector<512x512xf32>
    %sub3A_1991 = arith.subf %min3A_1984, %log1p3A_1990 : vector<512x512xf32>
    %reduce_sum3A_1992 = arith.constant dense<0.000000e+00> : vector<512xf32>
    %reduce_sum3A_1993 = vector.multi_reduction <add>, %sub3A_1991, %reduce_sum3A_1992 [1] : vector<512x512xf32> to vector<512xf32>
    %neg3A_1994 = arith.constant 0.000000e+00 : f32
    %neg3A_1995 = vector.broadcast %neg3A_1994 : f32 to vector<512xf32>
    %neg3A_1996 = arith.subf %neg3A_1995, %reduce_sum3A_1958 : vector<512xf32>
    %min3A_1997 = arith.constant 0.000000e+00 : f32
    %min3A_1998 = vector.broadcast %min3A_1997 : f32 to vector<512xf32>
    %min3A_1999 = arith.minimumf %neg3A_1996, %min3A_1998 : vector<512xf32>
    %abs3A_2000 = math.absf %neg3A_1996 : vector<512xf32>
    %neg3A_2001 = arith.constant 0.000000e+00 : f32
    %neg3A_2002 = vector.broadcast %neg3A_2001 : f32 to vector<512xf32>
    %neg3A_2003 = arith.subf %neg3A_2002, %abs3A_2000 : vector<512xf32>
    %exp3A_2004 = math.exp %neg3A_2003 : vector<512xf32>
    %log1p3A_2005 = math.log1p %exp3A_2004 : vector<512xf32>
    %sub3A_2006 = arith.subf %min3A_1999, %log1p3A_2005 : vector<512xf32>
    %reduce_sum3A_2007 = vector.shape_cast %reduce_sum3A_1993 : vector<512xf32> to vector<1x512xf32>
    %reduce_sum3A_2008 = arith.constant dense<0.000000e+00> : vector<1xf32>
    %reduce_sum3A_2009 = vector.multi_reduction <add>, %reduce_sum3A_2007, %reduce_sum3A_2008 [1] : vector<1x512xf32> to vector<1xf32>
    %reduce_sum3A_2010 = vector.shape_cast %reduce_sum3A_2009 : vector<1xf32> to vector<1x1xf32>
    %reduce_sum3A_2011 = vector.extract %reduce_sum3A_2010[0, 0] : f32 from vector<1x1xf32>
    %mul3A_2012 = arith.mulf %convert_element_type3A_1950, %reduce_sum3A_1993 : vector<512xf32>
    %reduce_sum3A_2013 = vector.shape_cast %mul3A_2012 : vector<512xf32> to vector<1x512xf32>
    %reduce_sum3A_2014 = arith.constant dense<0.000000e+00> : vector<1xf32>
    %reduce_sum3A_2015 = vector.multi_reduction <add>, %reduce_sum3A_2013, %reduce_sum3A_2014 [1] : vector<1x512xf32> to vector<1xf32>
    %reduce_sum3A_2016 = vector.shape_cast %reduce_sum3A_2015 : vector<1xf32> to vector<1x1xf32>
    %reduce_sum3A_2017 = vector.extract %reduce_sum3A_2016[0, 0] : f32 from vector<1x1xf32>
    %sub3A_2018 = arith.subf %reduce_sum3A_2011, %reduce_sum3A_2017 : f32
    %reduce_sum3A_2019 = vector.shape_cast %sub3A_2006 : vector<512xf32> to vector<1x512xf32>
    %reduce_sum3A_2020 = arith.constant dense<0.000000e+00> : vector<1xf32>
    %reduce_sum3A_2021 = vector.multi_reduction <add>, %reduce_sum3A_2019, %reduce_sum3A_2020 [1] : vector<1x512xf32> to vector<1xf32>
    %reduce_sum3A_2022 = vector.shape_cast %reduce_sum3A_2021 : vector<1xf32> to vector<1x1xf32>
    %reduce_sum3A_2023 = vector.extract %reduce_sum3A_2022[0, 0] : f32 from vector<1x1xf32>
    %sub3A_2024 = arith.subf %sub3A_2018, %reduce_sum3A_2023 : f32
    %mul3A_2025 = arith.mulf %convert_element_type3A_1950, %sub3A_2006 : vector<512xf32>
    %reduce_sum3A_2026 = vector.shape_cast %mul3A_2025 : vector<512xf32> to vector<1x512xf32>
    %reduce_sum3A_2027 = arith.constant dense<0.000000e+00> : vector<1xf32>
    %reduce_sum3A_2028 = vector.multi_reduction <add>, %reduce_sum3A_2026, %reduce_sum3A_2027 [1] : vector<1x512xf32> to vector<1xf32>
    %reduce_sum3A_2029 = vector.shape_cast %reduce_sum3A_2028 : vector<1xf32> to vector<1x1xf32>
    %reduce_sum3A_2030 = vector.extract %reduce_sum3A_2029[0, 0] : f32 from vector<1x1xf32>
    %add3A_2031 = arith.addf %sub3A_2024, %reduce_sum3A_2030 : f32
    %sub3A_2032 = arith.constant 5.120000e+02 : f32
    %sub3A_2033 = arith.constant 1.000000e+00 : f32
    %sub3A_2034 = arith.subf %sub3A_2032, %sub3A_2033 : f32
    %mul3A_2035 = arith.mulf %sub3A_2034, %reduce_sum3A_1955 : f32
    %add3A_2036 = arith.constant 5.120000e+02 : f32
    %add3A_2037 = arith.addf %add3A_2036, %mul3A_2035 : f32
    %mul3A_2038 = arith.constant 0.693147182 : f32
    %mul3A_2039 = arith.mulf %add3A_2037, %mul3A_2038 : f32
    %sub3A_2040 = arith.subf %add3A_2031, %mul3A_2039 : f32
    %add3A_2041 = arith.addf %add3A_1786, %sub3A_2040 : f32
    %get3A_2042 = arith.constant 0 : index
    %get3A_2043 = memref.load %arg8[%get3A_2042] : memref<3xf32, #tpu.memory_space<smem>>
    %add3A_2044 = arith.addf %get3A_2043, %add3A_1851 : f32
    %swap3A = arith.constant 0 : index
    %swap3A_2045 = memref.load %arg8[%swap3A] : memref<3xf32, #tpu.memory_space<smem>>
    memref.store %add3A_2044, %arg8[%swap3A] : memref<3xf32, #tpu.memory_space<smem>>
    %get3A_2046 = arith.constant 1 : index
    %get3A_2047 = memref.load %arg8[%get3A_2046] : memref<3xf32, #tpu.memory_space<smem>>
    %add3A_2048 = arith.addf %get3A_2047, %add3A_1978 : f32
    %swap3A_2049 = arith.constant 1 : index
    %swap3A_2050 = memref.load %arg8[%swap3A_2049] : memref<3xf32, #tpu.memory_space<smem>>
    memref.store %add3A_2048, %arg8[%swap3A_2049] : memref<3xf32, #tpu.memory_space<smem>>
    %get3A_2051 = arith.constant 2 : index
    %get3A_2052 = memref.load %arg8[%get3A_2051] : memref<3xf32, #tpu.memory_space<smem>>
    %add3A_2053 = arith.addf %get3A_2052, %add3A_2041 : f32
    %swap3A_2054 = arith.constant 2 : index
    %swap3A_2055 = memref.load %arg8[%swap3A_2054] : memref<3xf32, #tpu.memory_space<smem>>
    memref.store %add3A_2053, %arg8[%swap3A_2054] : memref<3xf32, #tpu.memory_space<smem>>
    %eq3A_2056 = arith.constant 7 : i32
    %eq3A_2057 = arith.cmpi eq, %arg0, %eq3A_2056 : i32
    %convert_element_type3A_2058 = arith.extui %eq3A_2057 : i1 to i32
    %cond3A_2059 = arith.constant 5.120000e+02 : f32
    %cond3A_2060 = arith.constant 0 : i32
    %cond3A_2061 = arith.cmpi ne, %convert_element_type3A_2058, %cond3A_2060 : i32
    scf.if %cond3A_2061 {
      %mul3A_2062 = arith.constant 6.400000e+01 : f32
      %mul3A_2063 = arith.mulf %mul3A_2062, %cond3A_2059 : f32
      %mul3A_2064 = arith.mulf %mul3A_2063, %cond3A_2059 : f32
      %get3A_2065 = arith.constant 0 : index
      %get3A_2066 = memref.load %arg8[%get3A_2065] : memref<3xf32, #tpu.memory_space<smem>>
      %div3A_2067 = arith.divf %get3A_2066, %mul3A_2064 : f32
      %jit3A_2068 = arith.constant 9.99999997E-7 : f32
      %max3A_2069 = arith.maximumf %jit3A_2068, %div3A_2067 : f32
      %log3A = math.log %max3A_2069 : f32
      %neg3A_2070 = arith.constant 0.000000e+00 : f32
      %neg3A_2071 = arith.subf %neg3A_2070, %log3A : f32
      %get3A_2072 = arith.constant 1 : index
      %get3A_2073 = memref.load %arg8[%get3A_2072] : memref<3xf32, #tpu.memory_space<smem>>
      %div3A_2074 = arith.divf %get3A_2073, %mul3A_2064 : f32
      %get3A_2075 = arith.constant 2 : index
      %get3A_2076 = memref.load %arg8[%get3A_2075] : memref<3xf32, #tpu.memory_space<smem>>
      %mul3A_2077 = arith.constant 6.400000e+01 : f32
      %mul3A_2078 = arith.mulf %mul3A_2077, %cond3A_2059 : f32
      %div3A_2079 = arith.divf %get3A_2076, %mul3A_2078 : f32
      %mul3A_2080 = arith.constant 5.000000e-01 : f32
      %mul3A_2081 = arith.mulf %mul3A_2080, %div3A_2074 : f32
      %mul3A_2082 = arith.constant 5.000000e-01 : f32
      %mul3A_2083 = arith.mulf %mul3A_2082, %div3A_2079 : f32
      %add3A_2084 = arith.addf %mul3A_2081, %mul3A_2083 : f32
      %neg3A_2085 = arith.constant 0.000000e+00 : f32
      %neg3A_2086 = arith.subf %neg3A_2085, %add3A_2084 : f32
      %mul3A_2087 = arith.constant 1.000000e-01 : f32
      %mul3A_2088 = arith.mulf %mul3A_2087, %neg3A_2086 : f32
      %add3A_2089 = arith.addf %neg3A_2071, %mul3A_2088 : f32
      %swap3A_2090 = arith.constant 0 : index
      %swap3A_2091 = memref.load %arg9[%swap3A_2090] : memref<1xf32, #tpu.memory_space<smem>>
      memref.store %add3A_2089, %arg9[%swap3A_2090] : memref<1xf32, #tpu.memory_space<smem>>
    } else {
    }
    return
  }
  func.func @transform_0(%arg0: i32) -> (i32, i32, i32) {
    %c0_i32 = arith.constant 0 : i32
    %c0_i32_0 = arith.constant 0 : i32
    %c0_i32_1 = arith.constant 0 : i32
    return %arg0, %c0_i32, %c0_i32_0 : i32, i32, i32
  }
  func.func @transform_1(%arg0: i32) -> (i32, i32, i32) {
    %c0_i32 = arith.constant 0 : i32
    %c0_i32_0 = arith.constant 0 : i32
    %c0_i32_1 = arith.constant 0 : i32
    return %arg0, %c0_i32, %c0_i32_0 : i32, i32, i32
  }
  func.func @transform_2(%arg0: i32) -> (i32, i32) {
    %c0_i32 = arith.constant 0 : i32
    %c0_i32_0 = arith.constant 0 : i32
    %c0_i32_1 = arith.constant 0 : i32
    return %c0_i32, %c0_i32_0 : i32, i32
  }
  func.func @transform_3(%arg0: i32) -> (i32, i32) {
    %c0_i32 = arith.constant 0 : i32
    %c0_i32_0 = arith.constant 0 : i32
    %c0_i32_1 = arith.constant 0 : i32
    return %c0_i32, %c0_i32_0 : i32, i32
  }
  func.func @transform_4(%arg0: i32) -> (i32, i32) {
    %c0_i32 = arith.constant 0 : i32
    %c0_i32_0 = arith.constant 0 : i32
    %c0_i32_1 = arith.constant 0 : i32
    return %c0_i32, %c0_i32_0 : i32, i32
  }
  func.func @transform_5(%arg0: i32) -> (i32, i32) {
    %c0_i32 = arith.constant 0 : i32
    %c0_i32_0 = arith.constant 0 : i32
    %c0_i32_1 = arith.constant 0 : i32
    return %c0_i32, %c0_i32_0 : i32, i32
  }
  func.func @transform_6(%arg0: i32) -> (i32, i32) {
    %c0_i32 = arith.constant 0 : i32
    %c0_i32_0 = arith.constant 0 : i32
    %c0_i32_1 = arith.constant 0 : i32
    return %c0_i32, %c0_i32_0 : i32, i32
  }
  func.func @transform_7(%arg0: i32) -> i32 {
    %c0_i32 = arith.constant 0 : i32
    %c0_i32_0 = arith.constant 0 : i32
    return %c0_i32 : i32
  }
  func.func @transform_8(%arg0: i32) -> i32 {
    %c0_i32 = arith.constant 0 : i32
    %c0_i32_0 = arith.constant 0 : i32
    return %c0_i32 : i32
  }
}

</mosaic_0001>

<sc_bundles>
// kernel: kernel.4.cloned.1.call-start
scs
__scs_entry_jumppad:
0x0: {  	(pc) =	sbr.rel $0x88, $3  }
0x1: {  	(tag) =	ssettag $0x0;
	lr =	simm.s32 $0x1  }
0x2: {  	[smem:$0x3F9A] =	sst lr;
	_ =	strace $0xD0000000  }
0x3: {  	_ = 	snop  }
0x4: {  	_ = 	snop  }
0x5: {  	_ = 	snop  }
0x6: {  	_ = 	snop  }
0x7: {  	_ = 	snop  }
__scs_overlays_trampoline_lowered:
0x8: {  	[smem:$0x3FA9] =	sst s0  }
0x9: {  	[smem:$0x3FAA] =	sst s1  }
0xa: {  	[smem:$0x3FAB] =	sst s2  }
0xb: {  	[smem:$0x3FAC] =	sst s3  }
0xc: {  	[smem:$0x3FAD] =	sst s4  }
0xd: {  	[smem:$0x3FAE] =	sst s5  }
0xe: {  	[smem:$0x3FAF] =	sst s6  }
0xf: {  	[smem:$0x3FB0] =	sst s7  }
0x10: {  	[smem:$0x3FB1] =	sst s8  }
0x11: {  	[smem:$0x3FB2] =	sst s9;
	s0 =	simm.s32 @!p0 $0x0  }
0x12: {  	s1 =	sld [smem:$0x3F98];
	s0 =	simm.s32 @p0 $0x1  }
0x13: {  	[smem:$0x3FB3] =	sst s0;
	s0 =	simm.s32 @!p1 $0x0  }
0x14: {  	s2 =	sld [smem:$0x3F97];
	s0 =	simm.s32 @p1 $0x1  }
0x15: {  	[smem:$0x3FB4] =	sst s0;
	s0 =	simm.s32 @!p2 $0x0  }
0x16: {  	s3 =	sld [smem:$0x3FDB];
	s0 =	simm.s32 @p2 $0x1  }
0x17: {  	s4 =	simm.s32 $0x1BF5;
	[smem:$0x3FB6] =	sst s0  }
0x18: {  	s0 =	sld [smem:$0x3F99];
	_ =	swait.ge [sflag:s4], $0x0  }
0x19: {  	s7 =	sld [smem:$0x3F9A]  }
0x1a: {  	s8 =	sadd.s32 $0xFFFFE003, lr  }
0x1b: {  	s9 =	sadd.s32 $0xFFFFFEF7, lr;
	s5 =	simm.s32 $0xFFFFFFFF;
	p2 =	slt.u32 s8, $0xFFFFF086  }
0x1c: {  	p1 =	slt.u32 s9, $0xF7A;
	s5 =	simm.s32 @!p2 $0x0  }
0x1d: {  	s5 =	simm.s32 @p1 $0x1;
	p0 =	seq.s32 s7, s2  }
0x1e: {  	s7 =	smul.u32 @!p0 $0xF7A, s2;
	p2 =	seq.s32 @!p0 s5, $0x0  }
0x1f: {  	s9 =	smul.u32 $0xF7A, s1;
	s8 =	simm.s32 @!p0 $0x1BF5;
	p2 =	por !p2, p0  }
0x20: {  	[sflag:s8] =	ssyncset.s32 @!p0 $0xFFFFF086;
	s6 =	sadd.s32 @!p0 s3, s7;
	s7 =	simm.s32 @!p0 $0x108  }
0x21: {  	s3 =	sadd.s32 s3, s9;
	s6 =	sadd.s32 @!p0 $0x88, s6;
	s7 =	simm.s32 @p2 $0x1082  }
0x22: {  	[simem:s7], [sflag:s8] =	dma.local @!p0 [hbm:s6], $0xF7A  }
0x23: {  	s9 =	sor.u32 $0xD0000000, s2;
	s6 =	simm.s32 $0x108;
	_ =	swait.ge @!p0 [sflag:s8], $0x0  }
0x24: {  	s3 =	sadd.s32 $0x88, s3;
	s6 =	simm.s32 @!p1 $0x1082;
	[sflag:s4] =	ssyncset.s32 $0xFFFFF086  }
0x25: {  	[simem:s6], [sflag:s4] =	dma.local [hbm:s3], $0xF7A  }
0x26: {  	[smem:$0x3F9A] =	sst s1;
	(tag) =	ssettag s2;
	_ =	strace s9  }
0x27: {  	s1 =	sld [smem:$0x3FAA]  }
0x28: {  	s2 =	sld [smem:$0x3FAB]  }
0x29: {  	s4 =	sld [smem:$0x3FAD]  }
0x2a: {  	p0 =	seq.s32 s5, $0x0;
	s5 =	sld [smem:$0x3FAE]  }
0x2b: {  	s6 =	sld [smem:$0x3FAF]  }
0x2c: {  	s7 =	sld [smem:$0x3FB0]  }
0x2d: {  	s3 =	simm.s32 $0x108;
	s8 =	sld [smem:$0x3FB1]  }
0x2e: {  	s3 =	simm.s32 @!p0 $0x1082;
	s9 =	sld [smem:$0x3FB2]  }
0x2f: {  	lr =	sadd.s32 s0, s3;
	s0 =	sld [smem:$0x3FA9]  }
0x30: {  	s3 =	sld [smem:$0x3FAC]  }
0x31: {  	[smem:$0x3FB5] =	sst s10  }
0x32: {  	s10 =	sld [smem:$0x3FB3];
	_ =	sdelay $0x3  }
0x33: {  	p0 =	seq.s32 s10, $0x1;
	s10 =	sld [smem:$0x3FB5];
	_ =	sdelay $0x3  }
0x34: {  	[smem:$0x3FB5] =	sst s10  }
0x35: {  	s10 =	sld [smem:$0x3FB4];
	_ =	sdelay $0x3  }
0x36: {  	p1 =	seq.s32 s10, $0x1;
	s10 =	sld [smem:$0x3FB5];
	_ =	sdelay $0x3  }
0x37: {  	[smem:$0x3FB5] =	sst s10  }
0x38: {  	s10 =	sld [smem:$0x3FB6]  }
0x39: {  	_ = 	snop;
	(pc) =	sbr.ind lr, $3  }
0x3a: {  	_ = 	snop  }
0x3b: {  	_ = 	snop  }
0x3c: {  	p2 =	seq.s32 s10, $0x1;
	s10 =	sld [smem:$0x3FB5]  }
0x3d: {  	_ =	shalt  }
0x3e: {  	_ =	shalt  }
0x3f: {  	_ =	shalt  }
0x40: {  	_ =	shalt  }
0x41: {  	_ =	shalt  }
0x42: {  	_ =	shalt  }
0x43: {  	_ =	shalt  }
0x44: {  	_ =	shalt  }
0x45: {  	_ =	shalt  }
0x46: {  	_ =	shalt  }
0x47: {  	_ =	shalt  }
0x48: {  	_ =	shalt  }
0x49: {  	_ =	shalt  }
0x4a: {  	_ =	shalt  }
0x4b: {  	_ =	shalt  }
0x4c: {  	_ =	shalt  }
0x4d: {  	_ =	shalt  }
0x4e: {  	_ =	shalt  }
0x4f: {  	_ =	shalt  }
0x50: {  	_ =	shalt  }
0x51: {  	_ =	shalt  }
0x52: {  	_ =	shalt  }
0x53: {  	_ =	shalt  }
0x54: {  	_ =	shalt  }
0x55: {  	_ =	shalt  }
0x56: {  	_ =	shalt  }
0x57: {  	_ =	shalt  }
0x58: {  	_ =	shalt  }
0x59: {  	_ =	shalt  }
0x5a: {  	_ =	shalt  }
0x5b: {  	_ =	shalt  }
0x5c: {  	_ =	shalt  }
0x5d: {  	_ =	shalt  }
0x5e: {  	_ =	shalt  }
0x5f: {  	_ =	shalt  }
0x60: {  	_ =	shalt  }
0x61: {  	_ =	shalt  }
0x62: {  	_ =	shalt  }
0x63: {  	_ =	shalt  }
0x64: {  	_ =	shalt  }
0x65: {  	_ =	shalt  }
0x66: {  	_ =	shalt  }
0x67: {  	_ =	shalt  }
0x68: {  	_ =	shalt  }
0x69: {  	_ =	shalt  }
0x6a: {  	_ =	shalt  }
0x6b: {  	_ =	shalt  }
0x6c: {  	_ =	shalt  }
0x6d: {  	_ =	shalt  }
0x6e: {  	_ =	shalt  }
0x6f: {  	_ =	shalt  }
0x70: {  	_ =	shalt  }
0x71: {  	_ =	shalt  }
0x72: {  	_ =	shalt  }
0x73: {  	_ =	shalt  }
0x74: {  	_ =	shalt  }
0x75: {  	_ =	shalt  }
0x76: {  	_ =	shalt  }
0x77: {  	_ =	shalt  }
0x78: {  	_ =	shalt  }
0x79: {  	_ =	shalt  }
0x7a: {  	_ =	shalt  }
0x7b: {  	_ =	shalt  }
0x7c: {  	_ =	shalt  }
0x7d: {  	_ =	shalt  }
0x7e: {  	_ =	shalt  }
0x7f: {  	_ =	shalt  }
0x80: {  	_ =	shalt  }
0x81: {  	_ =	shalt  }
0x82: {  	_ =	shalt  }
0x83: {  	_ =	shalt  }
0x84: {  	_ =	shalt  }
0x85: {  	_ =	shalt  }
0x86: {  	_ =	shalt  }
0x87: {  	_ =	shalt  }
.Lfunc_end0:
.L_simem_size_0:
called_computation_lowered:
.L_overlay_start_0:
0x88: {  	s2 =	sld [smem:$0x3FD9]  }
0x89: {  	s3 =	sld [smem:$0x3FFE];
	_ =	sdelay $0x1  }
0x8a: {  	s1 =	srdreg.scid  }
0x8b: {  	s0 =	sand.u32 $0x1, s1  }
0x8c: {  	s17 =	sshll.u32 s0, $0xA;
	s2 =	sadd.s32 s3, s2  }
0x8d: {  	s2 =	sadd.s32 s2, s17  }
0x8e: {  	[smem:$0x3FC1] =	sst s2  }
0x8f: {  	_ = 	snop  }
0x90: {  	s2 =	sld [smem:$0x3FC7];
	(tm) =	ssettm $0x1  }
0x91: {  	s18 =	sld [smem:$0x3FFB];
	_ =	sdelay $0x3  }
0x92: {  	_ =	strace s18  }
0x93: {  	s3 =	sld [smem:$0x3FFC];
	_ =	sdelay $0x3  }
0x94: {  	_ =	strace s3  }
0x95: {  	s3 =	sld [smem:$0x3FFD];
	_ =	sdelay $0x3  }
0x96: {  	_ =	strace s3  }
0x97: {  	_ =	strace $0x8FFFFFFF  }
0x98: {  	s19 =	sld [smem:$0x3FDB];
	_ =	sdelay $0x1  }
0x99: {  	s4 =	simm.s32 $_scs_section_size  }
0x9a: {  	s5 =	simm.s32 $_size__tile_overlayer_lowered;
	s6 =	simm.s32 $_tile_overlayer_lowered  }
0x9b: {  	s22 =	simm.s32 $0x1BFF;
	s21 =	sshll.u32 s6, $0x1;
	s3 =	sadd.s32 s4, s19  }
0x9c: {  	s7 =	simm.s32 $0x0;
	s20 =	sshll.u32 s5, $0x1;
	s5 =	sadd.s32 s21, s3  }
0x9d: {  	[timem:s7], [sflag:s22] =	dma.local [hbm:s5], s20  }
0x9e: {  	_ =	swait.ge [sflag:s22], s20  }
0x9f: {  	s4 =	ssub.s32 $0x0, s20;
	[sflag:s22] =	ssyncset.done $0x0  }
0xa0: {  	[sflag:s22] =	ssyncadd.s32 s4;
	_ =	sdelay $0x1  }
0xa1: {  	s23 =	simm.s32 $0x1B8B  }
0xa2: {  	_ =	swait.ge [sflag:s23], $0x1  }
0xa3: {  	[sflag:s23] =	ssyncset.done $0x0  }
0xa4: {  	s25 =	simm.s32 $0x1B8E;
	s24 =	sld [smem:$0x3FFE];
	[sflag:s23] =	ssyncadd.s32 $0xFFFFFFFF  }
0xa5: {  	s26 =	simm.s32 $execute0_lowered;
	[smem:$0x3FD2] =	sst s25  }
0xa6: {  	s5 =	sshll.u32 s26, $0x1;
	_ =	strace $0x80000046;
	[dreg:$0x1] =	wrdreg $0xFFFFFFFF  }
0xa7: {  	s28 =	simm.s32 $_size_execute0_lowered;
	s3 =	sadd.s32 s3, s5;
	[dreg:$0x0] =	wrdreg $0x0  }
0xa8: {  	s5 =	sshll.u32 s28, $0x1;
	[dreg:$0x2] =	wrdreg s3  }
0xa9: {  	[dreg:$0x3] =	wrdreg s5  }
0xaa: {  	[dreg:$0x4] =	wrdreg $0xC0  }
0xab: {  	_ =	task [dreg:s7], $0x5FFFF  }
0xac: {  	[dreg:$0x1] =	wrdreg $0xFFFFFFFF  }
0xad: {  	[dreg:$0x0] =	wrdreg $0x60  }
0xae: {  	[dreg:$0x2] =	wrdreg s2  }
0xaf: {  	[dreg:$0x3] =	wrdreg s24  }
0xb0: {  	[dreg:$0x4] =	wrdreg $0x9  }
0xb1: {  	_ =	task.clear_ibuf [dreg:s7], $0x5FFFF;
	_ =	strace $0x90000046  }
0xb2: {  	s29 =	simm.s32 $0x9;
	_ =	strace $0x80000048  }
0xb3: {  	_ =	swait.ge [sflag:s29], $0x1  }
0xb4: {  	[sflag:s29] =	ssyncadd.s32 $0xFFFFFFFF  }
0xb5: {  	_ =	strace $0x90000048  }
0xb6: {  	_ =	sfence  }
0xb7: {  	s30 =	sld [smem:$0x0];
	_ =	sdelay $0x2  }
0xb8: {  	s31 =	sshll.u32 s1, $0xD;
	s1 =	sshrl.u32 s1, $0x2  }
0xb9: {  	s3 =	sand.u32 $0x4000, s31;
	s1 =	sadd.s32 s1, s30  }
0xba: {  	s0 =	sor.u32 s3, s0;
	s1 =	sshll.u32 s1, $0x11  }
0xbb: {  	s0 =	sor.u32 s1, s0  }
0xbc: {  	s0 =	sadd.s32 $0x8F2B, s0  }
0xbd: {  	[sflag:s0] =	ssyncadd.remote.s32 $0x1  }
0xbe: {  	_ =	sfence.sel $0xFFFF  }
0xbf: {  	[dreg:$0x0] =	wrdreg $0xFFFFFFFF;
	(pc) =	sbr.abs _section_cstart, $3  }
0xc0: {  	[dreg:$0x1] =	wrdreg $0xFFFFFFFF  }
0xc1: {  	_ =	task.clear_ibuf [dreg:s7], $0x2FFFF;
	_ =	strace $0x9FFFFFFF  }
0xc2: {  	(tm) =	ssettm $0x7FFFFFFF  }
0xc3: {  	_ =	shalt  }
tec
execute0_lowered:
.L_overlay_start_1:
0x0: {  	(tag) =	ssettag $0x1  }
0x1: {  	s1 =	rddreg [dreg:$0x0]  }
0x2: {  	s4 =	rddreg [dreg:$0x1]  }
0x3: {  	s0 =	rddreg [dreg:$0x2]  }
0x4: {  	s3 =	simm.s32 $0x0;
	s5 =	srdreg.scid;
	s2 =	stileid.u32  }
0x5: {  	s9 =	simm.s32 $0x1;
	s10 =	simm.s32 $0x2000;
	s12 =	simm.s32 $0x400  }
0x6: {  	s13 =	simm.s32 $0x0;
	[smem:$0x7FF] =	sst s3;
	s5 =	sand.u32 $0x1, s5  }
0x7: {  	s6 =	sshll.u32 s2, $0xB;
	s7 =	sshll.u32 s2, $0x5;
	_ =	strace $0x80000047  }
0x8: {  	v0 =	vlaneseq.u32;
	s8 =	sshll.u32 s5, $0x4;
	s6 =	sand.u32 $0x6000, s6;
	s5 =	ssub.s32 $0x2, s5  }
0x9: {  	v1 =	vmul.u32 $0x201, v0;
	s11 =	sor.u32 s8, s7;
	s6 =	sadd.s32 s6, s4;
	s29 =	sshrl.u32 s5, $0x1  }
0xa: {  	s4 =	sadd.s32 $0x10, s1;
	s8 =	simm.s32 $0x100;
	s7 =	sand.u32 $0x70, s11  }
0xb: {  	s30 =	ssub.s32 s5, s29;
	v0 =	vmov s11;
	v1 =	vor.u32 s11, v1;
	s11 =	simm.s32 $0x4000;
	s31 =	sadd.s32 s7, s6  }
0xc: {  	v2 =	vimm.f32 $0.0e+00;
	v3 =	vimm.f32 $1.000000000e+00;
	s6 =	smax.u32 s30, $0x1;
	s7 =	simm.s32 $0x80;
	s5 =	sadd.s32 $0xE00, s31  }
.LBB2_1:
0xd: {  	[tilespmem:s3], [sflag:$0x1] =	stream.strided.gather [hbm4b:s1+s7], $0x2000, s8, s7, $0x38;
	[tilespmem:$0x6000] =	vst v63  }
0xe: {  	_ =	swait.ge [sflag:s9], $0x2000  }
0xf: {  	[sflag:s9] =	ssyncset.done $0x0  }
0x10: {  	[sflag:s9] =	ssyncadd.s32 $0xFFFFE000  }
0x11: {  	[tilespmem:s10], [sflag:$0x1] =	stream.strided.gather [hbm4b:s4+s7], $0x2000, s8, s7, $0x38;
	[tilespmem:$0x6000] =	vst v63  }
0x12: {  	_ =	swait.ge [sflag:s9], $0x2000  }
0x13: {  	[sflag:s9] =	ssyncset.done $0x0  }
0x14: {  	s16 =	simm.s32 $0x4040;
	[sflag:s9] =	ssyncadd.s32 $0xFFFFE000  }
0x15: {  	[tilespmem:s16+$0xFFFFFFC0] =	vst v2  }
0x16: {  	[tilespmem:s16+$0x30] =	vst v2  }
0x17: {  	[tilespmem:s16+$0x20] =	vst v2  }
0x18: {  	[tilespmem:s16+$0x10] =	vst v2  }
0x19: {  	[tilespmem:s16+$0x0] =	vst v2  }
0x1a: {  	[tilespmem:s16+$0xFFFFFFF0] =	vst v2  }
0x1b: {  	s17 =	simm.s32 $0x0;
	s15 =	simm.s32 $0x2040;
	[tilespmem:s16+$0xFFFFFFE0] =	vst v2  }
.LBB2_2:
0x1c: {  	s17 =	sadd.s32 $0x8, s17;
	[tilespmem:s16+$0xFFFFFFD0] =	vst v2;
	s16 =	sadd.s32 $0x80, s16;
	s14 =	simm.s32 $0x40  }
0x1d: {  	[tilespmem:s16+$0xFFFFFFC0] =	vst v2;
	p0 =	slt.u32 s17, $0x1F8  }
0x1e: {  	[tilespmem:s16+$0x30] =	vst v2  }
.Ltmp0:
0x1f: {  	[tilespmem:s16+$0x20] =	vst v2;
	(pc) =	sbr.rel @p0 .LBB2_2-.Ltmp0, $4  }
0x20: {  	[tilespmem:s16+$0x10] =	vst v2  }
0x21: {  	[tilespmem:s16+$0x0] =	vst v2  }
0x22: {  	[tilespmem:s16+$0xFFFFFFF0] =	vst v2  }
0x23: {  	[tilespmem:s16+$0xFFFFFFE0] =	vst v2  }
0x24: {  	[tilespmem:s16+$0xFFFFFFD0] =	vst v2  }
0x25: {  	v4 =	vld [tilespmem:s15+$0x30]  }
0x26: {  	v5 =	vld [tilespmem:s15+$0xFFFFFFF0]  }
0x27: {  	v6 =	vld [tilespmem:s15+$0xFFFFFFE0]  }
0x28: {  	v7 =	vld [tilespmem:s15+$0xFFFFFFD0]  }
0x29: {  	v12 =	vld [tilespmem:s15+$0x0]  }
0x2a: {  	v13 =	vld [tilespmem:s15+$0x20];
	_ =	sdelay $0x2  }
0x2b: {  	v9 =	vsub.s32 v4, v0  }
0x2c: {  	v8 =	vld [tilespmem:s15+$0xFFFFFFC0];
	v5 =	vsub.s32 v5, v0;
	v4 =	vsub.s32 v6, v0;
	v7 =	vsub.s32 v7, v0  }
0x2d: {  	v10 =	vld [tilespmem:s14+$0x30];
	v14 =	vsub.s32 v12, v0;
	v19 =	vsub.s32 v13, v0;
	vm0 =	vgt.s32 v9, $0x0  }
0x2e: {  	vm1 =	vgt.s32 v5, $0x0;
	vm2 =	vgt.s32 v7, $0x0;
	vm3 =	vgt.s32 v4, $0x0  }
0x2f: {  	vm4 =	vlt.u32 v9, $0x10;
	vm6 =	vgt.s32 v19, $0x0;
	v11 =	vnsel vm0, $0x0, v9  }
0x30: {  	v15 =	vld [tilespmem:s14+$0xFFFFFFF0];
	vm0 =	vlt.u32 v5, $0x10;
	v9 =	vnsel vm3, $0x0, v4;
	v6 =	vmin.u32 v11, $0xF  }
0x31: {  	v11 =	vnsel vm1, $0x0, v5;
	v5 =	vsub.s32 v8, v0;
	v8 =	vld [tilespmem:s14+$0xFFFFFFD0];
	v6 =	vshll.u32 v6, $0x9  }
0x32: {  	v17 =	vld [tilespmem:s15+$0x10];
	vm1 =	vlt.u32 v7, $0x10;
	v7 =	vnsel vm2, $0x0, v7;
	v16 =	vadd.s32 v10, v6  }
0x33: {  	v13 =	vld [tilespmem:s14+$0xFFFFFFE0];
	vm3 =	vlt.u32 v19, $0x10;
	vm2 =	vgt.s32 v5, $0x0;
	v6 =	vmin.u32 v7, $0xF  }
0x34: {  	v7 =	vmin.u32 v11, $0xF;
	v10 =	vmin.u32 v9, $0xF;
	v9 =	vld [tilespmem:s14+$0xFFFFFFC0];
	v11 =	vnsel vm2, $0x0, v5  }
0x35: {  	vm2 =	vlt.u32 v14, $0x10;
	v6 =	vshll.u32 v6, $0x9;
	v18 =	vshll.u32 v7, $0x9;
	v7 =	vld [tilespmem:s14+$0x10]  }
0x36: {  	v6 =	vadd.s32 v8, v6;
	v8 =	vmin.u32 v11, $0xF;
	v11 =	vshll.u32 v10, $0x9;
	v10 =	vld [tilespmem:s14+$0x20]  }
0x37: {  	v12 =	vshll.u32 v8, $0x9;
	v8 =	vadd.s32 v15, v18;
	[tilespmem:v16+s11+$0x0] =	vst.idx.add.f32.msk vm4, v3;
	v16 =	vsub.s32 v17, v0  }
0x38: {  	s16 =	simm.s32 $0x20C0;
	s15 =	simm.s32 $0x0;
	v15 =	vld [tilespmem:s14+$0x0];
	vm4 =	vgt.s32 v14, $0x0;
	v17 =	vnsel vm6, $0x0, v19;
	vm5 =	vgt.s32 v16, $0x0  }
.LBB2_4:
0x39: {  	v18 =	vld [tilespmem:s16+$0xFFFFFFF0];
	s15 =	sadd.s32 $0x8, s15;
	v14 =	vnsel vm4, $0x0, v14;
	vm4 =	vlt.u32 v16, $0x10;
	v16 =	vnsel vm5, $0x0, v16;
	s14 =	sadd.s32 $0x80, s14  }
0x3a: {  	v9 =	vadd.s32 v9, v12;
	v19 =	vld [tilespmem:s14+$0x30];
	p0 =	slt.u32 s15, $0x1F8;
	v12 =	vmin.u32 v16, $0xF;
	v16 =	vmin.u32 v17, $0xF  }
0x3b: {  	v14 =	vmin.u32 v14, $0xF;
	v17 =	vld [tilespmem:s16+$0xFFFFFFC0];
	v12 =	vshll.u32 v12, $0x9;
	v16 =	vshll.u32 v16, $0x9  }
0x3c: {  	v20 =	vld [tilespmem:s16+$0xFFFFFFD0];
	v11 =	vadd.s32 v13, v11;
	v13 =	vshll.u32 v14, $0x9;
	v7 =	vadd.s32 v7, v12  }
0x3d: {  	v10 =	vadd.s32 v10, v16;
	v12 =	vld [tilespmem:s16+$0x30];
	v13 =	vadd.s32 v15, v13  }
0x3e: {  	vm5 =	vlt.u32 v5, $0x10;
	vm6 =	vlt.u32 v4, $0x10;
	v14 =	vld [tilespmem:s16+$0xFFFFFFE0]  }
0x3f: {  	[tilespmem:v8+s11+$0x0] =	vst.idx.add.f32.msk vm0, v3  }
0x40: {  	[tilespmem:v6+s11+$0x0] =	vst.idx.add.f32.msk vm1, v3  }
0x41: {  	[tilespmem:v7+s11+$0x0] =	vst.idx.add.f32.msk vm4, v3  }
0x42: {  	v6 =	vsub.s32 v12, v0;
	[tilespmem:v10+s11+$0x0] =	vst.idx.add.f32.msk vm3, v3  }
0x43: {  	vm0 =	vgt.s32 v6, $0x0;
	[tilespmem:v13+s11+$0x0] =	vst.idx.add.f32.msk vm2, v3  }
0x44: {  	v5 =	vsub.s32 v18, v0;
	v7 =	vnsel vm0, $0x0, v6;
	[tilespmem:v11+s11+$0x0] =	vst.idx.add.f32.msk vm6, v3  }
0x45: {  	vm1 =	vgt.s32 v5, $0x0;
	v4 =	vsub.s32 v14, v0;
	v7 =	vmin.u32 v7, $0xF;
	[tilespmem:v9+s11+$0x0] =	vst.idx.add.f32.msk vm5, v3  }
0x46: {  	v8 =	vsub.s32 v20, v0;
	vm0 =	vlt.u32 v5, $0x10;
	v9 =	vnsel vm1, $0x0, v5;
	v10 =	vld [tilespmem:s16+$0x0]  }
0x47: {  	vm2 =	vgt.s32 v8, $0x0;
	v5 =	vsub.s32 v17, v0;
	v7 =	vshll.u32 v7, $0x9;
	v11 =	vld [tilespmem:s14+$0xFFFFFFD0]  }
0x48: {  	vm4 =	vlt.u32 v6, $0x10;
	vm3 =	vgt.s32 v4, $0x0;
	vm1 =	vlt.u32 v8, $0x10;
	v12 =	vld [tilespmem:s16+$0x20]  }
0x49: {  	v6 =	vnsel vm2, $0x0, v8;
	v8 =	vnsel vm3, $0x0, v4;
	v15 =	vadd.s32 v19, v7;
	v13 =	vld [tilespmem:s14+$0xFFFFFFF0]  }
0x4a: {  	v6 =	vmin.u32 v6, $0xF;
	vm2 =	vgt.s32 v5, $0x0;
	v7 =	vmin.u32 v9, $0xF;
	v16 =	vld [tilespmem:s16+$0x10]  }
0x4b: {  	v6 =	vshll.u32 v6, $0x9;
	v8 =	vmin.u32 v8, $0xF;
	v17 =	vshll.u32 v7, $0x9;
	v7 =	vld [tilespmem:s14+$0x10]  }
.Ltmp1:
0x4c: {  	v18 =	vnsel vm2, $0x0, v5;
	v14 =	vsub.s32 v10, v0;
	v9 =	vld [tilespmem:s14+$0xFFFFFFC0];
	v6 =	vadd.s32 v11, v6;
	(pc) =	sbr.rel @p0 .LBB2_4-.Ltmp1, $4  }
0x4d: {  	v18 =	vmin.u32 v18, $0xF;
	v11 =	vshll.u32 v8, $0x9;
	v10 =	vld [tilespmem:s14+$0x20];
	v19 =	vsub.s32 v12, v0  }
0x4e: {  	vm2 =	vlt.u32 v14, $0x10;
	v12 =	vshll.u32 v18, $0x9;
	v8 =	vadd.s32 v13, v17;
	[tilespmem:v15+s11+$0x0] =	vst.idx.add.f32.msk vm4, v3  }
0x4f: {  	vm4 =	vgt.s32 v14, $0x0;
	vm6 =	vgt.s32 v19, $0x0;
	v13 =	vld [tilespmem:s14+$0xFFFFFFE0];
	v16 =	vsub.s32 v16, v0  }
0x50: {  	s16 =	sadd.s32 $0x80, s16;
	vm3 =	vlt.u32 v19, $0x10;
	v17 =	vnsel vm6, $0x0, v19;
	v15 =	vld [tilespmem:s14+$0x0];
	vm5 =	vgt.s32 v16, $0x0  }
0x51: {  	v18 =	vnsel vm5, $0x0, v16  }
0x52: {  	vm14 =	vlt.u32 v16, $0x10;
	v17 =	vmin.u32 v17, $0xF;
	vm6 =	vlt.u32 v5, $0x10  }
0x53: {  	v5 =	vadd.s32 v9, v12;
	v63 =	vmin.u32 v18, $0xF;
	v17 =	vshll.u32 v17, $0x9  }
0x54: {  	v14 =	vnsel vm4, $0x0, v14;
	v16 =	vshll.u32 v63, $0x9;
	v10 =	vadd.s32 v10, v17  }
0x55: {  	vm15 =	vlt.u32 v4, $0x10;
	v14 =	vmin.u32 v14, $0xF;
	v7 =	vadd.s32 v7, v16  }
0x56: {  	[tilespmem:v8+s11+$0x0] =	vst.idx.add.f32.msk vm0, v3;
	v14 =	vshll.u32 v14, $0x9;
	v4 =	vadd.s32 v13, v11  }
0x57: {  	[tilespmem:v6+s11+$0x0] =	vst.idx.add.f32.msk vm1, v3;
	v14 =	vadd.s32 v15, v14  }
0x58: {  	[tilespmem:v5+s11+$0x0] =	vst.idx.add.f32.msk vm6, v3  }
0x59: {  	[tilespmem:v10+s11+$0x0] =	vst.idx.add.f32.msk vm3, v3  }
0x5a: {  	[tilespmem:v7+s11+$0x0] =	vst.idx.add.f32.msk vm14, v3  }
0x5b: {  	s13 =	sadd.s32 $0x1, s13;
	[tilespmem:v4+s11+$0x0] =	vst.idx.add.f32.msk vm15, v3  }
0x5c: {  	p0 =	sne.s32 s13, s6;
	[tilespmem:v14+s11+$0x0] =	vst.idx.add.f32.msk vm2, v3  }
.Ltmp2:
0x5d: {  	[tilespmem:v1+s11+$0x0] =	vst.idx.add.f32.msk $0xffff, v3;
	(pc) =	sbr.rel @p0 .LBB2_1-.Ltmp2, $4  }
0x5e: {  	[hbm4b:s5+s7] =	stream.strided.scatter [tilespmem:s11], [sflag:$0x1], $0x2000, s12, s7, $0x38;
	[tilespmem:$0x6000] =	vst v63  }
0x5f: {  	_ =	swait.ge [sflag:s9], $0x2000  }
0x60: {  	[sflag:s9] =	ssyncset.done $0x0  }
0x61: {  	[sflag:s9] =	ssyncadd.s32 $0xFFFFE000  }
0x62: {  	_ =	sfence.sel $0x180000  }
0x63: {  	[bflag:$0x0] =	sbarrier.arrive $0xFFFF  }
0x64: {  	p0 =	sne.s32 s2, $0x0;
	_ =	strace $0x90000047  }
0x65: {  	s0 =	sadd.s32 @!p0 $0x100000, s0;
	[bflag:$0x2] =	sbarrier.arrive $0xFFFF  }
0x66: {  	[sflag:s0] =	ssyncadd.tile.s32 @!p0 $0x1;
	_ =	shalt  }
.Lfunc_end2:
_tile_overlayer_lowered:
.L_overlay_start_2:
0x67: {  	(tag) =	ssettag $0x2  }
0x68: {  	s0 =	rddreg [dreg:$0x0];
	s2 =	stileid.u32  }
0x69: {  	s1 =	rddreg [dreg:$0x1];
	p0 =	sne.s32 s2, $0x0  }
0x6a: {  	s3 =	rddreg [dreg:$0x2];
	[bflag:$0x3] =	sbarrier.arrive $0xFFFF;
	s2 =	simm.s32 @!p0 $0x1C01  }
0x6b: {  	[timem:s3], [sflag:s2] =	dma.local @!p0 [hbm:s0], s1  }
0x6c: {  	s0 =	simm.s32 @!p0 $0x1  }
0x6d: {  	_ =	swait.ge @!p0 [sflag:s0], s1  }
0x6e: {  	s1 =	ssub.s32 @!p0 $0x0, s1;
	[sflag:s0] =	ssyncset.done @!p0 $0x0  }
0x6f: {  	[sflag:s0] =	ssyncadd.s32 @!p0 s1  }
0x70: {  	[bflag:$0x3] =	sbarrier.arrive $0xFFFF  }
0x71: {  	_ =	shalt  }

</sc_bundles>
